<compile_context>
chip_gen: v7x
topology: tpu7x:2x2x1
jax: 0.10.2.dev20260603
libtpu: 0.0.44.dev20260713+nightly
codegen_flags: <defaults>
</compile_context>

<pallas_src>
import jax
import jax.numpy as jnp
from jax import lax
from jax.experimental import pallas as pl
from jax.experimental.pallas import tpu as pltpu
from jax.experimental.pallas import tpu_sc as plsc

N_NODES = 10000
N_EDGES = 320000
D = 128

NC = 2
NS = 16
NW = NC * NS
CHUNK = 128
KDEPTH = 4
NBUF = 2 * KDEPTH
CHUNKS_PER_W = 80
NGRP = CHUNKS_PER_W // KDEPTH
EDGES_PER_W = CHUNKS_PER_W * CHUNK
E_PAD = EDGES_PER_W * NW
ROWS_PER_S = 632
N_PAD = ROWS_PER_S * NS

ROW_BLOCK = 1000


def _make_segsum(with_deg):

    def body(*refs):
        if with_deg:
            (table, src3, dst3, zeros2, zerosv, ones_h,
             psum, pdeg, accum, dega,
             src_v, dst_v, ones_v, deg_v) = refs[:14]
            bufs = refs[14:14 + NBUF]
            sem_ga, sem_gb, sem_sa, sem_sb, sem_d = refs[14 + NBUF:]
        else:
            (table, src3, dst3, zeros2,
             psum, accum,
             src_v, dst_v) = refs[:8]
            bufs = refs[8:8 + NBUF]
            sem_ga, sem_gb, sem_sa, sem_sb = refs[8 + NBUF:]

        c = lax.axis_index("c")
        s = lax.axis_index("s")
        wid = c * NS + s
        row0 = s * ROWS_PER_S

        pltpu.sync_copy(zeros2.at[pl.ds(row0, ROWS_PER_S)],
                        accum.at[pl.ds(row0, ROWS_PER_S)])
        pltpu.sync_copy(src3.at[wid], src_v)
        pltpu.sync_copy(dst3.at[wid], dst_v)
        if with_deg:
            pltpu.sync_copy(zerosv.at[pl.ds(row0, ROWS_PER_S)], deg_v)
            pltpu.sync_copy(deg_v, dega.at[pl.ds(row0, ROWS_PER_S)])
            pltpu.sync_copy(ones_h, ones_v)
        plsc.subcore_barrier()

        set_a, set_b = bufs[:KDEPTH], bufs[KDEPTH:]

        def fire_g(g, bset, sem):
            base = lax.rem(g, NGRP) * KDEPTH
            for t in range(KDEPTH):
                pltpu.async_copy(table.at[src_v.at[base + t]], bset[t], sem)

        def drain_g(bset, sem):
            for t in range(KDEPTH):
                pltpu.make_async_copy(table.at[pl.ds(0, CHUNK)],
                                      bset[t], sem).wait()

        def fire_s(g, bset, sem):
            base = g * KDEPTH
            for t in range(KDEPTH):
                pltpu.async_copy(bset[t], accum.at[dst_v.at[base + t]],
                                 sem, add=True)
            if with_deg:
                for t in range(KDEPTH):
                    pltpu.async_copy(ones_v, dega.at[dst_v.at[base + t]],
                                     sem_d, add=True)

        def drain_s(bset, sem):
            for t in range(KDEPTH):
                pltpu.make_async_copy(bset[t], accum.at[dst_v.at[0]],
                                      sem).wait()

        fire_g(0, set_a, sem_ga)
        drain_g(set_a, sem_ga)
        fire_s(0, set_a, sem_sa)
        fire_g(1, set_b, sem_gb)
        drain_g(set_b, sem_gb)
        fire_s(1, set_b, sem_sb)
        drain_s(set_a, sem_sa)
        fire_g(2, set_a, sem_ga)

        def pair_body(i, carry):
            g = 2 * i
            drain_g(set_a, sem_ga)
            fire_s(g, set_a, sem_sa)
            drain_s(set_b, sem_sb)
            fire_g(g + 1, set_b, sem_gb)
            drain_g(set_b, sem_gb)
            fire_s(g + 1, set_b, sem_sb)
            drain_s(set_a, sem_sa)
            fire_g(g + 2, set_a, sem_ga)
            return carry

        lax.fori_loop(1, NGRP // 2, pair_body, 0)
        drain_g(set_a, sem_ga)
        drain_s(set_b, sem_sb)
        if with_deg:
            def deg_drain(i, carry):
                pltpu.make_async_copy(ones_v, dega.at[dst_v.at[0]],
                                      sem_d).wait()
                return carry
            lax.fori_loop(0, CHUNKS_PER_W, deg_drain, 0)
        plsc.subcore_barrier()

        pltpu.sync_copy(accum.at[pl.ds(row0, ROWS_PER_S)],
                        psum.at[c, pl.ds(row0, ROWS_PER_S)])
        if with_deg:
            pltpu.sync_copy(dega.at[pl.ds(row0, ROWS_PER_S)], deg_v)
            pltpu.sync_copy(deg_v,
                            pdeg.at[pl.ds(c * N_PAD + row0, ROWS_PER_S)])

    out_type = [jax.ShapeDtypeStruct((NC, N_PAD, D), jnp.bfloat16)]
    scratch = [
        pltpu.VMEM_SHARED((N_PAD, D), jnp.bfloat16),
    ]
    if with_deg:
        out_type.append(jax.ShapeDtypeStruct((NC * N_PAD,), jnp.float32))
        scratch.append(pltpu.VMEM_SHARED((N_PAD,), jnp.float32))
    scratch += [
        pltpu.VMEM((CHUNKS_PER_W, CHUNK), jnp.int32),
        pltpu.VMEM((CHUNKS_PER_W, CHUNK), jnp.int32),
    ]
    if with_deg:
        scratch += [
            pltpu.VMEM((CHUNK,), jnp.float32),
            pltpu.VMEM((ROWS_PER_S,), jnp.float32),
        ]
    scratch += [pltpu.VMEM((CHUNK, D), jnp.bfloat16) for _ in range(NBUF)]
    scratch += [pltpu.SemaphoreType.DMA] * 4
    if with_deg:
        scratch.append(pltpu.SemaphoreType.DMA)

    return pl.kernel(
        body,
        mesh=plsc.VectorSubcoreMesh(core_axis_name="c", subcore_axis_name="s"),
        out_type=tuple(out_type) if with_deg else out_type[0],
        scratch_types=scratch,
        compiler_params=pltpu.CompilerParams(use_tc_tiling_on_sc=False),
    )


_segsum_deg = _make_segsum(True)
_segsum_nodeg = _make_segsum(False)


def _dense1_body(p0, p1, d0, d1, x, WlT, WrT, b, out):
    deg = jnp.maximum(d0[...] + d1[...], 1.0)
    agg = (p0[...].astype(jnp.float32) + p1[...].astype(jnp.float32)) / deg
    h = (jnp.dot(agg, WlT[...], preferred_element_type=jnp.float32)
         + jnp.dot(x[...], WrT[...], preferred_element_type=jnp.float32)
         + b[...])
    out[...] = jnp.maximum(h, 0.0)


def _dense2_body(p0, p1, d0, d1, x, WlT, WrT, b, WoT, bo, out):
    deg = jnp.maximum(d0[...] + d1[...], 1.0)
    agg = (p0[...].astype(jnp.float32) + p1[...].astype(jnp.float32)) / deg
    h = (jnp.dot(agg, WlT[...], preferred_element_type=jnp.float32)
         + jnp.dot(x[...], WrT[...], preferred_element_type=jnp.float32)
         + b[...])
    h = jnp.maximum(h, 0.0)
    out[...] = jnp.dot(h, WoT[...], preferred_element_type=jnp.float32) + bo[...]


def _row_specs():
    blk = lambda i: (i, 0)
    full = lambda i: (0, 0)
    return [
        pl.BlockSpec((ROW_BLOCK, D), blk),
        pl.BlockSpec((ROW_BLOCK, D), blk),
        pl.BlockSpec((ROW_BLOCK, 1), blk),
        pl.BlockSpec((ROW_BLOCK, 1), blk),
        pl.BlockSpec((ROW_BLOCK, D), blk),
        pl.BlockSpec((D, D), full),
        pl.BlockSpec((D, D), full),
        pl.BlockSpec((1, D), full),
    ]


def _dense1(p0, p1, d0, d1, x, WlT, WrT, b):
    grid = N_NODES // ROW_BLOCK
    return pl.pallas_call(
        _dense1_body,
        grid=(grid,),
        in_specs=_row_specs(),
        out_specs=pl.BlockSpec((ROW_BLOCK, D), lambda i: (i, 0)),
        out_shape=jax.ShapeDtypeStruct((N_NODES, D), jnp.float32),
    )(p0, p1, d0, d1, x, WlT, WrT, b)


def _dense2(p0, p1, d0, d1, x, WlT, WrT, b, WoT, bo):
    grid = N_NODES // ROW_BLOCK
    n_out = WoT.shape[1]
    in_specs = _row_specs() + [
        pl.BlockSpec((D, n_out), lambda i: (0, 0)),
        pl.BlockSpec((1, n_out), lambda i: (0, 0)),
    ]
    return pl.pallas_call(
        _dense2_body,
        grid=(grid,),
        in_specs=in_specs,
        out_specs=pl.BlockSpec((ROW_BLOCK, n_out), lambda i: (i, 0)),
        out_shape=jax.ShapeDtypeStruct((N_NODES, n_out), jnp.float32),
    )(p0, p1, d0, d1, x, WlT, WrT, b, WoT, bo)


def kernel(x, edge_index, W1l, b1, W1r, W2l, b2, W2r, Wlin, blin):
    ei = edge_index.astype(jnp.int32)
    pad = E_PAD - N_EDGES
    src = jnp.concatenate([ei[0], jnp.zeros((pad,), jnp.int32)])
    dst = jnp.concatenate([ei[1], jnp.full((pad,), N_NODES, jnp.int32)])
    src3 = src.reshape(NW, CHUNKS_PER_W, CHUNK)
    dst3 = dst.reshape(NW, CHUNKS_PER_W, CHUNK)
    zeros2 = jnp.zeros((N_PAD, D), jnp.bfloat16)
    zerosv = jnp.zeros((N_PAD,), jnp.float32)
    ones_h = jnp.ones((CHUNK,), jnp.float32)

    psum1, pdeg = _segsum_deg(x.astype(jnp.bfloat16), src3, dst3,
                              zeros2, zerosv, ones_h)
    pdeg = pdeg.reshape(NC, N_PAD)
    d0 = pdeg[0][:, None]
    d1 = pdeg[1][:, None]
    h1 = _dense1(psum1[0], psum1[1], d0, d1, x,
                 W1l.T, W1r.T, b1[None, :])

    psum2 = _segsum_nodeg(h1.astype(jnp.bfloat16), src3, dst3, zeros2)
    out = _dense2(psum2[0], psum2[1], d0, d1, h1,
                  W2l.T, W2r.T, b2[None, :], Wlin.T, blin[None, :])
    return out

# --- scband reference (transcript-rebuilt; emitter-appended) ---
"""Pipeline reference for scband-graph-sageregressor-37847251812924 (READ-ONLY COPY).

The authoritative reference and input builder live on the scoring server;
editing this copy changes nothing except your own understanding.
"""

import jax, jax.numpy as jnp
import numpy as np

N_NODES = 10000
N_EDGES = 320000
D_IN = 128
D_HID = 128
D_OUT = 13

def setup_inputs(seed: int = 0) -> dict:
    key = jax.random.key(seed)
    ks = jax.random.split(key, 12)
    x = jax.random.normal(ks[0], (N_NODES, D_IN), dtype=jnp.float32)
    edge_index = jax.random.randint(ks[1], (2, N_EDGES), 0, N_NODES, dtype=jnp.int64)
    s1 = 1.0 / np.sqrt(D_IN)
    s2 = 1.0 / np.sqrt(D_HID)
    W1l = jax.random.uniform(ks[2], (D_HID, D_IN), jnp.float32, -s1, s1)
    b1 = jax.random.uniform(ks[3], (D_HID,), jnp.float32, -s1, s1)
    W1r = jax.random.uniform(ks[4], (D_HID, D_IN), jnp.float32, -s1, s1)
    W2l = jax.random.uniform(ks[5], (D_HID, D_HID), jnp.float32, -s2, s2)
    b2 = jax.random.uniform(ks[6], (D_HID,), jnp.float32, -s2, s2)
    W2r = jax.random.uniform(ks[7], (D_HID, D_HID), jnp.float32, -s2, s2)
    Wlin = jax.random.uniform(ks[8], (D_OUT, D_HID), jnp.float32, -s2, s2)
    blin = jax.random.uniform(ks[9], (D_OUT,), jnp.float32, -s2, s2)
    return {"x": x, "edge_index": edge_index, "W1l": W1l, "b1": b1, "W1r": W1r, "W2l": W2l, "b2": b2, "W2r": W2r, "Wlin": Wlin, "blin": blin}

def _sage_conv(x, edge_index, Wl, bl, Wr):
    # PyG SAGEConv, aggr='mean', root_weight=True, bias in lin_l
    src = edge_index[0]
    dst = edge_index[1]
    msgs = jnp.take(x, src, axis=0)
    agg_sum = jax.ops.segment_sum(msgs, dst, num_segments=N_NODES)
    deg = jax.ops.segment_sum(jnp.ones((edge_index.shape[1],), dtype=x.dtype), dst, num_segments=N_NODES)
    agg = agg_sum / jnp.clip(deg, 1.0)[:, None]
    return agg @ Wl.T + bl + x @ Wr.T

def reference(x, edge_index, W1l, b1, W1r, W2l, b2, W2r, Wlin, blin):
    h = jax.nn.relu(_sage_conv(x, edge_index, W1l, b1, W1r))
    h = jax.nn.relu(_sage_conv(h, edge_index, W2l, b2, W2r))
    # dropout is identity in eval mode
    return h @ Wlin.T + blin

if __name__ == "__main__":
    import jax
    _d = setup_inputs()
    print(jax.jit(kernel)(*tuple(_d.values())))

</pallas_src>

<mosaic_0001>
#map = affine_map<(d0, d1) -> (0, 0)>
#map1 = affine_map<(d0, d1) -> (0, 0, 0)>
module attributes {stable_mosaic.version = 14 : i64} {
  func.func @body(%arg0: i32, %arg1: i32, %arg2: memref<10000x128xbf16, #tpu.memory_space<hbm>>, %arg3: memref<32x80x128xi32, #tpu.memory_space<hbm>>, %arg4: memref<32x80x128xi32, #tpu.memory_space<hbm>>, %arg5: memref<10112x128xbf16, #tpu.memory_space<hbm>>, %arg6: memref<2x10112x128xbf16, #tpu.memory_space<hbm>>, %arg7: memref<10112x128xbf16, #tpu.memory_space<vmem_shared>>, %arg8: memref<80x128xi32, #tpu.memory_space<vmem>>, %arg9: memref<80x128xi32, #tpu.memory_space<vmem>>, %arg10: memref<128x128xbf16, #tpu.memory_space<vmem>>, %arg11: memref<128x128xbf16, #tpu.memory_space<vmem>>, %arg12: memref<128x128xbf16, #tpu.memory_space<vmem>>, %arg13: memref<128x128xbf16, #tpu.memory_space<vmem>>, %arg14: memref<128x128xbf16, #tpu.memory_space<vmem>>, %arg15: memref<128x128xbf16, #tpu.memory_space<vmem>>, %arg16: memref<128x128xbf16, #tpu.memory_space<vmem>>, %arg17: memref<128x128xbf16, #tpu.memory_space<vmem>>, %arg18: memref<!tpu.dma_semaphore, #tpu.memory_space<semaphore_mem>>, %arg19: memref<!tpu.dma_semaphore, #tpu.memory_space<semaphore_mem>>, %arg20: memref<!tpu.dma_semaphore, #tpu.memory_space<semaphore_mem>>, %arg21: memref<!tpu.dma_semaphore, #tpu.memory_space<semaphore_mem>>) attributes {dimension_semantics = [#tpu.dimension_semantics<core_parallel>, #tpu.dimension_semantics<subcore_parallel>], iteration_bounds = array<i64: 2, 16>, scalar_prefetch = 0 : i64, scratch_operands = 15 : i64, tpu.core_type = #tpu.core_type<sc_vector_subcore>, window_params = [{transform_indices = #map}, {transform_indices = #map1}, {transform_indices = #map1}, {transform_indices = #map}, {transform_indices = #map1}]} {
    %mul3A = arith.constant 16 : i32
    %mul3A_0 = arith.muli %arg0, %mul3A : i32
    %add3A = arith.addi %mul3A_0, %arg1 : i32
    %mul3A_1 = arith.constant 632 : i32
    %mul3A_2 = arith.muli %arg1, %mul3A_1 : i32
    "tpu.region"() ({
      %run_scoped3A = tpu.sem_alloc : memref<!tpu.dma_semaphore, #tpu.memory_space<semaphore_mem>>
      %dma_start3A_301 = arith.constant 0 : i32
      %dma_start3A_302 = tpu.memref_slice %arg7[%mul3A_2, %dma_start3A_301] : memref<10112x128xbf16, #tpu.memory_space<vmem_shared>> -> memref<632x128xbf16, #tpu.memory_space<vmem_shared>>
      %dma_start3A_303 = arith.constant 0 : i32
      %dma_start3A_304 = tpu.memref_slice %arg5[%mul3A_2, %dma_start3A_303] : memref<10112x128xbf16, #tpu.memory_space<hbm>> -> memref<632x128xbf16, #tpu.memory_space<hbm>>
      tpu.enqueue_dma source(%dma_start3A_304 : memref<632x128xbf16, #tpu.memory_space<hbm>>) target(%dma_start3A_302 : memref<632x128xbf16, #tpu.memory_space<vmem_shared>>) target_semaphore(%run_scoped3A : memref<!tpu.dma_semaphore, #tpu.memory_space<semaphore_mem>>)
      %dma_wait3A_305 = arith.constant 0 : i32
      %dma_wait3A_306 = tpu.memref_slice %arg7[%mul3A_2, %dma_wait3A_305] : memref<10112x128xbf16, #tpu.memory_space<vmem_shared>> -> memref<632x128xbf16, #tpu.memory_space<vmem_shared>>
      %dma_wait3A_307 = arith.constant 0 : i32
      %dma_wait3A_308 = tpu.memref_slice %arg5[%mul3A_2, %dma_wait3A_307] : memref<10112x128xbf16, #tpu.memory_space<hbm>> -> memref<632x128xbf16, #tpu.memory_space<hbm>>
      tpu.wait_dma2 semaphore(%run_scoped3A : memref<!tpu.dma_semaphore, #tpu.memory_space<semaphore_mem>>) src(%dma_wait3A_308 : memref<632x128xbf16, #tpu.memory_space<hbm>>) dst(%dma_wait3A_306 : memref<632x128xbf16, #tpu.memory_space<vmem_shared>>)
      tpu.yield
    }) : () -> ()
    "tpu.region"() ({
      %run_scoped3A = tpu.sem_alloc : memref<!tpu.dma_semaphore, #tpu.memory_space<semaphore_mem>>
      %dma_start3A_301 = arith.constant 0 : i32
      %dma_start3A_302 = arith.constant 0 : i32
      %dma_start3A_303 = tpu.memref_slice %arg3[%add3A, %dma_start3A_301, %dma_start3A_302] : memref<32x80x128xi32, #tpu.memory_space<hbm>> -> memref<1x80x128xi32, #tpu.memory_space<hbm>>
      %dma_start3A_304 = tpu.memref_squeeze %dma_start3A_303 : memref<1x80x128xi32, #tpu.memory_space<hbm>> -> memref<80x128xi32, #tpu.memory_space<hbm>>
      %dma_start3A_305 = arith.constant 0 : i32
      %dma_start3A_306 = arith.constant 0 : i32
      %dma_start3A_307 = tpu.memref_slice %arg3[%add3A, %dma_start3A_305, %dma_start3A_306] : memref<32x80x128xi32, #tpu.memory_space<hbm>> -> memref<1x80x128xi32, #tpu.memory_space<hbm>>
      %dma_start3A_308 = tpu.memref_squeeze %dma_start3A_307 : memref<1x80x128xi32, #tpu.memory_space<hbm>> -> memref<80x128xi32, #tpu.memory_space<hbm>>
      tpu.enqueue_dma source(%dma_start3A_308 : memref<80x128xi32, #tpu.memory_space<hbm>>) target(%arg8 : memref<80x128xi32, #tpu.memory_space<vmem>>) target_semaphore(%run_scoped3A : memref<!tpu.dma_semaphore, #tpu.memory_space<semaphore_mem>>)
      %dma_wait3A_309 = arith.constant 0 : i32
      %dma_wait3A_310 = arith.constant 0 : i32
      %dma_wait3A_311 = tpu.memref_slice %arg3[%add3A, %dma_wait3A_309, %dma_wait3A_310] : memref<32x80x128xi32, #tpu.memory_space<hbm>> -> memref<1x80x128xi32, #tpu.memory_space<hbm>>
      %dma_wait3A_312 = tpu.memref_squeeze %dma_wait3A_311 : memref<1x80x128xi32, #tpu.memory_space<hbm>> -> memref<80x128xi32, #tpu.memory_space<hbm>>
      %dma_wait3A_313 = arith.constant 0 : i32
      %dma_wait3A_314 = arith.constant 0 : i32
      %dma_wait3A_315 = tpu.memref_slice %arg3[%add3A, %dma_wait3A_313, %dma_wait3A_314] : memref<32x80x128xi32, #tpu.memory_space<hbm>> -> memref<1x80x128xi32, #tpu.memory_space<hbm>>
      %dma_wait3A_316 = tpu.memref_squeeze %dma_wait3A_315 : memref<1x80x128xi32, #tpu.memory_space<hbm>> -> memref<80x128xi32, #tpu.memory_space<hbm>>
      tpu.wait_dma2 semaphore(%run_scoped3A : memref<!tpu.dma_semaphore, #tpu.memory_space<semaphore_mem>>) src(%dma_wait3A_316 : memref<80x128xi32, #tpu.memory_space<hbm>>) dst(%arg8 : memref<80x128xi32, #tpu.memory_space<vmem>>)
      tpu.yield
    }) : () -> ()
    "tpu.region"() ({
      %run_scoped3A = tpu.sem_alloc : memref<!tpu.dma_semaphore, #tpu.memory_space<semaphore_mem>>
      %dma_start3A_301 = arith.constant 0 : i32
      %dma_start3A_302 = arith.constant 0 : i32
      %dma_start3A_303 = tpu.memref_slice %arg4[%add3A, %dma_start3A_301, %dma_start3A_302] : memref<32x80x128xi32, #tpu.memory_space<hbm>> -> memref<1x80x128xi32, #tpu.memory_space<hbm>>
      %dma_start3A_304 = tpu.memref_squeeze %dma_start3A_303 : memref<1x80x128xi32, #tpu.memory_space<hbm>> -> memref<80x128xi32, #tpu.memory_space<hbm>>
      %dma_start3A_305 = arith.constant 0 : i32
      %dma_start3A_306 = arith.constant 0 : i32
      %dma_start3A_307 = tpu.memref_slice %arg4[%add3A, %dma_start3A_305, %dma_start3A_306] : memref<32x80x128xi32, #tpu.memory_space<hbm>> -> memref<1x80x128xi32, #tpu.memory_space<hbm>>
      %dma_start3A_308 = tpu.memref_squeeze %dma_start3A_307 : memref<1x80x128xi32, #tpu.memory_space<hbm>> -> memref<80x128xi32, #tpu.memory_space<hbm>>
      tpu.enqueue_dma source(%dma_start3A_308 : memref<80x128xi32, #tpu.memory_space<hbm>>) target(%arg9 : memref<80x128xi32, #tpu.memory_space<vmem>>) target_semaphore(%run_scoped3A : memref<!tpu.dma_semaphore, #tpu.memory_space<semaphore_mem>>)
      %dma_wait3A_309 = arith.constant 0 : i32
      %dma_wait3A_310 = arith.constant 0 : i32
      %dma_wait3A_311 = tpu.memref_slice %arg4[%add3A, %dma_wait3A_309, %dma_wait3A_310] : memref<32x80x128xi32, #tpu.memory_space<hbm>> -> memref<1x80x128xi32, #tpu.memory_space<hbm>>
      %dma_wait3A_312 = tpu.memref_squeeze %dma_wait3A_311 : memref<1x80x128xi32, #tpu.memory_space<hbm>> -> memref<80x128xi32, #tpu.memory_space<hbm>>
      %dma_wait3A_313 = arith.constant 0 : i32
      %dma_wait3A_314 = arith.constant 0 : i32
      %dma_wait3A_315 = tpu.memref_slice %arg4[%add3A, %dma_wait3A_313, %dma_wait3A_314] : memref<32x80x128xi32, #tpu.memory_space<hbm>> -> memref<1x80x128xi32, #tpu.memory_space<hbm>>
      %dma_wait3A_316 = tpu.memref_squeeze %dma_wait3A_315 : memref<1x80x128xi32, #tpu.memory_space<hbm>> -> memref<80x128xi32, #tpu.memory_space<hbm>>
      tpu.wait_dma2 semaphore(%run_scoped3A : memref<!tpu.dma_semaphore, #tpu.memory_space<semaphore_mem>>) src(%dma_wait3A_316 : memref<80x128xi32, #tpu.memory_space<hbm>>) dst(%arg9 : memref<80x128xi32, #tpu.memory_space<vmem>>)
      tpu.yield
    }) : () -> ()
    %barrier3A = arith.constant 0 : index
    tpu.barrier barrier_id(%barrier3A)
    %rem3A = arith.constant 0 : i32
    %rem3A_3 = arith.constant 20 : i32
    %rem3A_4 = arith.remsi %rem3A, %rem3A_3 : i32
    %mul3A_5 = arith.constant 4 : i32
    %mul3A_6 = arith.muli %rem3A_4, %mul3A_5 : i32
    %add3A_7 = arith.constant 0 : i32
    %add3A_8 = arith.addi %mul3A_6, %add3A_7 : i32
    %dma_start3A = arith.constant 0 : i32
    %dma_start3A_9 = tpu.memref_slice %arg8[%add3A_8, %dma_start3A] : memref<80x128xi32, #tpu.memory_space<vmem>> -> memref<1x128xi32, #tpu.memory_space<vmem>>
    %dma_start3A_10 = tpu.memref_squeeze %dma_start3A_9 : memref<1x128xi32, #tpu.memory_space<vmem>> -> memref<128xi32, #tpu.memory_space<vmem>>
    %dma_start3A_11 = arith.constant 0 : i32
    %dma_start3A_12 = arith.constant 0 : i32
    %dma_start3A_13 = tpu.memref_slice %arg2[%dma_start3A_11, %dma_start3A_12] : memref<10000x128xbf16, #tpu.memory_space<hbm>> -> memref<10000x128xbf16, #tpu.memory_space<hbm>>
    tpu.enqueue_indirect_dma source(%dma_start3A_13 : memref<10000x128xbf16, #tpu.memory_space<hbm>>) target(%arg10 : memref<128x128xbf16, #tpu.memory_space<vmem>>) offsets(%dma_start3A_10 : memref<128xi32, #tpu.memory_space<vmem>>) semaphore(%arg18 : memref<!tpu.dma_semaphore, #tpu.memory_space<semaphore_mem>>)
    %add3A_14 = arith.constant 1 : i32
    %add3A_15 = arith.addi %mul3A_6, %add3A_14 : i32
    %dma_start3A_16 = arith.constant 0 : i32
    %dma_start3A_17 = tpu.memref_slice %arg8[%add3A_15, %dma_start3A_16] : memref<80x128xi32, #tpu.memory_space<vmem>> -> memref<1x128xi32, #tpu.memory_space<vmem>>
    %dma_start3A_18 = tpu.memref_squeeze %dma_start3A_17 : memref<1x128xi32, #tpu.memory_space<vmem>> -> memref<128xi32, #tpu.memory_space<vmem>>
    %dma_start3A_19 = arith.constant 0 : i32
    %dma_start3A_20 = arith.constant 0 : i32
    %dma_start3A_21 = tpu.memref_slice %arg2[%dma_start3A_19, %dma_start3A_20] : memref<10000x128xbf16, #tpu.memory_space<hbm>> -> memref<10000x128xbf16, #tpu.memory_space<hbm>>
    tpu.enqueue_indirect_dma source(%dma_start3A_21 : memref<10000x128xbf16, #tpu.memory_space<hbm>>) target(%arg11 : memref<128x128xbf16, #tpu.memory_space<vmem>>) offsets(%dma_start3A_18 : memref<128xi32, #tpu.memory_space<vmem>>) semaphore(%arg18 : memref<!tpu.dma_semaphore, #tpu.memory_space<semaphore_mem>>)
    %add3A_22 = arith.constant 2 : i32
    %add3A_23 = arith.addi %mul3A_6, %add3A_22 : i32
    %dma_start3A_24 = arith.constant 0 : i32
    %dma_start3A_25 = tpu.memref_slice %arg8[%add3A_23, %dma_start3A_24] : memref<80x128xi32, #tpu.memory_space<vmem>> -> memref<1x128xi32, #tpu.memory_space<vmem>>
    %dma_start3A_26 = tpu.memref_squeeze %dma_start3A_25 : memref<1x128xi32, #tpu.memory_space<vmem>> -> memref<128xi32, #tpu.memory_space<vmem>>
    %dma_start3A_27 = arith.constant 0 : i32
    %dma_start3A_28 = arith.constant 0 : i32
    %dma_start3A_29 = tpu.memref_slice %arg2[%dma_start3A_27, %dma_start3A_28] : memref<10000x128xbf16, #tpu.memory_space<hbm>> -> memref<10000x128xbf16, #tpu.memory_space<hbm>>
    tpu.enqueue_indirect_dma source(%dma_start3A_29 : memref<10000x128xbf16, #tpu.memory_space<hbm>>) target(%arg12 : memref<128x128xbf16, #tpu.memory_space<vmem>>) offsets(%dma_start3A_26 : memref<128xi32, #tpu.memory_space<vmem>>) semaphore(%arg18 : memref<!tpu.dma_semaphore, #tpu.memory_space<semaphore_mem>>)
    %add3A_30 = arith.constant 3 : i32
    %add3A_31 = arith.addi %mul3A_6, %add3A_30 : i32
    %dma_start3A_32 = arith.constant 0 : i32
    %dma_start3A_33 = tpu.memref_slice %arg8[%add3A_31, %dma_start3A_32] : memref<80x128xi32, #tpu.memory_space<vmem>> -> memref<1x128xi32, #tpu.memory_space<vmem>>
    %dma_start3A_34 = tpu.memref_squeeze %dma_start3A_33 : memref<1x128xi32, #tpu.memory_space<vmem>> -> memref<128xi32, #tpu.memory_space<vmem>>
    %dma_start3A_35 = arith.constant 0 : i32
    %dma_start3A_36 = arith.constant 0 : i32
    %dma_start3A_37 = tpu.memref_slice %arg2[%dma_start3A_35, %dma_start3A_36] : memref<10000x128xbf16, #tpu.memory_space<hbm>> -> memref<10000x128xbf16, #tpu.memory_space<hbm>>
    tpu.enqueue_indirect_dma source(%dma_start3A_37 : memref<10000x128xbf16, #tpu.memory_space<hbm>>) target(%arg13 : memref<128x128xbf16, #tpu.memory_space<vmem>>) offsets(%dma_start3A_34 : memref<128xi32, #tpu.memory_space<vmem>>) semaphore(%arg18 : memref<!tpu.dma_semaphore, #tpu.memory_space<semaphore_mem>>)
    %dma_wait3A = arith.constant 0 : i32
    %dma_wait3A_38 = arith.constant 0 : i32
    %dma_wait3A_39 = tpu.memref_slice %arg2[%dma_wait3A, %dma_wait3A_38] : memref<10000x128xbf16, #tpu.memory_space<hbm>> -> memref<128x128xbf16, #tpu.memory_space<hbm>>
    %dma_wait3A_40 = arith.constant 0 : i32
    %dma_wait3A_41 = arith.constant 0 : i32
    %dma_wait3A_42 = tpu.memref_slice %arg2[%dma_wait3A_40, %dma_wait3A_41] : memref<10000x128xbf16, #tpu.memory_space<hbm>> -> memref<128x128xbf16, #tpu.memory_space<hbm>>
    tpu.wait_dma2 semaphore(%arg18 : memref<!tpu.dma_semaphore, #tpu.memory_space<semaphore_mem>>) src(%dma_wait3A_42 : memref<128x128xbf16, #tpu.memory_space<hbm>>) dst(%arg10 : memref<128x128xbf16, #tpu.memory_space<vmem>>)
    %dma_wait3A_43 = arith.constant 0 : i32
    %dma_wait3A_44 = arith.constant 0 : i32
    %dma_wait3A_45 = tpu.memref_slice %arg2[%dma_wait3A_43, %dma_wait3A_44] : memref<10000x128xbf16, #tpu.memory_space<hbm>> -> memref<128x128xbf16, #tpu.memory_space<hbm>>
    %dma_wait3A_46 = arith.constant 0 : i32
    %dma_wait3A_47 = arith.constant 0 : i32
    %dma_wait3A_48 = tpu.memref_slice %arg2[%dma_wait3A_46, %dma_wait3A_47] : memref<10000x128xbf16, #tpu.memory_space<hbm>> -> memref<128x128xbf16, #tpu.memory_space<hbm>>
    tpu.wait_dma2 semaphore(%arg18 : memref<!tpu.dma_semaphore, #tpu.memory_space<semaphore_mem>>) src(%dma_wait3A_48 : memref<128x128xbf16, #tpu.memory_space<hbm>>) dst(%arg11 : memref<128x128xbf16, #tpu.memory_space<vmem>>)
    %dma_wait3A_49 = arith.constant 0 : i32
    %dma_wait3A_50 = arith.constant 0 : i32
    %dma_wait3A_51 = tpu.memref_slice %arg2[%dma_wait3A_49, %dma_wait3A_50] : memref<10000x128xbf16, #tpu.memory_space<hbm>> -> memref<128x128xbf16, #tpu.memory_space<hbm>>
    %dma_wait3A_52 = arith.constant 0 : i32
    %dma_wait3A_53 = arith.constant 0 : i32
    %dma_wait3A_54 = tpu.memref_slice %arg2[%dma_wait3A_52, %dma_wait3A_53] : memref<10000x128xbf16, #tpu.memory_space<hbm>> -> memref<128x128xbf16, #tpu.memory_space<hbm>>
    tpu.wait_dma2 semaphore(%arg18 : memref<!tpu.dma_semaphore, #tpu.memory_space<semaphore_mem>>) src(%dma_wait3A_54 : memref<128x128xbf16, #tpu.memory_space<hbm>>) dst(%arg12 : memref<128x128xbf16, #tpu.memory_space<vmem>>)
    %dma_wait3A_55 = arith.constant 0 : i32
    %dma_wait3A_56 = arith.constant 0 : i32
    %dma_wait3A_57 = tpu.memref_slice %arg2[%dma_wait3A_55, %dma_wait3A_56] : memref<10000x128xbf16, #tpu.memory_space<hbm>> -> memref<128x128xbf16, #tpu.memory_space<hbm>>
    %dma_wait3A_58 = arith.constant 0 : i32
    %dma_wait3A_59 = arith.constant 0 : i32
    %dma_wait3A_60 = tpu.memref_slice %arg2[%dma_wait3A_58, %dma_wait3A_59] : memref<10000x128xbf16, #tpu.memory_space<hbm>> -> memref<128x128xbf16, #tpu.memory_space<hbm>>
    tpu.wait_dma2 semaphore(%arg18 : memref<!tpu.dma_semaphore, #tpu.memory_space<semaphore_mem>>) src(%dma_wait3A_60 : memref<128x128xbf16, #tpu.memory_space<hbm>>) dst(%arg13 : memref<128x128xbf16, #tpu.memory_space<vmem>>)
    %dma_start3A_61 = arith.constant 0 : i32
    %dma_start3A_62 = arith.constant 0 : i32
    %dma_start3A_63 = tpu.memref_slice %arg9[%dma_start3A_61, %dma_start3A_62] : memref<80x128xi32, #tpu.memory_space<vmem>> -> memref<1x128xi32, #tpu.memory_space<vmem>>
    %dma_start3A_64 = tpu.memref_squeeze %dma_start3A_63 : memref<1x128xi32, #tpu.memory_space<vmem>> -> memref<128xi32, #tpu.memory_space<vmem>>
    %dma_start3A_65 = arith.constant 0 : i32
    %dma_start3A_66 = arith.constant 0 : i32
    %dma_start3A_67 = tpu.memref_slice %arg7[%dma_start3A_65, %dma_start3A_66] : memref<10112x128xbf16, #tpu.memory_space<vmem_shared>> -> memref<10112x128xbf16, #tpu.memory_space<vmem_shared>>
    tpu.enqueue_indirect_dma source(%arg10 : memref<128x128xbf16, #tpu.memory_space<vmem>>) target(%dma_start3A_67 : memref<10112x128xbf16, #tpu.memory_space<vmem_shared>>) offsets(%dma_start3A_64 : memref<128xi32, #tpu.memory_space<vmem>>) semaphore(%arg20 : memref<!tpu.dma_semaphore, #tpu.memory_space<semaphore_mem>>) {add = true}
    %dma_start3A_68 = arith.constant 1 : i32
    %dma_start3A_69 = arith.constant 0 : i32
    %dma_start3A_70 = tpu.memref_slice %arg9[%dma_start3A_68, %dma_start3A_69] : memref<80x128xi32, #tpu.memory_space<vmem>> -> memref<1x128xi32, #tpu.memory_space<vmem>>
    %dma_start3A_71 = tpu.memref_squeeze %dma_start3A_70 : memref<1x128xi32, #tpu.memory_space<vmem>> -> memref<128xi32, #tpu.memory_space<vmem>>
    %dma_start3A_72 = arith.constant 0 : i32
    %dma_start3A_73 = arith.constant 0 : i32
    %dma_start3A_74 = tpu.memref_slice %arg7[%dma_start3A_72, %dma_start3A_73] : memref<10112x128xbf16, #tpu.memory_space<vmem_shared>> -> memref<10112x128xbf16, #tpu.memory_space<vmem_shared>>
    tpu.enqueue_indirect_dma source(%arg11 : memref<128x128xbf16, #tpu.memory_space<vmem>>) target(%dma_start3A_74 : memref<10112x128xbf16, #tpu.memory_space<vmem_shared>>) offsets(%dma_start3A_71 : memref<128xi32, #tpu.memory_space<vmem>>) semaphore(%arg20 : memref<!tpu.dma_semaphore, #tpu.memory_space<semaphore_mem>>) {add = true}
    %dma_start3A_75 = arith.constant 2 : i32
    %dma_start3A_76 = arith.constant 0 : i32
    %dma_start3A_77 = tpu.memref_slice %arg9[%dma_start3A_75, %dma_start3A_76] : memref<80x128xi32, #tpu.memory_space<vmem>> -> memref<1x128xi32, #tpu.memory_space<vmem>>
    %dma_start3A_78 = tpu.memref_squeeze %dma_start3A_77 : memref<1x128xi32, #tpu.memory_space<vmem>> -> memref<128xi32, #tpu.memory_space<vmem>>
    %dma_start3A_79 = arith.constant 0 : i32
    %dma_start3A_80 = arith.constant 0 : i32
    %dma_start3A_81 = tpu.memref_slice %arg7[%dma_start3A_79, %dma_start3A_80] : memref<10112x128xbf16, #tpu.memory_space<vmem_shared>> -> memref<10112x128xbf16, #tpu.memory_space<vmem_shared>>
    tpu.enqueue_indirect_dma source(%arg12 : memref<128x128xbf16, #tpu.memory_space<vmem>>) target(%dma_start3A_81 : memref<10112x128xbf16, #tpu.memory_space<vmem_shared>>) offsets(%dma_start3A_78 : memref<128xi32, #tpu.memory_space<vmem>>) semaphore(%arg20 : memref<!tpu.dma_semaphore, #tpu.memory_space<semaphore_mem>>) {add = true}
    %dma_start3A_82 = arith.constant 3 : i32
    %dma_start3A_83 = arith.constant 0 : i32
    %dma_start3A_84 = tpu.memref_slice %arg9[%dma_start3A_82, %dma_start3A_83] : memref<80x128xi32, #tpu.memory_space<vmem>> -> memref<1x128xi32, #tpu.memory_space<vmem>>
    %dma_start3A_85 = tpu.memref_squeeze %dma_start3A_84 : memref<1x128xi32, #tpu.memory_space<vmem>> -> memref<128xi32, #tpu.memory_space<vmem>>
    %dma_start3A_86 = arith.constant 0 : i32
    %dma_start3A_87 = arith.constant 0 : i32
    %dma_start3A_88 = tpu.memref_slice %arg7[%dma_start3A_86, %dma_start3A_87] : memref<10112x128xbf16, #tpu.memory_space<vmem_shared>> -> memref<10112x128xbf16, #tpu.memory_space<vmem_shared>>
    tpu.enqueue_indirect_dma source(%arg13 : memref<128x128xbf16, #tpu.memory_space<vmem>>) target(%dma_start3A_88 : memref<10112x128xbf16, #tpu.memory_space<vmem_shared>>) offsets(%dma_start3A_85 : memref<128xi32, #tpu.memory_space<vmem>>) semaphore(%arg20 : memref<!tpu.dma_semaphore, #tpu.memory_space<semaphore_mem>>) {add = true}
    %rem3A_89 = arith.constant 1 : i32
    %rem3A_90 = arith.constant 20 : i32
    %rem3A_91 = arith.remsi %rem3A_89, %rem3A_90 : i32
    %mul3A_92 = arith.constant 4 : i32
    %mul3A_93 = arith.muli %rem3A_91, %mul3A_92 : i32
    %add3A_94 = arith.constant 0 : i32
    %add3A_95 = arith.addi %mul3A_93, %add3A_94 : i32
    %dma_start3A_96 = arith.constant 0 : i32
    %dma_start3A_97 = tpu.memref_slice %arg8[%add3A_95, %dma_start3A_96] : memref<80x128xi32, #tpu.memory_space<vmem>> -> memref<1x128xi32, #tpu.memory_space<vmem>>
    %dma_start3A_98 = tpu.memref_squeeze %dma_start3A_97 : memref<1x128xi32, #tpu.memory_space<vmem>> -> memref<128xi32, #tpu.memory_space<vmem>>
    %dma_start3A_99 = arith.constant 0 : i32
    %dma_start3A_100 = arith.constant 0 : i32
    %dma_start3A_101 = tpu.memref_slice %arg2[%dma_start3A_99, %dma_start3A_100] : memref<10000x128xbf16, #tpu.memory_space<hbm>> -> memref<10000x128xbf16, #tpu.memory_space<hbm>>
    tpu.enqueue_indirect_dma source(%dma_start3A_101 : memref<10000x128xbf16, #tpu.memory_space<hbm>>) target(%arg14 : memref<128x128xbf16, #tpu.memory_space<vmem>>) offsets(%dma_start3A_98 : memref<128xi32, #tpu.memory_space<vmem>>) semaphore(%arg19 : memref<!tpu.dma_semaphore, #tpu.memory_space<semaphore_mem>>)
    %add3A_102 = arith.constant 1 : i32
    %add3A_103 = arith.addi %mul3A_93, %add3A_102 : i32
    %dma_start3A_104 = arith.constant 0 : i32
    %dma_start3A_105 = tpu.memref_slice %arg8[%add3A_103, %dma_start3A_104] : memref<80x128xi32, #tpu.memory_space<vmem>> -> memref<1x128xi32, #tpu.memory_space<vmem>>
    %dma_start3A_106 = tpu.memref_squeeze %dma_start3A_105 : memref<1x128xi32, #tpu.memory_space<vmem>> -> memref<128xi32, #tpu.memory_space<vmem>>
    %dma_start3A_107 = arith.constant 0 : i32
    %dma_start3A_108 = arith.constant 0 : i32
    %dma_start3A_109 = tpu.memref_slice %arg2[%dma_start3A_107, %dma_start3A_108] : memref<10000x128xbf16, #tpu.memory_space<hbm>> -> memref<10000x128xbf16, #tpu.memory_space<hbm>>
    tpu.enqueue_indirect_dma source(%dma_start3A_109 : memref<10000x128xbf16, #tpu.memory_space<hbm>>) target(%arg15 : memref<128x128xbf16, #tpu.memory_space<vmem>>) offsets(%dma_start3A_106 : memref<128xi32, #tpu.memory_space<vmem>>) semaphore(%arg19 : memref<!tpu.dma_semaphore, #tpu.memory_space<semaphore_mem>>)
    %add3A_110 = arith.constant 2 : i32
    %add3A_111 = arith.addi %mul3A_93, %add3A_110 : i32
    %dma_start3A_112 = arith.constant 0 : i32
    %dma_start3A_113 = tpu.memref_slice %arg8[%add3A_111, %dma_start3A_112] : memref<80x128xi32, #tpu.memory_space<vmem>> -> memref<1x128xi32, #tpu.memory_space<vmem>>
    %dma_start3A_114 = tpu.memref_squeeze %dma_start3A_113 : memref<1x128xi32, #tpu.memory_space<vmem>> -> memref<128xi32, #tpu.memory_space<vmem>>
    %dma_start3A_115 = arith.constant 0 : i32
    %dma_start3A_116 = arith.constant 0 : i32
    %dma_start3A_117 = tpu.memref_slice %arg2[%dma_start3A_115, %dma_start3A_116] : memref<10000x128xbf16, #tpu.memory_space<hbm>> -> memref<10000x128xbf16, #tpu.memory_space<hbm>>
    tpu.enqueue_indirect_dma source(%dma_start3A_117 : memref<10000x128xbf16, #tpu.memory_space<hbm>>) target(%arg16 : memref<128x128xbf16, #tpu.memory_space<vmem>>) offsets(%dma_start3A_114 : memref<128xi32, #tpu.memory_space<vmem>>) semaphore(%arg19 : memref<!tpu.dma_semaphore, #tpu.memory_space<semaphore_mem>>)
    %add3A_118 = arith.constant 3 : i32
    %add3A_119 = arith.addi %mul3A_93, %add3A_118 : i32
    %dma_start3A_120 = arith.constant 0 : i32
    %dma_start3A_121 = tpu.memref_slice %arg8[%add3A_119, %dma_start3A_120] : memref<80x128xi32, #tpu.memory_space<vmem>> -> memref<1x128xi32, #tpu.memory_space<vmem>>
    %dma_start3A_122 = tpu.memref_squeeze %dma_start3A_121 : memref<1x128xi32, #tpu.memory_space<vmem>> -> memref<128xi32, #tpu.memory_space<vmem>>
    %dma_start3A_123 = arith.constant 0 : i32
    %dma_start3A_124 = arith.constant 0 : i32
    %dma_start3A_125 = tpu.memref_slice %arg2[%dma_start3A_123, %dma_start3A_124] : memref<10000x128xbf16, #tpu.memory_space<hbm>> -> memref<10000x128xbf16, #tpu.memory_space<hbm>>
    tpu.enqueue_indirect_dma source(%dma_start3A_125 : memref<10000x128xbf16, #tpu.memory_space<hbm>>) target(%arg17 : memref<128x128xbf16, #tpu.memory_space<vmem>>) offsets(%dma_start3A_122 : memref<128xi32, #tpu.memory_space<vmem>>) semaphore(%arg19 : memref<!tpu.dma_semaphore, #tpu.memory_space<semaphore_mem>>)
    %dma_wait3A_126 = arith.constant 0 : i32
    %dma_wait3A_127 = arith.constant 0 : i32
    %dma_wait3A_128 = tpu.memref_slice %arg2[%dma_wait3A_126, %dma_wait3A_127] : memref<10000x128xbf16, #tpu.memory_space<hbm>> -> memref<128x128xbf16, #tpu.memory_space<hbm>>
    %dma_wait3A_129 = arith.constant 0 : i32
    %dma_wait3A_130 = arith.constant 0 : i32
    %dma_wait3A_131 = tpu.memref_slice %arg2[%dma_wait3A_129, %dma_wait3A_130] : memref<10000x128xbf16, #tpu.memory_space<hbm>> -> memref<128x128xbf16, #tpu.memory_space<hbm>>
    tpu.wait_dma2 semaphore(%arg19 : memref<!tpu.dma_semaphore, #tpu.memory_space<semaphore_mem>>) src(%dma_wait3A_131 : memref<128x128xbf16, #tpu.memory_space<hbm>>) dst(%arg14 : memref<128x128xbf16, #tpu.memory_space<vmem>>)
    %dma_wait3A_132 = arith.constant 0 : i32
    %dma_wait3A_133 = arith.constant 0 : i32
    %dma_wait3A_134 = tpu.memref_slice %arg2[%dma_wait3A_132, %dma_wait3A_133] : memref<10000x128xbf16, #tpu.memory_space<hbm>> -> memref<128x128xbf16, #tpu.memory_space<hbm>>
    %dma_wait3A_135 = arith.constant 0 : i32
    %dma_wait3A_136 = arith.constant 0 : i32
    %dma_wait3A_137 = tpu.memref_slice %arg2[%dma_wait3A_135, %dma_wait3A_136] : memref<10000x128xbf16, #tpu.memory_space<hbm>> -> memref<128x128xbf16, #tpu.memory_space<hbm>>
    tpu.wait_dma2 semaphore(%arg19 : memref<!tpu.dma_semaphore, #tpu.memory_space<semaphore_mem>>) src(%dma_wait3A_137 : memref<128x128xbf16, #tpu.memory_space<hbm>>) dst(%arg15 : memref<128x128xbf16, #tpu.memory_space<vmem>>)
    %dma_wait3A_138 = arith.constant 0 : i32
    %dma_wait3A_139 = arith.constant 0 : i32
    %dma_wait3A_140 = tpu.memref_slice %arg2[%dma_wait3A_138, %dma_wait3A_139] : memref<10000x128xbf16, #tpu.memory_space<hbm>> -> memref<128x128xbf16, #tpu.memory_space<hbm>>
    %dma_wait3A_141 = arith.constant 0 : i32
    %dma_wait3A_142 = arith.constant 0 : i32
    %dma_wait3A_143 = tpu.memref_slice %arg2[%dma_wait3A_141, %dma_wait3A_142] : memref<10000x128xbf16, #tpu.memory_space<hbm>> -> memref<128x128xbf16, #tpu.memory_space<hbm>>
    tpu.wait_dma2 semaphore(%arg19 : memref<!tpu.dma_semaphore, #tpu.memory_space<semaphore_mem>>) src(%dma_wait3A_143 : memref<128x128xbf16, #tpu.memory_space<hbm>>) dst(%arg16 : memref<128x128xbf16, #tpu.memory_space<vmem>>)
    %dma_wait3A_144 = arith.constant 0 : i32
    %dma_wait3A_145 = arith.constant 0 : i32
    %dma_wait3A_146 = tpu.memref_slice %arg2[%dma_wait3A_144, %dma_wait3A_145] : memref<10000x128xbf16, #tpu.memory_space<hbm>> -> memref<128x128xbf16, #tpu.memory_space<hbm>>
    %dma_wait3A_147 = arith.constant 0 : i32
    %dma_wait3A_148 = arith.constant 0 : i32
    %dma_wait3A_149 = tpu.memref_slice %arg2[%dma_wait3A_147, %dma_wait3A_148] : memref<10000x128xbf16, #tpu.memory_space<hbm>> -> memref<128x128xbf16, #tpu.memory_space<hbm>>
    tpu.wait_dma2 semaphore(%arg19 : memref<!tpu.dma_semaphore, #tpu.memory_space<semaphore_mem>>) src(%dma_wait3A_149 : memref<128x128xbf16, #tpu.memory_space<hbm>>) dst(%arg17 : memref<128x128xbf16, #tpu.memory_space<vmem>>)
    %dma_start3A_150 = arith.constant 4 : i32
    %dma_start3A_151 = arith.constant 0 : i32
    %dma_start3A_152 = tpu.memref_slice %arg9[%dma_start3A_150, %dma_start3A_151] : memref<80x128xi32, #tpu.memory_space<vmem>> -> memref<1x128xi32, #tpu.memory_space<vmem>>
    %dma_start3A_153 = tpu.memref_squeeze %dma_start3A_152 : memref<1x128xi32, #tpu.memory_space<vmem>> -> memref<128xi32, #tpu.memory_space<vmem>>
    %dma_start3A_154 = arith.constant 0 : i32
    %dma_start3A_155 = arith.constant 0 : i32
    %dma_start3A_156 = tpu.memref_slice %arg7[%dma_start3A_154, %dma_start3A_155] : memref<10112x128xbf16, #tpu.memory_space<vmem_shared>> -> memref<10112x128xbf16, #tpu.memory_space<vmem_shared>>
    tpu.enqueue_indirect_dma source(%arg14 : memref<128x128xbf16, #tpu.memory_space<vmem>>) target(%dma_start3A_156 : memref<10112x128xbf16, #tpu.memory_space<vmem_shared>>) offsets(%dma_start3A_153 : memref<128xi32, #tpu.memory_space<vmem>>) semaphore(%arg21 : memref<!tpu.dma_semaphore, #tpu.memory_space<semaphore_mem>>) {add = true}
    %dma_start3A_157 = arith.constant 5 : i32
    %dma_start3A_158 = arith.constant 0 : i32
    %dma_start3A_159 = tpu.memref_slice %arg9[%dma_start3A_157, %dma_start3A_158] : memref<80x128xi32, #tpu.memory_space<vmem>> -> memref<1x128xi32, #tpu.memory_space<vmem>>
    %dma_start3A_160 = tpu.memref_squeeze %dma_start3A_159 : memref<1x128xi32, #tpu.memory_space<vmem>> -> memref<128xi32, #tpu.memory_space<vmem>>
    %dma_start3A_161 = arith.constant 0 : i32
    %dma_start3A_162 = arith.constant 0 : i32
    %dma_start3A_163 = tpu.memref_slice %arg7[%dma_start3A_161, %dma_start3A_162] : memref<10112x128xbf16, #tpu.memory_space<vmem_shared>> -> memref<10112x128xbf16, #tpu.memory_space<vmem_shared>>
    tpu.enqueue_indirect_dma source(%arg15 : memref<128x128xbf16, #tpu.memory_space<vmem>>) target(%dma_start3A_163 : memref<10112x128xbf16, #tpu.memory_space<vmem_shared>>) offsets(%dma_start3A_160 : memref<128xi32, #tpu.memory_space<vmem>>) semaphore(%arg21 : memref<!tpu.dma_semaphore, #tpu.memory_space<semaphore_mem>>) {add = true}
    %dma_start3A_164 = arith.constant 6 : i32
    %dma_start3A_165 = arith.constant 0 : i32
    %dma_start3A_166 = tpu.memref_slice %arg9[%dma_start3A_164, %dma_start3A_165] : memref<80x128xi32, #tpu.memory_space<vmem>> -> memref<1x128xi32, #tpu.memory_space<vmem>>
    %dma_start3A_167 = tpu.memref_squeeze %dma_start3A_166 : memref<1x128xi32, #tpu.memory_space<vmem>> -> memref<128xi32, #tpu.memory_space<vmem>>
    %dma_start3A_168 = arith.constant 0 : i32
    %dma_start3A_169 = arith.constant 0 : i32
    %dma_start3A_170 = tpu.memref_slice %arg7[%dma_start3A_168, %dma_start3A_169] : memref<10112x128xbf16, #tpu.memory_space<vmem_shared>> -> memref<10112x128xbf16, #tpu.memory_space<vmem_shared>>
    tpu.enqueue_indirect_dma source(%arg16 : memref<128x128xbf16, #tpu.memory_space<vmem>>) target(%dma_start3A_170 : memref<10112x128xbf16, #tpu.memory_space<vmem_shared>>) offsets(%dma_start3A_167 : memref<128xi32, #tpu.memory_space<vmem>>) semaphore(%arg21 : memref<!tpu.dma_semaphore, #tpu.memory_space<semaphore_mem>>) {add = true}
    %dma_start3A_171 = arith.constant 7 : i32
    %dma_start3A_172 = arith.constant 0 : i32
    %dma_start3A_173 = tpu.memref_slice %arg9[%dma_start3A_171, %dma_start3A_172] : memref<80x128xi32, #tpu.memory_space<vmem>> -> memref<1x128xi32, #tpu.memory_space<vmem>>
    %dma_start3A_174 = tpu.memref_squeeze %dma_start3A_173 : memref<1x128xi32, #tpu.memory_space<vmem>> -> memref<128xi32, #tpu.memory_space<vmem>>
    %dma_start3A_175 = arith.constant 0 : i32
    %dma_start3A_176 = arith.constant 0 : i32
    %dma_start3A_177 = tpu.memref_slice %arg7[%dma_start3A_175, %dma_start3A_176] : memref<10112x128xbf16, #tpu.memory_space<vmem_shared>> -> memref<10112x128xbf16, #tpu.memory_space<vmem_shared>>
    tpu.enqueue_indirect_dma source(%arg17 : memref<128x128xbf16, #tpu.memory_space<vmem>>) target(%dma_start3A_177 : memref<10112x128xbf16, #tpu.memory_space<vmem_shared>>) offsets(%dma_start3A_174 : memref<128xi32, #tpu.memory_space<vmem>>) semaphore(%arg21 : memref<!tpu.dma_semaphore, #tpu.memory_space<semaphore_mem>>) {add = true}
    %dma_wait3A_178 = arith.constant 0 : i32
    %dma_wait3A_179 = arith.constant 0 : i32
    %dma_wait3A_180 = tpu.memref_slice %arg9[%dma_wait3A_178, %dma_wait3A_179] : memref<80x128xi32, #tpu.memory_space<vmem>> -> memref<1x128xi32, #tpu.memory_space<vmem>>
    %dma_wait3A_181 = tpu.memref_squeeze %dma_wait3A_180 : memref<1x128xi32, #tpu.memory_space<vmem>> -> memref<128xi32, #tpu.memory_space<vmem>>
    %dma_wait3A_182 = arith.constant 0 : i32
    %dma_wait3A_183 = arith.constant 0 : i32
    %dma_wait3A_184 = tpu.memref_slice %arg7[%dma_wait3A_182, %dma_wait3A_183] : memref<10112x128xbf16, #tpu.memory_space<vmem_shared>> -> memref<10112x128xbf16, #tpu.memory_space<vmem_shared>>
    tpu.wait_indirect_dma semaphore(%arg20 : memref<!tpu.dma_semaphore, #tpu.memory_space<semaphore_mem>>) src(%arg10 : memref<128x128xbf16, #tpu.memory_space<vmem>>) dst(%dma_wait3A_184 : memref<10112x128xbf16, #tpu.memory_space<vmem_shared>>)
    %dma_wait3A_185 = arith.constant 0 : i32
    %dma_wait3A_186 = arith.constant 0 : i32
    %dma_wait3A_187 = tpu.memref_slice %arg9[%dma_wait3A_185, %dma_wait3A_186] : memref<80x128xi32, #tpu.memory_space<vmem>> -> memref<1x128xi32, #tpu.memory_space<vmem>>
    %dma_wait3A_188 = tpu.memref_squeeze %dma_wait3A_187 : memref<1x128xi32, #tpu.memory_space<vmem>> -> memref<128xi32, #tpu.memory_space<vmem>>
    %dma_wait3A_189 = arith.constant 0 : i32
    %dma_wait3A_190 = arith.constant 0 : i32
    %dma_wait3A_191 = tpu.memref_slice %arg7[%dma_wait3A_189, %dma_wait3A_190] : memref<10112x128xbf16, #tpu.memory_space<vmem_shared>> -> memref<10112x128xbf16, #tpu.memory_space<vmem_shared>>
    tpu.wait_indirect_dma semaphore(%arg20 : memref<!tpu.dma_semaphore, #tpu.memory_space<semaphore_mem>>) src(%arg11 : memref<128x128xbf16, #tpu.memory_space<vmem>>) dst(%dma_wait3A_191 : memref<10112x128xbf16, #tpu.memory_space<vmem_shared>>)
    %dma_wait3A_192 = arith.constant 0 : i32
    %dma_wait3A_193 = arith.constant 0 : i32
    %dma_wait3A_194 = tpu.memref_slice %arg9[%dma_wait3A_192, %dma_wait3A_193] : memref<80x128xi32, #tpu.memory_space<vmem>> -> memref<1x128xi32, #tpu.memory_space<vmem>>
    %dma_wait3A_195 = tpu.memref_squeeze %dma_wait3A_194 : memref<1x128xi32, #tpu.memory_space<vmem>> -> memref<128xi32, #tpu.memory_space<vmem>>
    %dma_wait3A_196 = arith.constant 0 : i32
    %dma_wait3A_197 = arith.constant 0 : i32
    %dma_wait3A_198 = tpu.memref_slice %arg7[%dma_wait3A_196, %dma_wait3A_197] : memref<10112x128xbf16, #tpu.memory_space<vmem_shared>> -> memref<10112x128xbf16, #tpu.memory_space<vmem_shared>>
    tpu.wait_indirect_dma semaphore(%arg20 : memref<!tpu.dma_semaphore, #tpu.memory_space<semaphore_mem>>) src(%arg12 : memref<128x128xbf16, #tpu.memory_space<vmem>>) dst(%dma_wait3A_198 : memref<10112x128xbf16, #tpu.memory_space<vmem_shared>>)
    %dma_wait3A_199 = arith.constant 0 : i32
    %dma_wait3A_200 = arith.constant 0 : i32
    %dma_wait3A_201 = tpu.memref_slice %arg9[%dma_wait3A_199, %dma_wait3A_200] : memref<80x128xi32, #tpu.memory_space<vmem>> -> memref<1x128xi32, #tpu.memory_space<vmem>>
    %dma_wait3A_202 = tpu.memref_squeeze %dma_wait3A_201 : memref<1x128xi32, #tpu.memory_space<vmem>> -> memref<128xi32, #tpu.memory_space<vmem>>
    %dma_wait3A_203 = arith.constant 0 : i32
    %dma_wait3A_204 = arith.constant 0 : i32
    %dma_wait3A_205 = tpu.memref_slice %arg7[%dma_wait3A_203, %dma_wait3A_204] : memref<10112x128xbf16, #tpu.memory_space<vmem_shared>> -> memref<10112x128xbf16, #tpu.memory_space<vmem_shared>>
    tpu.wait_indirect_dma semaphore(%arg20 : memref<!tpu.dma_semaphore, #tpu.memory_space<semaphore_mem>>) src(%arg13 : memref<128x128xbf16, #tpu.memory_space<vmem>>) dst(%dma_wait3A_205 : memref<10112x128xbf16, #tpu.memory_space<vmem_shared>>)
    %rem3A_206 = arith.constant 2 : i32
    %rem3A_207 = arith.constant 20 : i32
    %rem3A_208 = arith.remsi %rem3A_206, %rem3A_207 : i32
    %mul3A_209 = arith.constant 4 : i32
    %mul3A_210 = arith.muli %rem3A_208, %mul3A_209 : i32
    %add3A_211 = arith.constant 0 : i32
    %add3A_212 = arith.addi %mul3A_210, %add3A_211 : i32
    %dma_start3A_213 = arith.constant 0 : i32
    %dma_start3A_214 = tpu.memref_slice %arg8[%add3A_212, %dma_start3A_213] : memref<80x128xi32, #tpu.memory_space<vmem>> -> memref<1x128xi32, #tpu.memory_space<vmem>>
    %dma_start3A_215 = tpu.memref_squeeze %dma_start3A_214 : memref<1x128xi32, #tpu.memory_space<vmem>> -> memref<128xi32, #tpu.memory_space<vmem>>
    %dma_start3A_216 = arith.constant 0 : i32
    %dma_start3A_217 = arith.constant 0 : i32
    %dma_start3A_218 = tpu.memref_slice %arg2[%dma_start3A_216, %dma_start3A_217] : memref<10000x128xbf16, #tpu.memory_space<hbm>> -> memref<10000x128xbf16, #tpu.memory_space<hbm>>
    tpu.enqueue_indirect_dma source(%dma_start3A_218 : memref<10000x128xbf16, #tpu.memory_space<hbm>>) target(%arg10 : memref<128x128xbf16, #tpu.memory_space<vmem>>) offsets(%dma_start3A_215 : memref<128xi32, #tpu.memory_space<vmem>>) semaphore(%arg18 : memref<!tpu.dma_semaphore, #tpu.memory_space<semaphore_mem>>)
    %add3A_219 = arith.constant 1 : i32
    %add3A_220 = arith.addi %mul3A_210, %add3A_219 : i32
    %dma_start3A_221 = arith.constant 0 : i32
    %dma_start3A_222 = tpu.memref_slice %arg8[%add3A_220, %dma_start3A_221] : memref<80x128xi32, #tpu.memory_space<vmem>> -> memref<1x128xi32, #tpu.memory_space<vmem>>
    %dma_start3A_223 = tpu.memref_squeeze %dma_start3A_222 : memref<1x128xi32, #tpu.memory_space<vmem>> -> memref<128xi32, #tpu.memory_space<vmem>>
    %dma_start3A_224 = arith.constant 0 : i32
    %dma_start3A_225 = arith.constant 0 : i32
    %dma_start3A_226 = tpu.memref_slice %arg2[%dma_start3A_224, %dma_start3A_225] : memref<10000x128xbf16, #tpu.memory_space<hbm>> -> memref<10000x128xbf16, #tpu.memory_space<hbm>>
    tpu.enqueue_indirect_dma source(%dma_start3A_226 : memref<10000x128xbf16, #tpu.memory_space<hbm>>) target(%arg11 : memref<128x128xbf16, #tpu.memory_space<vmem>>) offsets(%dma_start3A_223 : memref<128xi32, #tpu.memory_space<vmem>>) semaphore(%arg18 : memref<!tpu.dma_semaphore, #tpu.memory_space<semaphore_mem>>)
    %add3A_227 = arith.constant 2 : i32
    %add3A_228 = arith.addi %mul3A_210, %add3A_227 : i32
    %dma_start3A_229 = arith.constant 0 : i32
    %dma_start3A_230 = tpu.memref_slice %arg8[%add3A_228, %dma_start3A_229] : memref<80x128xi32, #tpu.memory_space<vmem>> -> memref<1x128xi32, #tpu.memory_space<vmem>>
    %dma_start3A_231 = tpu.memref_squeeze %dma_start3A_230 : memref<1x128xi32, #tpu.memory_space<vmem>> -> memref<128xi32, #tpu.memory_space<vmem>>
    %dma_start3A_232 = arith.constant 0 : i32
    %dma_start3A_233 = arith.constant 0 : i32
    %dma_start3A_234 = tpu.memref_slice %arg2[%dma_start3A_232, %dma_start3A_233] : memref<10000x128xbf16, #tpu.memory_space<hbm>> -> memref<10000x128xbf16, #tpu.memory_space<hbm>>
    tpu.enqueue_indirect_dma source(%dma_start3A_234 : memref<10000x128xbf16, #tpu.memory_space<hbm>>) target(%arg12 : memref<128x128xbf16, #tpu.memory_space<vmem>>) offsets(%dma_start3A_231 : memref<128xi32, #tpu.memory_space<vmem>>) semaphore(%arg18 : memref<!tpu.dma_semaphore, #tpu.memory_space<semaphore_mem>>)
    %add3A_235 = arith.constant 3 : i32
    %add3A_236 = arith.addi %mul3A_210, %add3A_235 : i32
    %dma_start3A_237 = arith.constant 0 : i32
    %dma_start3A_238 = tpu.memref_slice %arg8[%add3A_236, %dma_start3A_237] : memref<80x128xi32, #tpu.memory_space<vmem>> -> memref<1x128xi32, #tpu.memory_space<vmem>>
    %dma_start3A_239 = tpu.memref_squeeze %dma_start3A_238 : memref<1x128xi32, #tpu.memory_space<vmem>> -> memref<128xi32, #tpu.memory_space<vmem>>
    %dma_start3A_240 = arith.constant 0 : i32
    %dma_start3A_241 = arith.constant 0 : i32
    %dma_start3A_242 = tpu.memref_slice %arg2[%dma_start3A_240, %dma_start3A_241] : memref<10000x128xbf16, #tpu.memory_space<hbm>> -> memref<10000x128xbf16, #tpu.memory_space<hbm>>
    tpu.enqueue_indirect_dma source(%dma_start3A_242 : memref<10000x128xbf16, #tpu.memory_space<hbm>>) target(%arg13 : memref<128x128xbf16, #tpu.memory_space<vmem>>) offsets(%dma_start3A_239 : memref<128xi32, #tpu.memory_space<vmem>>) semaphore(%arg18 : memref<!tpu.dma_semaphore, #tpu.memory_space<semaphore_mem>>)
    %scan3A = arith.constant 0 : i32
    %scan3A_243 = arith.constant 1 : i32
    %scan3A_244 = arith.constant 9 : i32
    %scan3A_245 = arith.addi %scan3A_243, %scan3A_244 : i32
    %scan3A_246 = arith.constant 1 : i32
    scf.for %scan3A_301 = %scan3A_243 to %scan3A_245 step %scan3A_246  : i32 {
      %mul3A_302 = arith.constant 2 : i32
      %mul3A_303 = arith.muli %mul3A_302, %scan3A_301 : i32
      %dma_wait3A_304 = arith.constant 0 : i32
      %dma_wait3A_305 = arith.constant 0 : i32
      %dma_wait3A_306 = tpu.memref_slice %arg2[%dma_wait3A_304, %dma_wait3A_305] : memref<10000x128xbf16, #tpu.memory_space<hbm>> -> memref<128x128xbf16, #tpu.memory_space<hbm>>
      %dma_wait3A_307 = arith.constant 0 : i32
      %dma_wait3A_308 = arith.constant 0 : i32
      %dma_wait3A_309 = tpu.memref_slice %arg2[%dma_wait3A_307, %dma_wait3A_308] : memref<10000x128xbf16, #tpu.memory_space<hbm>> -> memref<128x128xbf16, #tpu.memory_space<hbm>>
      tpu.wait_dma2 semaphore(%arg18 : memref<!tpu.dma_semaphore, #tpu.memory_space<semaphore_mem>>) src(%dma_wait3A_309 : memref<128x128xbf16, #tpu.memory_space<hbm>>) dst(%arg10 : memref<128x128xbf16, #tpu.memory_space<vmem>>)
      %dma_wait3A_310 = arith.constant 0 : i32
      %dma_wait3A_311 = arith.constant 0 : i32
      %dma_wait3A_312 = tpu.memref_slice %arg2[%dma_wait3A_310, %dma_wait3A_311] : memref<10000x128xbf16, #tpu.memory_space<hbm>> -> memref<128x128xbf16, #tpu.memory_space<hbm>>
      %dma_wait3A_313 = arith.constant 0 : i32
      %dma_wait3A_314 = arith.constant 0 : i32
      %dma_wait3A_315 = tpu.memref_slice %arg2[%dma_wait3A_313, %dma_wait3A_314] : memref<10000x128xbf16, #tpu.memory_space<hbm>> -> memref<128x128xbf16, #tpu.memory_space<hbm>>
      tpu.wait_dma2 semaphore(%arg18 : memref<!tpu.dma_semaphore, #tpu.memory_space<semaphore_mem>>) src(%dma_wait3A_315 : memref<128x128xbf16, #tpu.memory_space<hbm>>) dst(%arg11 : memref<128x128xbf16, #tpu.memory_space<vmem>>)
      %dma_wait3A_316 = arith.constant 0 : i32
      %dma_wait3A_317 = arith.constant 0 : i32
      %dma_wait3A_318 = tpu.memref_slice %arg2[%dma_wait3A_316, %dma_wait3A_317] : memref<10000x128xbf16, #tpu.memory_space<hbm>> -> memref<128x128xbf16, #tpu.memory_space<hbm>>
      %dma_wait3A_319 = arith.constant 0 : i32
      %dma_wait3A_320 = arith.constant 0 : i32
      %dma_wait3A_321 = tpu.memref_slice %arg2[%dma_wait3A_319, %dma_wait3A_320] : memref<10000x128xbf16, #tpu.memory_space<hbm>> -> memref<128x128xbf16, #tpu.memory_space<hbm>>
      tpu.wait_dma2 semaphore(%arg18 : memref<!tpu.dma_semaphore, #tpu.memory_space<semaphore_mem>>) src(%dma_wait3A_321 : memref<128x128xbf16, #tpu.memory_space<hbm>>) dst(%arg12 : memref<128x128xbf16, #tpu.memory_space<vmem>>)
      %dma_wait3A_322 = arith.constant 0 : i32
      %dma_wait3A_323 = arith.constant 0 : i32
      %dma_wait3A_324 = tpu.memref_slice %arg2[%dma_wait3A_322, %dma_wait3A_323] : memref<10000x128xbf16, #tpu.memory_space<hbm>> -> memref<128x128xbf16, #tpu.memory_space<hbm>>
      %dma_wait3A_325 = arith.constant 0 : i32
      %dma_wait3A_326 = arith.constant 0 : i32
      %dma_wait3A_327 = tpu.memref_slice %arg2[%dma_wait3A_325, %dma_wait3A_326] : memref<10000x128xbf16, #tpu.memory_space<hbm>> -> memref<128x128xbf16, #tpu.memory_space<hbm>>
      tpu.wait_dma2 semaphore(%arg18 : memref<!tpu.dma_semaphore, #tpu.memory_space<semaphore_mem>>) src(%dma_wait3A_327 : memref<128x128xbf16, #tpu.memory_space<hbm>>) dst(%arg13 : memref<128x128xbf16, #tpu.memory_space<vmem>>)
      %mul3A_328 = arith.constant 4 : i32
      %mul3A_329 = arith.muli %mul3A_303, %mul3A_328 : i32
      %add3A_330 = arith.constant 0 : i32
      %add3A_331 = arith.addi %mul3A_329, %add3A_330 : i32
      %dma_start3A_332 = arith.constant 0 : i32
      %dma_start3A_333 = tpu.memref_slice %arg9[%add3A_331, %dma_start3A_332] : memref<80x128xi32, #tpu.memory_space<vmem>> -> memref<1x128xi32, #tpu.memory_space<vmem>>
      %dma_start3A_334 = tpu.memref_squeeze %dma_start3A_333 : memref<1x128xi32, #tpu.memory_space<vmem>> -> memref<128xi32, #tpu.memory_space<vmem>>
      %dma_start3A_335 = arith.constant 0 : i32
      %dma_start3A_336 = arith.constant 0 : i32
      %dma_start3A_337 = tpu.memref_slice %arg7[%dma_start3A_335, %dma_start3A_336] : memref<10112x128xbf16, #tpu.memory_space<vmem_shared>> -> memref<10112x128xbf16, #tpu.memory_space<vmem_shared>>
      tpu.enqueue_indirect_dma source(%arg10 : memref<128x128xbf16, #tpu.memory_space<vmem>>) target(%dma_start3A_337 : memref<10112x128xbf16, #tpu.memory_space<vmem_shared>>) offsets(%dma_start3A_334 : memref<128xi32, #tpu.memory_space<vmem>>) semaphore(%arg20 : memref<!tpu.dma_semaphore, #tpu.memory_space<semaphore_mem>>) {add = true}
      %add3A_338 = arith.constant 1 : i32
      %add3A_339 = arith.addi %mul3A_329, %add3A_338 : i32
      %dma_start3A_340 = arith.constant 0 : i32
      %dma_start3A_341 = tpu.memref_slice %arg9[%add3A_339, %dma_start3A_340] : memref<80x128xi32, #tpu.memory_space<vmem>> -> memref<1x128xi32, #tpu.memory_space<vmem>>
      %dma_start3A_342 = tpu.memref_squeeze %dma_start3A_341 : memref<1x128xi32, #tpu.memory_space<vmem>> -> memref<128xi32, #tpu.memory_space<vmem>>
      %dma_start3A_343 = arith.constant 0 : i32
      %dma_start3A_344 = arith.constant 0 : i32
      %dma_start3A_345 = tpu.memref_slice %arg7[%dma_start3A_343, %dma_start3A_344] : memref<10112x128xbf16, #tpu.memory_space<vmem_shared>> -> memref<10112x128xbf16, #tpu.memory_space<vmem_shared>>
      tpu.enqueue_indirect_dma source(%arg11 : memref<128x128xbf16, #tpu.memory_space<vmem>>) target(%dma_start3A_345 : memref<10112x128xbf16, #tpu.memory_space<vmem_shared>>) offsets(%dma_start3A_342 : memref<128xi32, #tpu.memory_space<vmem>>) semaphore(%arg20 : memref<!tpu.dma_semaphore, #tpu.memory_space<semaphore_mem>>) {add = true}
      %add3A_346 = arith.constant 2 : i32
      %add3A_347 = arith.addi %mul3A_329, %add3A_346 : i32
      %dma_start3A_348 = arith.constant 0 : i32
      %dma_start3A_349 = tpu.memref_slice %arg9[%add3A_347, %dma_start3A_348] : memref<80x128xi32, #tpu.memory_space<vmem>> -> memref<1x128xi32, #tpu.memory_space<vmem>>
      %dma_start3A_350 = tpu.memref_squeeze %dma_start3A_349 : memref<1x128xi32, #tpu.memory_space<vmem>> -> memref<128xi32, #tpu.memory_space<vmem>>
      %dma_start3A_351 = arith.constant 0 : i32
      %dma_start3A_352 = arith.constant 0 : i32
      %dma_start3A_353 = tpu.memref_slice %arg7[%dma_start3A_351, %dma_start3A_352] : memref<10112x128xbf16, #tpu.memory_space<vmem_shared>> -> memref<10112x128xbf16, #tpu.memory_space<vmem_shared>>
      tpu.enqueue_indirect_dma source(%arg12 : memref<128x128xbf16, #tpu.memory_space<vmem>>) target(%dma_start3A_353 : memref<10112x128xbf16, #tpu.memory_space<vmem_shared>>) offsets(%dma_start3A_350 : memref<128xi32, #tpu.memory_space<vmem>>) semaphore(%arg20 : memref<!tpu.dma_semaphore, #tpu.memory_space<semaphore_mem>>) {add = true}
      %add3A_354 = arith.constant 3 : i32
      %add3A_355 = arith.addi %mul3A_329, %add3A_354 : i32
      %dma_start3A_356 = arith.constant 0 : i32
      %dma_start3A_357 = tpu.memref_slice %arg9[%add3A_355, %dma_start3A_356] : memref<80x128xi32, #tpu.memory_space<vmem>> -> memref<1x128xi32, #tpu.memory_space<vmem>>
      %dma_start3A_358 = tpu.memref_squeeze %dma_start3A_357 : memref<1x128xi32, #tpu.memory_space<vmem>> -> memref<128xi32, #tpu.memory_space<vmem>>
      %dma_start3A_359 = arith.constant 0 : i32
      %dma_start3A_360 = arith.constant 0 : i32
      %dma_start3A_361 = tpu.memref_slice %arg7[%dma_start3A_359, %dma_start3A_360] : memref<10112x128xbf16, #tpu.memory_space<vmem_shared>> -> memref<10112x128xbf16, #tpu.memory_space<vmem_shared>>
      tpu.enqueue_indirect_dma source(%arg13 : memref<128x128xbf16, #tpu.memory_space<vmem>>) target(%dma_start3A_361 : memref<10112x128xbf16, #tpu.memory_space<vmem_shared>>) offsets(%dma_start3A_358 : memref<128xi32, #tpu.memory_space<vmem>>) semaphore(%arg20 : memref<!tpu.dma_semaphore, #tpu.memory_space<semaphore_mem>>) {add = true}
      %dma_wait3A_362 = arith.constant 0 : i32
      %dma_wait3A_363 = arith.constant 0 : i32
      %dma_wait3A_364 = tpu.memref_slice %arg9[%dma_wait3A_362, %dma_wait3A_363] : memref<80x128xi32, #tpu.memory_space<vmem>> -> memref<1x128xi32, #tpu.memory_space<vmem>>
      %dma_wait3A_365 = tpu.memref_squeeze %dma_wait3A_364 : memref<1x128xi32, #tpu.memory_space<vmem>> -> memref<128xi32, #tpu.memory_space<vmem>>
      %dma_wait3A_366 = arith.constant 0 : i32
      %dma_wait3A_367 = arith.constant 0 : i32
      %dma_wait3A_368 = tpu.memref_slice %arg7[%dma_wait3A_366, %dma_wait3A_367] : memref<10112x128xbf16, #tpu.memory_space<vmem_shared>> -> memref<10112x128xbf16, #tpu.memory_space<vmem_shared>>
      tpu.wait_indirect_dma semaphore(%arg21 : memref<!tpu.dma_semaphore, #tpu.memory_space<semaphore_mem>>) src(%arg14 : memref<128x128xbf16, #tpu.memory_space<vmem>>) dst(%dma_wait3A_368 : memref<10112x128xbf16, #tpu.memory_space<vmem_shared>>)
      %dma_wait3A_369 = arith.constant 0 : i32
      %dma_wait3A_370 = arith.constant 0 : i32
      %dma_wait3A_371 = tpu.memref_slice %arg9[%dma_wait3A_369, %dma_wait3A_370] : memref<80x128xi32, #tpu.memory_space<vmem>> -> memref<1x128xi32, #tpu.memory_space<vmem>>
      %dma_wait3A_372 = tpu.memref_squeeze %dma_wait3A_371 : memref<1x128xi32, #tpu.memory_space<vmem>> -> memref<128xi32, #tpu.memory_space<vmem>>
      %dma_wait3A_373 = arith.constant 0 : i32
      %dma_wait3A_374 = arith.constant 0 : i32
      %dma_wait3A_375 = tpu.memref_slice %arg7[%dma_wait3A_373, %dma_wait3A_374] : memref<10112x128xbf16, #tpu.memory_space<vmem_shared>> -> memref<10112x128xbf16, #tpu.memory_space<vmem_shared>>
      tpu.wait_indirect_dma semaphore(%arg21 : memref<!tpu.dma_semaphore, #tpu.memory_space<semaphore_mem>>) src(%arg15 : memref<128x128xbf16, #tpu.memory_space<vmem>>) dst(%dma_wait3A_375 : memref<10112x128xbf16, #tpu.memory_space<vmem_shared>>)
      %dma_wait3A_376 = arith.constant 0 : i32
      %dma_wait3A_377 = arith.constant 0 : i32
      %dma_wait3A_378 = tpu.memref_slice %arg9[%dma_wait3A_376, %dma_wait3A_377] : memref<80x128xi32, #tpu.memory_space<vmem>> -> memref<1x128xi32, #tpu.memory_space<vmem>>
      %dma_wait3A_379 = tpu.memref_squeeze %dma_wait3A_378 : memref<1x128xi32, #tpu.memory_space<vmem>> -> memref<128xi32, #tpu.memory_space<vmem>>
      %dma_wait3A_380 = arith.constant 0 : i32
      %dma_wait3A_381 = arith.constant 0 : i32
      %dma_wait3A_382 = tpu.memref_slice %arg7[%dma_wait3A_380, %dma_wait3A_381] : memref<10112x128xbf16, #tpu.memory_space<vmem_shared>> -> memref<10112x128xbf16, #tpu.memory_space<vmem_shared>>
      tpu.wait_indirect_dma semaphore(%arg21 : memref<!tpu.dma_semaphore, #tpu.memory_space<semaphore_mem>>) src(%arg16 : memref<128x128xbf16, #tpu.memory_space<vmem>>) dst(%dma_wait3A_382 : memref<10112x128xbf16, #tpu.memory_space<vmem_shared>>)
      %dma_wait3A_383 = arith.constant 0 : i32
      %dma_wait3A_384 = arith.constant 0 : i32
      %dma_wait3A_385 = tpu.memref_slice %arg9[%dma_wait3A_383, %dma_wait3A_384] : memref<80x128xi32, #tpu.memory_space<vmem>> -> memref<1x128xi32, #tpu.memory_space<vmem>>
      %dma_wait3A_386 = tpu.memref_squeeze %dma_wait3A_385 : memref<1x128xi32, #tpu.memory_space<vmem>> -> memref<128xi32, #tpu.memory_space<vmem>>
      %dma_wait3A_387 = arith.constant 0 : i32
      %dma_wait3A_388 = arith.constant 0 : i32
      %dma_wait3A_389 = tpu.memref_slice %arg7[%dma_wait3A_387, %dma_wait3A_388] : memref<10112x128xbf16, #tpu.memory_space<vmem_shared>> -> memref<10112x128xbf16, #tpu.memory_space<vmem_shared>>
      tpu.wait_indirect_dma semaphore(%arg21 : memref<!tpu.dma_semaphore, #tpu.memory_space<semaphore_mem>>) src(%arg17 : memref<128x128xbf16, #tpu.memory_space<vmem>>) dst(%dma_wait3A_389 : memref<10112x128xbf16, #tpu.memory_space<vmem_shared>>)
      %add3A_390 = arith.constant 1 : i32
      %add3A_391 = arith.addi %mul3A_303, %add3A_390 : i32
      %rem3A_392 = arith.constant 20 : i32
      %rem3A_393 = arith.remsi %add3A_391, %rem3A_392 : i32
      %mul3A_394 = arith.constant 4 : i32
      %mul3A_395 = arith.muli %rem3A_393, %mul3A_394 : i32
      %add3A_396 = arith.constant 0 : i32
      %add3A_397 = arith.addi %mul3A_395, %add3A_396 : i32
      %dma_start3A_398 = arith.constant 0 : i32
      %dma_start3A_399 = tpu.memref_slice %arg8[%add3A_397, %dma_start3A_398] : memref<80x128xi32, #tpu.memory_space<vmem>> -> memref<1x128xi32, #tpu.memory_space<vmem>>
      %dma_start3A_400 = tpu.memref_squeeze %dma_start3A_399 : memref<1x128xi32, #tpu.memory_space<vmem>> -> memref<128xi32, #tpu.memory_space<vmem>>
      %dma_start3A_401 = arith.constant 0 : i32
      %dma_start3A_402 = arith.constant 0 : i32
      %dma_start3A_403 = tpu.memref_slice %arg2[%dma_start3A_401, %dma_start3A_402] : memref<10000x128xbf16, #tpu.memory_space<hbm>> -> memref<10000x128xbf16, #tpu.memory_space<hbm>>
      tpu.enqueue_indirect_dma source(%dma_start3A_403 : memref<10000x128xbf16, #tpu.memory_space<hbm>>) target(%arg14 : memref<128x128xbf16, #tpu.memory_space<vmem>>) offsets(%dma_start3A_400 : memref<128xi32, #tpu.memory_space<vmem>>) semaphore(%arg19 : memref<!tpu.dma_semaphore, #tpu.memory_space<semaphore_mem>>)
      %add3A_404 = arith.constant 1 : i32
      %add3A_405 = arith.addi %mul3A_395, %add3A_404 : i32
      %dma_start3A_406 = arith.constant 0 : i32
      %dma_start3A_407 = tpu.memref_slice %arg8[%add3A_405, %dma_start3A_406] : memref<80x128xi32, #tpu.memory_space<vmem>> -> memref<1x128xi32, #tpu.memory_space<vmem>>
      %dma_start3A_408 = tpu.memref_squeeze %dma_start3A_407 : memref<1x128xi32, #tpu.memory_space<vmem>> -> memref<128xi32, #tpu.memory_space<vmem>>
      %dma_start3A_409 = arith.constant 0 : i32
      %dma_start3A_410 = arith.constant 0 : i32
      %dma_start3A_411 = tpu.memref_slice %arg2[%dma_start3A_409, %dma_start3A_410] : memref<10000x128xbf16, #tpu.memory_space<hbm>> -> memref<10000x128xbf16, #tpu.memory_space<hbm>>
      tpu.enqueue_indirect_dma source(%dma_start3A_411 : memref<10000x128xbf16, #tpu.memory_space<hbm>>) target(%arg15 : memref<128x128xbf16, #tpu.memory_space<vmem>>) offsets(%dma_start3A_408 : memref<128xi32, #tpu.memory_space<vmem>>) semaphore(%arg19 : memref<!tpu.dma_semaphore, #tpu.memory_space<semaphore_mem>>)
      %add3A_412 = arith.constant 2 : i32
      %add3A_413 = arith.addi %mul3A_395, %add3A_412 : i32
      %dma_start3A_414 = arith.constant 0 : i32
      %dma_start3A_415 = tpu.memref_slice %arg8[%add3A_413, %dma_start3A_414] : memref<80x128xi32, #tpu.memory_space<vmem>> -> memref<1x128xi32, #tpu.memory_space<vmem>>
      %dma_start3A_416 = tpu.memref_squeeze %dma_start3A_415 : memref<1x128xi32, #tpu.memory_space<vmem>> -> memref<128xi32, #tpu.memory_space<vmem>>
      %dma_start3A_417 = arith.constant 0 : i32
      %dma_start3A_418 = arith.constant 0 : i32
      %dma_start3A_419 = tpu.memref_slice %arg2[%dma_start3A_417, %dma_start3A_418] : memref<10000x128xbf16, #tpu.memory_space<hbm>> -> memref<10000x128xbf16, #tpu.memory_space<hbm>>
      tpu.enqueue_indirect_dma source(%dma_start3A_419 : memref<10000x128xbf16, #tpu.memory_space<hbm>>) target(%arg16 : memref<128x128xbf16, #tpu.memory_space<vmem>>) offsets(%dma_start3A_416 : memref<128xi32, #tpu.memory_space<vmem>>) semaphore(%arg19 : memref<!tpu.dma_semaphore, #tpu.memory_space<semaphore_mem>>)
      %add3A_420 = arith.constant 3 : i32
      %add3A_421 = arith.addi %mul3A_395, %add3A_420 : i32
      %dma_start3A_422 = arith.constant 0 : i32
      %dma_start3A_423 = tpu.memref_slice %arg8[%add3A_421, %dma_start3A_422] : memref<80x128xi32, #tpu.memory_space<vmem>> -> memref<1x128xi32, #tpu.memory_space<vmem>>
      %dma_start3A_424 = tpu.memref_squeeze %dma_start3A_423 : memref<1x128xi32, #tpu.memory_space<vmem>> -> memref<128xi32, #tpu.memory_space<vmem>>
      %dma_start3A_425 = arith.constant 0 : i32
      %dma_start3A_426 = arith.constant 0 : i32
      %dma_start3A_427 = tpu.memref_slice %arg2[%dma_start3A_425, %dma_start3A_426] : memref<10000x128xbf16, #tpu.memory_space<hbm>> -> memref<10000x128xbf16, #tpu.memory_space<hbm>>
      tpu.enqueue_indirect_dma source(%dma_start3A_427 : memref<10000x128xbf16, #tpu.memory_space<hbm>>) target(%arg17 : memref<128x128xbf16, #tpu.memory_space<vmem>>) offsets(%dma_start3A_424 : memref<128xi32, #tpu.memory_space<vmem>>) semaphore(%arg19 : memref<!tpu.dma_semaphore, #tpu.memory_space<semaphore_mem>>)
      %dma_wait3A_428 = arith.constant 0 : i32
      %dma_wait3A_429 = arith.constant 0 : i32
      %dma_wait3A_430 = tpu.memref_slice %arg2[%dma_wait3A_428, %dma_wait3A_429] : memref<10000x128xbf16, #tpu.memory_space<hbm>> -> memref<128x128xbf16, #tpu.memory_space<hbm>>
      %dma_wait3A_431 = arith.constant 0 : i32
      %dma_wait3A_432 = arith.constant 0 : i32
      %dma_wait3A_433 = tpu.memref_slice %arg2[%dma_wait3A_431, %dma_wait3A_432] : memref<10000x128xbf16, #tpu.memory_space<hbm>> -> memref<128x128xbf16, #tpu.memory_space<hbm>>
      tpu.wait_dma2 semaphore(%arg19 : memref<!tpu.dma_semaphore, #tpu.memory_space<semaphore_mem>>) src(%dma_wait3A_433 : memref<128x128xbf16, #tpu.memory_space<hbm>>) dst(%arg14 : memref<128x128xbf16, #tpu.memory_space<vmem>>)
      %dma_wait3A_434 = arith.constant 0 : i32
      %dma_wait3A_435 = arith.constant 0 : i32
      %dma_wait3A_436 = tpu.memref_slice %arg2[%dma_wait3A_434, %dma_wait3A_435] : memref<10000x128xbf16, #tpu.memory_space<hbm>> -> memref<128x128xbf16, #tpu.memory_space<hbm>>
      %dma_wait3A_437 = arith.constant 0 : i32
      %dma_wait3A_438 = arith.constant 0 : i32
      %dma_wait3A_439 = tpu.memref_slice %arg2[%dma_wait3A_437, %dma_wait3A_438] : memref<10000x128xbf16, #tpu.memory_space<hbm>> -> memref<128x128xbf16, #tpu.memory_space<hbm>>
      tpu.wait_dma2 semaphore(%arg19 : memref<!tpu.dma_semaphore, #tpu.memory_space<semaphore_mem>>) src(%dma_wait3A_439 : memref<128x128xbf16, #tpu.memory_space<hbm>>) dst(%arg15 : memref<128x128xbf16, #tpu.memory_space<vmem>>)
      %dma_wait3A_440 = arith.constant 0 : i32
      %dma_wait3A_441 = arith.constant 0 : i32
      %dma_wait3A_442 = tpu.memref_slice %arg2[%dma_wait3A_440, %dma_wait3A_441] : memref<10000x128xbf16, #tpu.memory_space<hbm>> -> memref<128x128xbf16, #tpu.memory_space<hbm>>
      %dma_wait3A_443 = arith.constant 0 : i32
      %dma_wait3A_444 = arith.constant 0 : i32
      %dma_wait3A_445 = tpu.memref_slice %arg2[%dma_wait3A_443, %dma_wait3A_444] : memref<10000x128xbf16, #tpu.memory_space<hbm>> -> memref<128x128xbf16, #tpu.memory_space<hbm>>
      tpu.wait_dma2 semaphore(%arg19 : memref<!tpu.dma_semaphore, #tpu.memory_space<semaphore_mem>>) src(%dma_wait3A_445 : memref<128x128xbf16, #tpu.memory_space<hbm>>) dst(%arg16 : memref<128x128xbf16, #tpu.memory_space<vmem>>)
      %dma_wait3A_446 = arith.constant 0 : i32
      %dma_wait3A_447 = arith.constant 0 : i32
      %dma_wait3A_448 = tpu.memref_slice %arg2[%dma_wait3A_446, %dma_wait3A_447] : memref<10000x128xbf16, #tpu.memory_space<hbm>> -> memref<128x128xbf16, #tpu.memory_space<hbm>>
      %dma_wait3A_449 = arith.constant 0 : i32
      %dma_wait3A_450 = arith.constant 0 : i32
      %dma_wait3A_451 = tpu.memref_slice %arg2[%dma_wait3A_449, %dma_wait3A_450] : memref<10000x128xbf16, #tpu.memory_space<hbm>> -> memref<128x128xbf16, #tpu.memory_space<hbm>>
      tpu.wait_dma2 semaphore(%arg19 : memref<!tpu.dma_semaphore, #tpu.memory_space<semaphore_mem>>) src(%dma_wait3A_451 : memref<128x128xbf16, #tpu.memory_space<hbm>>) dst(%arg17 : memref<128x128xbf16, #tpu.memory_space<vmem>>)
      %add3A_452 = arith.constant 1 : i32
      %add3A_453 = arith.addi %mul3A_303, %add3A_452 : i32
      %mul3A_454 = arith.constant 4 : i32
      %mul3A_455 = arith.muli %add3A_453, %mul3A_454 : i32
      %add3A_456 = arith.constant 0 : i32
      %add3A_457 = arith.addi %mul3A_455, %add3A_456 : i32
      %dma_start3A_458 = arith.constant 0 : i32
      %dma_start3A_459 = tpu.memref_slice %arg9[%add3A_457, %dma_start3A_458] : memref<80x128xi32, #tpu.memory_space<vmem>> -> memref<1x128xi32, #tpu.memory_space<vmem>>
      %dma_start3A_460 = tpu.memref_squeeze %dma_start3A_459 : memref<1x128xi32, #tpu.memory_space<vmem>> -> memref<128xi32, #tpu.memory_space<vmem>>
      %dma_start3A_461 = arith.constant 0 : i32
      %dma_start3A_462 = arith.constant 0 : i32
      %dma_start3A_463 = tpu.memref_slice %arg7[%dma_start3A_461, %dma_start3A_462] : memref<10112x128xbf16, #tpu.memory_space<vmem_shared>> -> memref<10112x128xbf16, #tpu.memory_space<vmem_shared>>
      tpu.enqueue_indirect_dma source(%arg14 : memref<128x128xbf16, #tpu.memory_space<vmem>>) target(%dma_start3A_463 : memref<10112x128xbf16, #tpu.memory_space<vmem_shared>>) offsets(%dma_start3A_460 : memref<128xi32, #tpu.memory_space<vmem>>) semaphore(%arg21 : memref<!tpu.dma_semaphore, #tpu.memory_space<semaphore_mem>>) {add = true}
      %add3A_464 = arith.constant 1 : i32
      %add3A_465 = arith.addi %mul3A_455, %add3A_464 : i32
      %dma_start3A_466 = arith.constant 0 : i32
      %dma_start3A_467 = tpu.memref_slice %arg9[%add3A_465, %dma_start3A_466] : memref<80x128xi32, #tpu.memory_space<vmem>> -> memref<1x128xi32, #tpu.memory_space<vmem>>
      %dma_start3A_468 = tpu.memref_squeeze %dma_start3A_467 : memref<1x128xi32, #tpu.memory_space<vmem>> -> memref<128xi32, #tpu.memory_space<vmem>>
      %dma_start3A_469 = arith.constant 0 : i32
      %dma_start3A_470 = arith.constant 0 : i32
      %dma_start3A_471 = tpu.memref_slice %arg7[%dma_start3A_469, %dma_start3A_470] : memref<10112x128xbf16, #tpu.memory_space<vmem_shared>> -> memref<10112x128xbf16, #tpu.memory_space<vmem_shared>>
      tpu.enqueue_indirect_dma source(%arg15 : memref<128x128xbf16, #tpu.memory_space<vmem>>) target(%dma_start3A_471 : memref<10112x128xbf16, #tpu.memory_space<vmem_shared>>) offsets(%dma_start3A_468 : memref<128xi32, #tpu.memory_space<vmem>>) semaphore(%arg21 : memref<!tpu.dma_semaphore, #tpu.memory_space<semaphore_mem>>) {add = true}
      %add3A_472 = arith.constant 2 : i32
      %add3A_473 = arith.addi %mul3A_455, %add3A_472 : i32
      %dma_start3A_474 = arith.constant 0 : i32
      %dma_start3A_475 = tpu.memref_slice %arg9[%add3A_473, %dma_start3A_474] : memref<80x128xi32, #tpu.memory_space<vmem>> -> memref<1x128xi32, #tpu.memory_space<vmem>>
      %dma_start3A_476 = tpu.memref_squeeze %dma_start3A_475 : memref<1x128xi32, #tpu.memory_space<vmem>> -> memref<128xi32, #tpu.memory_space<vmem>>
      %dma_start3A_477 = arith.constant 0 : i32
      %dma_start3A_478 = arith.constant 0 : i32
      %dma_start3A_479 = tpu.memref_slice %arg7[%dma_start3A_477, %dma_start3A_478] : memref<10112x128xbf16, #tpu.memory_space<vmem_shared>> -> memref<10112x128xbf16, #tpu.memory_space<vmem_shared>>
      tpu.enqueue_indirect_dma source(%arg16 : memref<128x128xbf16, #tpu.memory_space<vmem>>) target(%dma_start3A_479 : memref<10112x128xbf16, #tpu.memory_space<vmem_shared>>) offsets(%dma_start3A_476 : memref<128xi32, #tpu.memory_space<vmem>>) semaphore(%arg21 : memref<!tpu.dma_semaphore, #tpu.memory_space<semaphore_mem>>) {add = true}
      %add3A_480 = arith.constant 3 : i32
      %add3A_481 = arith.addi %mul3A_455, %add3A_480 : i32
      %dma_start3A_482 = arith.constant 0 : i32
      %dma_start3A_483 = tpu.memref_slice %arg9[%add3A_481, %dma_start3A_482] : memref<80x128xi32, #tpu.memory_space<vmem>> -> memref<1x128xi32, #tpu.memory_space<vmem>>
      %dma_start3A_484 = tpu.memref_squeeze %dma_start3A_483 : memref<1x128xi32, #tpu.memory_space<vmem>> -> memref<128xi32, #tpu.memory_space<vmem>>
      %dma_start3A_485 = arith.constant 0 : i32
      %dma_start3A_486 = arith.constant 0 : i32
      %dma_start3A_487 = tpu.memref_slice %arg7[%dma_start3A_485, %dma_start3A_486] : memref<10112x128xbf16, #tpu.memory_space<vmem_shared>> -> memref<10112x128xbf16, #tpu.memory_space<vmem_shared>>
      tpu.enqueue_indirect_dma source(%arg17 : memref<128x128xbf16, #tpu.memory_space<vmem>>) target(%dma_start3A_487 : memref<10112x128xbf16, #tpu.memory_space<vmem_shared>>) offsets(%dma_start3A_484 : memref<128xi32, #tpu.memory_space<vmem>>) semaphore(%arg21 : memref<!tpu.dma_semaphore, #tpu.memory_space<semaphore_mem>>) {add = true}
      %dma_wait3A_488 = arith.constant 0 : i32
      %dma_wait3A_489 = arith.constant 0 : i32
      %dma_wait3A_490 = tpu.memref_slice %arg9[%dma_wait3A_488, %dma_wait3A_489] : memref<80x128xi32, #tpu.memory_space<vmem>> -> memref<1x128xi32, #tpu.memory_space<vmem>>
      %dma_wait3A_491 = tpu.memref_squeeze %dma_wait3A_490 : memref<1x128xi32, #tpu.memory_space<vmem>> -> memref<128xi32, #tpu.memory_space<vmem>>
      %dma_wait3A_492 = arith.constant 0 : i32
      %dma_wait3A_493 = arith.constant 0 : i32
      %dma_wait3A_494 = tpu.memref_slice %arg7[%dma_wait3A_492, %dma_wait3A_493] : memref<10112x128xbf16, #tpu.memory_space<vmem_shared>> -> memref<10112x128xbf16, #tpu.memory_space<vmem_shared>>
      tpu.wait_indirect_dma semaphore(%arg20 : memref<!tpu.dma_semaphore, #tpu.memory_space<semaphore_mem>>) src(%arg10 : memref<128x128xbf16, #tpu.memory_space<vmem>>) dst(%dma_wait3A_494 : memref<10112x128xbf16, #tpu.memory_space<vmem_shared>>)
      %dma_wait3A_495 = arith.constant 0 : i32
      %dma_wait3A_496 = arith.constant 0 : i32
      %dma_wait3A_497 = tpu.memref_slice %arg9[%dma_wait3A_495, %dma_wait3A_496] : memref<80x128xi32, #tpu.memory_space<vmem>> -> memref<1x128xi32, #tpu.memory_space<vmem>>
      %dma_wait3A_498 = tpu.memref_squeeze %dma_wait3A_497 : memref<1x128xi32, #tpu.memory_space<vmem>> -> memref<128xi32, #tpu.memory_space<vmem>>
      %dma_wait3A_499 = arith.constant 0 : i32
      %dma_wait3A_500 = arith.constant 0 : i32
      %dma_wait3A_501 = tpu.memref_slice %arg7[%dma_wait3A_499, %dma_wait3A_500] : memref<10112x128xbf16, #tpu.memory_space<vmem_shared>> -> memref<10112x128xbf16, #tpu.memory_space<vmem_shared>>
      tpu.wait_indirect_dma semaphore(%arg20 : memref<!tpu.dma_semaphore, #tpu.memory_space<semaphore_mem>>) src(%arg11 : memref<128x128xbf16, #tpu.memory_space<vmem>>) dst(%dma_wait3A_501 : memref<10112x128xbf16, #tpu.memory_space<vmem_shared>>)
      %dma_wait3A_502 = arith.constant 0 : i32
      %dma_wait3A_503 = arith.constant 0 : i32
      %dma_wait3A_504 = tpu.memref_slice %arg9[%dma_wait3A_502, %dma_wait3A_503] : memref<80x128xi32, #tpu.memory_space<vmem>> -> memref<1x128xi32, #tpu.memory_space<vmem>>
      %dma_wait3A_505 = tpu.memref_squeeze %dma_wait3A_504 : memref<1x128xi32, #tpu.memory_space<vmem>> -> memref<128xi32, #tpu.memory_space<vmem>>
      %dma_wait3A_506 = arith.constant 0 : i32
      %dma_wait3A_507 = arith.constant 0 : i32
      %dma_wait3A_508 = tpu.memref_slice %arg7[%dma_wait3A_506, %dma_wait3A_507] : memref<10112x128xbf16, #tpu.memory_space<vmem_shared>> -> memref<10112x128xbf16, #tpu.memory_space<vmem_shared>>
      tpu.wait_indirect_dma semaphore(%arg20 : memref<!tpu.dma_semaphore, #tpu.memory_space<semaphore_mem>>) src(%arg12 : memref<128x128xbf16, #tpu.memory_space<vmem>>) dst(%dma_wait3A_508 : memref<10112x128xbf16, #tpu.memory_space<vmem_shared>>)
      %dma_wait3A_509 = arith.constant 0 : i32
      %dma_wait3A_510 = arith.constant 0 : i32
      %dma_wait3A_511 = tpu.memref_slice %arg9[%dma_wait3A_509, %dma_wait3A_510] : memref<80x128xi32, #tpu.memory_space<vmem>> -> memref<1x128xi32, #tpu.memory_space<vmem>>
      %dma_wait3A_512 = tpu.memref_squeeze %dma_wait3A_511 : memref<1x128xi32, #tpu.memory_space<vmem>> -> memref<128xi32, #tpu.memory_space<vmem>>
      %dma_wait3A_513 = arith.constant 0 : i32
      %dma_wait3A_514 = arith.constant 0 : i32
      %dma_wait3A_515 = tpu.memref_slice %arg7[%dma_wait3A_513, %dma_wait3A_514] : memref<10112x128xbf16, #tpu.memory_space<vmem_shared>> -> memref<10112x128xbf16, #tpu.memory_space<vmem_shared>>
      tpu.wait_indirect_dma semaphore(%arg20 : memref<!tpu.dma_semaphore, #tpu.memory_space<semaphore_mem>>) src(%arg13 : memref<128x128xbf16, #tpu.memory_space<vmem>>) dst(%dma_wait3A_515 : memref<10112x128xbf16, #tpu.memory_space<vmem_shared>>)
      %add3A_516 = arith.constant 2 : i32
      %add3A_517 = arith.addi %mul3A_303, %add3A_516 : i32
      %rem3A_518 = arith.constant 20 : i32
      %rem3A_519 = arith.remsi %add3A_517, %rem3A_518 : i32
      %mul3A_520 = arith.constant 4 : i32
      %mul3A_521 = arith.muli %rem3A_519, %mul3A_520 : i32
      %add3A_522 = arith.constant 0 : i32
      %add3A_523 = arith.addi %mul3A_521, %add3A_522 : i32
      %dma_start3A_524 = arith.constant 0 : i32
      %dma_start3A_525 = tpu.memref_slice %arg8[%add3A_523, %dma_start3A_524] : memref<80x128xi32, #tpu.memory_space<vmem>> -> memref<1x128xi32, #tpu.memory_space<vmem>>
      %dma_start3A_526 = tpu.memref_squeeze %dma_start3A_525 : memref<1x128xi32, #tpu.memory_space<vmem>> -> memref<128xi32, #tpu.memory_space<vmem>>
      %dma_start3A_527 = arith.constant 0 : i32
      %dma_start3A_528 = arith.constant 0 : i32
      %dma_start3A_529 = tpu.memref_slice %arg2[%dma_start3A_527, %dma_start3A_528] : memref<10000x128xbf16, #tpu.memory_space<hbm>> -> memref<10000x128xbf16, #tpu.memory_space<hbm>>
      tpu.enqueue_indirect_dma source(%dma_start3A_529 : memref<10000x128xbf16, #tpu.memory_space<hbm>>) target(%arg10 : memref<128x128xbf16, #tpu.memory_space<vmem>>) offsets(%dma_start3A_526 : memref<128xi32, #tpu.memory_space<vmem>>) semaphore(%arg18 : memref<!tpu.dma_semaphore, #tpu.memory_space<semaphore_mem>>)
      %add3A_530 = arith.constant 1 : i32
      %add3A_531 = arith.addi %mul3A_521, %add3A_530 : i32
      %dma_start3A_532 = arith.constant 0 : i32
      %dma_start3A_533 = tpu.memref_slice %arg8[%add3A_531, %dma_start3A_532] : memref<80x128xi32, #tpu.memory_space<vmem>> -> memref<1x128xi32, #tpu.memory_space<vmem>>
      %dma_start3A_534 = tpu.memref_squeeze %dma_start3A_533 : memref<1x128xi32, #tpu.memory_space<vmem>> -> memref<128xi32, #tpu.memory_space<vmem>>
      %dma_start3A_535 = arith.constant 0 : i32
      %dma_start3A_536 = arith.constant 0 : i32
      %dma_start3A_537 = tpu.memref_slice %arg2[%dma_start3A_535, %dma_start3A_536] : memref<10000x128xbf16, #tpu.memory_space<hbm>> -> memref<10000x128xbf16, #tpu.memory_space<hbm>>
      tpu.enqueue_indirect_dma source(%dma_start3A_537 : memref<10000x128xbf16, #tpu.memory_space<hbm>>) target(%arg11 : memref<128x128xbf16, #tpu.memory_space<vmem>>) offsets(%dma_start3A_534 : memref<128xi32, #tpu.memory_space<vmem>>) semaphore(%arg18 : memref<!tpu.dma_semaphore, #tpu.memory_space<semaphore_mem>>)
      %add3A_538 = arith.constant 2 : i32
      %add3A_539 = arith.addi %mul3A_521, %add3A_538 : i32
      %dma_start3A_540 = arith.constant 0 : i32
      %dma_start3A_541 = tpu.memref_slice %arg8[%add3A_539, %dma_start3A_540] : memref<80x128xi32, #tpu.memory_space<vmem>> -> memref<1x128xi32, #tpu.memory_space<vmem>>
      %dma_start3A_542 = tpu.memref_squeeze %dma_start3A_541 : memref<1x128xi32, #tpu.memory_space<vmem>> -> memref<128xi32, #tpu.memory_space<vmem>>
      %dma_start3A_543 = arith.constant 0 : i32
      %dma_start3A_544 = arith.constant 0 : i32
      %dma_start3A_545 = tpu.memref_slice %arg2[%dma_start3A_543, %dma_start3A_544] : memref<10000x128xbf16, #tpu.memory_space<hbm>> -> memref<10000x128xbf16, #tpu.memory_space<hbm>>
      tpu.enqueue_indirect_dma source(%dma_start3A_545 : memref<10000x128xbf16, #tpu.memory_space<hbm>>) target(%arg12 : memref<128x128xbf16, #tpu.memory_space<vmem>>) offsets(%dma_start3A_542 : memref<128xi32, #tpu.memory_space<vmem>>) semaphore(%arg18 : memref<!tpu.dma_semaphore, #tpu.memory_space<semaphore_mem>>)
      %add3A_546 = arith.constant 3 : i32
      %add3A_547 = arith.addi %mul3A_521, %add3A_546 : i32
      %dma_start3A_548 = arith.constant 0 : i32
      %dma_start3A_549 = tpu.memref_slice %arg8[%add3A_547, %dma_start3A_548] : memref<80x128xi32, #tpu.memory_space<vmem>> -> memref<1x128xi32, #tpu.memory_space<vmem>>
      %dma_start3A_550 = tpu.memref_squeeze %dma_start3A_549 : memref<1x128xi32, #tpu.memory_space<vmem>> -> memref<128xi32, #tpu.memory_space<vmem>>
      %dma_start3A_551 = arith.constant 0 : i32
      %dma_start3A_552 = arith.constant 0 : i32
      %dma_start3A_553 = tpu.memref_slice %arg2[%dma_start3A_551, %dma_start3A_552] : memref<10000x128xbf16, #tpu.memory_space<hbm>> -> memref<10000x128xbf16, #tpu.memory_space<hbm>>
      tpu.enqueue_indirect_dma source(%dma_start3A_553 : memref<10000x128xbf16, #tpu.memory_space<hbm>>) target(%arg13 : memref<128x128xbf16, #tpu.memory_space<vmem>>) offsets(%dma_start3A_550 : memref<128xi32, #tpu.memory_space<vmem>>) semaphore(%arg18 : memref<!tpu.dma_semaphore, #tpu.memory_space<semaphore_mem>>)
    }
    %scan3A_247 = arith.constant 9 : i32
    %dma_wait3A_248 = arith.constant 0 : i32
    %dma_wait3A_249 = arith.constant 0 : i32
    %dma_wait3A_250 = tpu.memref_slice %arg2[%dma_wait3A_248, %dma_wait3A_249] : memref<10000x128xbf16, #tpu.memory_space<hbm>> -> memref<128x128xbf16, #tpu.memory_space<hbm>>
    %dma_wait3A_251 = arith.constant 0 : i32
    %dma_wait3A_252 = arith.constant 0 : i32
    %dma_wait3A_253 = tpu.memref_slice %arg2[%dma_wait3A_251, %dma_wait3A_252] : memref<10000x128xbf16, #tpu.memory_space<hbm>> -> memref<128x128xbf16, #tpu.memory_space<hbm>>
    tpu.wait_dma2 semaphore(%arg18 : memref<!tpu.dma_semaphore, #tpu.memory_space<semaphore_mem>>) src(%dma_wait3A_253 : memref<128x128xbf16, #tpu.memory_space<hbm>>) dst(%arg10 : memref<128x128xbf16, #tpu.memory_space<vmem>>)
    %dma_wait3A_254 = arith.constant 0 : i32
    %dma_wait3A_255 = arith.constant 0 : i32
    %dma_wait3A_256 = tpu.memref_slice %arg2[%dma_wait3A_254, %dma_wait3A_255] : memref<10000x128xbf16, #tpu.memory_space<hbm>> -> memref<128x128xbf16, #tpu.memory_space<hbm>>
    %dma_wait3A_257 = arith.constant 0 : i32
    %dma_wait3A_258 = arith.constant 0 : i32
    %dma_wait3A_259 = tpu.memref_slice %arg2[%dma_wait3A_257, %dma_wait3A_258] : memref<10000x128xbf16, #tpu.memory_space<hbm>> -> memref<128x128xbf16, #tpu.memory_space<hbm>>
    tpu.wait_dma2 semaphore(%arg18 : memref<!tpu.dma_semaphore, #tpu.memory_space<semaphore_mem>>) src(%dma_wait3A_259 : memref<128x128xbf16, #tpu.memory_space<hbm>>) dst(%arg11 : memref<128x128xbf16, #tpu.memory_space<vmem>>)
    %dma_wait3A_260 = arith.constant 0 : i32
    %dma_wait3A_261 = arith.constant 0 : i32
    %dma_wait3A_262 = tpu.memref_slice %arg2[%dma_wait3A_260, %dma_wait3A_261] : memref<10000x128xbf16, #tpu.memory_space<hbm>> -> memref<128x128xbf16, #tpu.memory_space<hbm>>
    %dma_wait3A_263 = arith.constant 0 : i32
    %dma_wait3A_264 = arith.constant 0 : i32
    %dma_wait3A_265 = tpu.memref_slice %arg2[%dma_wait3A_263, %dma_wait3A_264] : memref<10000x128xbf16, #tpu.memory_space<hbm>> -> memref<128x128xbf16, #tpu.memory_space<hbm>>
    tpu.wait_dma2 semaphore(%arg18 : memref<!tpu.dma_semaphore, #tpu.memory_space<semaphore_mem>>) src(%dma_wait3A_265 : memref<128x128xbf16, #tpu.memory_space<hbm>>) dst(%arg12 : memref<128x128xbf16, #tpu.memory_space<vmem>>)
    %dma_wait3A_266 = arith.constant 0 : i32
    %dma_wait3A_267 = arith.constant 0 : i32
    %dma_wait3A_268 = tpu.memref_slice %arg2[%dma_wait3A_266, %dma_wait3A_267] : memref<10000x128xbf16, #tpu.memory_space<hbm>> -> memref<128x128xbf16, #tpu.memory_space<hbm>>
    %dma_wait3A_269 = arith.constant 0 : i32
    %dma_wait3A_270 = arith.constant 0 : i32
    %dma_wait3A_271 = tpu.memref_slice %arg2[%dma_wait3A_269, %dma_wait3A_270] : memref<10000x128xbf16, #tpu.memory_space<hbm>> -> memref<128x128xbf16, #tpu.memory_space<hbm>>
    tpu.wait_dma2 semaphore(%arg18 : memref<!tpu.dma_semaphore, #tpu.memory_space<semaphore_mem>>) src(%dma_wait3A_271 : memref<128x128xbf16, #tpu.memory_space<hbm>>) dst(%arg13 : memref<128x128xbf16, #tpu.memory_space<vmem>>)
    %dma_wait3A_272 = arith.constant 0 : i32
    %dma_wait3A_273 = arith.constant 0 : i32
    %dma_wait3A_274 = tpu.memref_slice %arg9[%dma_wait3A_272, %dma_wait3A_273] : memref<80x128xi32, #tpu.memory_space<vmem>> -> memref<1x128xi32, #tpu.memory_space<vmem>>
    %dma_wait3A_275 = tpu.memref_squeeze %dma_wait3A_274 : memref<1x128xi32, #tpu.memory_space<vmem>> -> memref<128xi32, #tpu.memory_space<vmem>>
    %dma_wait3A_276 = arith.constant 0 : i32
    %dma_wait3A_277 = arith.constant 0 : i32
    %dma_wait3A_278 = tpu.memref_slice %arg7[%dma_wait3A_276, %dma_wait3A_277] : memref<10112x128xbf16, #tpu.memory_space<vmem_shared>> -> memref<10112x128xbf16, #tpu.memory_space<vmem_shared>>
    tpu.wait_indirect_dma semaphore(%arg21 : memref<!tpu.dma_semaphore, #tpu.memory_space<semaphore_mem>>) src(%arg14 : memref<128x128xbf16, #tpu.memory_space<vmem>>) dst(%dma_wait3A_278 : memref<10112x128xbf16, #tpu.memory_space<vmem_shared>>)
    %dma_wait3A_279 = arith.constant 0 : i32
    %dma_wait3A_280 = arith.constant 0 : i32
    %dma_wait3A_281 = tpu.memref_slice %arg9[%dma_wait3A_279, %dma_wait3A_280] : memref<80x128xi32, #tpu.memory_space<vmem>> -> memref<1x128xi32, #tpu.memory_space<vmem>>
    %dma_wait3A_282 = tpu.memref_squeeze %dma_wait3A_281 : memref<1x128xi32, #tpu.memory_space<vmem>> -> memref<128xi32, #tpu.memory_space<vmem>>
    %dma_wait3A_283 = arith.constant 0 : i32
    %dma_wait3A_284 = arith.constant 0 : i32
    %dma_wait3A_285 = tpu.memref_slice %arg7[%dma_wait3A_283, %dma_wait3A_284] : memref<10112x128xbf16, #tpu.memory_space<vmem_shared>> -> memref<10112x128xbf16, #tpu.memory_space<vmem_shared>>
    tpu.wait_indirect_dma semaphore(%arg21 : memref<!tpu.dma_semaphore, #tpu.memory_space<semaphore_mem>>) src(%arg15 : memref<128x128xbf16, #tpu.memory_space<vmem>>) dst(%dma_wait3A_285 : memref<10112x128xbf16, #tpu.memory_space<vmem_shared>>)
    %dma_wait3A_286 = arith.constant 0 : i32
    %dma_wait3A_287 = arith.constant 0 : i32
    %dma_wait3A_288 = tpu.memref_slice %arg9[%dma_wait3A_286, %dma_wait3A_287] : memref<80x128xi32, #tpu.memory_space<vmem>> -> memref<1x128xi32, #tpu.memory_space<vmem>>
    %dma_wait3A_289 = tpu.memref_squeeze %dma_wait3A_288 : memref<1x128xi32, #tpu.memory_space<vmem>> -> memref<128xi32, #tpu.memory_space<vmem>>
    %dma_wait3A_290 = arith.constant 0 : i32
    %dma_wait3A_291 = arith.constant 0 : i32
    %dma_wait3A_292 = tpu.memref_slice %arg7[%dma_wait3A_290, %dma_wait3A_291] : memref<10112x128xbf16, #tpu.memory_space<vmem_shared>> -> memref<10112x128xbf16, #tpu.memory_space<vmem_shared>>
    tpu.wait_indirect_dma semaphore(%arg21 : memref<!tpu.dma_semaphore, #tpu.memory_space<semaphore_mem>>) src(%arg16 : memref<128x128xbf16, #tpu.memory_space<vmem>>) dst(%dma_wait3A_292 : memref<10112x128xbf16, #tpu.memory_space<vmem_shared>>)
    %dma_wait3A_293 = arith.constant 0 : i32
    %dma_wait3A_294 = arith.constant 0 : i32
    %dma_wait3A_295 = tpu.memref_slice %arg9[%dma_wait3A_293, %dma_wait3A_294] : memref<80x128xi32, #tpu.memory_space<vmem>> -> memref<1x128xi32, #tpu.memory_space<vmem>>
    %dma_wait3A_296 = tpu.memref_squeeze %dma_wait3A_295 : memref<1x128xi32, #tpu.memory_space<vmem>> -> memref<128xi32, #tpu.memory_space<vmem>>
    %dma_wait3A_297 = arith.constant 0 : i32
    %dma_wait3A_298 = arith.constant 0 : i32
    %dma_wait3A_299 = tpu.memref_slice %arg7[%dma_wait3A_297, %dma_wait3A_298] : memref<10112x128xbf16, #tpu.memory_space<vmem_shared>> -> memref<10112x128xbf16, #tpu.memory_space<vmem_shared>>
    tpu.wait_indirect_dma semaphore(%arg21 : memref<!tpu.dma_semaphore, #tpu.memory_space<semaphore_mem>>) src(%arg17 : memref<128x128xbf16, #tpu.memory_space<vmem>>) dst(%dma_wait3A_299 : memref<10112x128xbf16, #tpu.memory_space<vmem_shared>>)
    %barrier3A_300 = arith.constant 0 : index
    tpu.barrier barrier_id(%barrier3A_300)
    "tpu.region"() ({
      %run_scoped3A = tpu.sem_alloc : memref<!tpu.dma_semaphore, #tpu.memory_space<semaphore_mem>>
      %dma_start3A_301 = arith.constant 0 : i32
      %dma_start3A_302 = tpu.memref_slice %arg6[%arg0, %mul3A_2, %dma_start3A_301] : memref<2x10112x128xbf16, #tpu.memory_space<hbm>> -> memref<1x632x128xbf16, #tpu.memory_space<hbm>>
      %dma_start3A_303 = tpu.memref_squeeze %dma_start3A_302 : memref<1x632x128xbf16, #tpu.memory_space<hbm>> -> memref<632x128xbf16, #tpu.memory_space<hbm>>
      %dma_start3A_304 = arith.constant 0 : i32
      %dma_start3A_305 = tpu.memref_slice %arg7[%mul3A_2, %dma_start3A_304] : memref<10112x128xbf16, #tpu.memory_space<vmem_shared>> -> memref<632x128xbf16, #tpu.memory_space<vmem_shared>>
      tpu.enqueue_dma source(%dma_start3A_305 : memref<632x128xbf16, #tpu.memory_space<vmem_shared>>) target(%dma_start3A_303 : memref<632x128xbf16, #tpu.memory_space<hbm>>) target_semaphore(%run_scoped3A : memref<!tpu.dma_semaphore, #tpu.memory_space<semaphore_mem>>)
      %dma_wait3A_306 = arith.constant 0 : i32
      %dma_wait3A_307 = tpu.memref_slice %arg6[%arg0, %mul3A_2, %dma_wait3A_306] : memref<2x10112x128xbf16, #tpu.memory_space<hbm>> -> memref<1x632x128xbf16, #tpu.memory_space<hbm>>
      %dma_wait3A_308 = tpu.memref_squeeze %dma_wait3A_307 : memref<1x632x128xbf16, #tpu.memory_space<hbm>> -> memref<632x128xbf16, #tpu.memory_space<hbm>>
      %dma_wait3A_309 = arith.constant 0 : i32
      %dma_wait3A_310 = tpu.memref_slice %arg7[%mul3A_2, %dma_wait3A_309] : memref<10112x128xbf16, #tpu.memory_space<vmem_shared>> -> memref<632x128xbf16, #tpu.memory_space<vmem_shared>>
      tpu.wait_dma2 semaphore(%run_scoped3A : memref<!tpu.dma_semaphore, #tpu.memory_space<semaphore_mem>>) src(%dma_wait3A_310 : memref<632x128xbf16, #tpu.memory_space<vmem_shared>>) dst(%dma_wait3A_308 : memref<632x128xbf16, #tpu.memory_space<hbm>>)
      tpu.yield
    }) : () -> ()
    return
  }
}

#map = affine_map<(d0, d1) -> (0, 0)>
#map1 = affine_map<(d0, d1) -> (0, 0, 0)>
#map2 = affine_map<(d0, d1) -> (0)>
module attributes {stable_mosaic.version = 14 : i64} {
  func.func @body(%arg0: i32, %arg1: i32, %arg2: memref<10000x128xbf16, #tpu.memory_space<hbm>>, %arg3: memref<32x80x128xi32, #tpu.memory_space<hbm>>, %arg4: memref<32x80x128xi32, #tpu.memory_space<hbm>>, %arg5: memref<10112x128xbf16, #tpu.memory_space<hbm>>, %arg6: memref<10112xf32, #tpu.memory_space<hbm>>, %arg7: memref<128xf32, #tpu.memory_space<hbm>>, %arg8: memref<2x10112x128xbf16, #tpu.memory_space<hbm>>, %arg9: memref<20224xf32, #tpu.memory_space<hbm>>, %arg10: memref<10112x128xbf16, #tpu.memory_space<vmem_shared>>, %arg11: memref<10112xf32, #tpu.memory_space<vmem_shared>>, %arg12: memref<80x128xi32, #tpu.memory_space<vmem>>, %arg13: memref<80x128xi32, #tpu.memory_space<vmem>>, %arg14: memref<128xf32, #tpu.memory_space<vmem>>, %arg15: memref<632xf32, #tpu.memory_space<vmem>>, %arg16: memref<128x128xbf16, #tpu.memory_space<vmem>>, %arg17: memref<128x128xbf16, #tpu.memory_space<vmem>>, %arg18: memref<128x128xbf16, #tpu.memory_space<vmem>>, %arg19: memref<128x128xbf16, #tpu.memory_space<vmem>>, %arg20: memref<128x128xbf16, #tpu.memory_space<vmem>>, %arg21: memref<128x128xbf16, #tpu.memory_space<vmem>>, %arg22: memref<128x128xbf16, #tpu.memory_space<vmem>>, %arg23: memref<128x128xbf16, #tpu.memory_space<vmem>>, %arg24: memref<!tpu.dma_semaphore, #tpu.memory_space<semaphore_mem>>, %arg25: memref<!tpu.dma_semaphore, #tpu.memory_space<semaphore_mem>>, %arg26: memref<!tpu.dma_semaphore, #tpu.memory_space<semaphore_mem>>, %arg27: memref<!tpu.dma_semaphore, #tpu.memory_space<semaphore_mem>>, %arg28: memref<!tpu.dma_semaphore, #tpu.memory_space<semaphore_mem>>) attributes {dimension_semantics = [#tpu.dimension_semantics<core_parallel>, #tpu.dimension_semantics<subcore_parallel>], iteration_bounds = array<i64: 2, 16>, scalar_prefetch = 0 : i64, scratch_operands = 19 : i64, tpu.core_type = #tpu.core_type<sc_vector_subcore>, window_params = [{transform_indices = #map}, {transform_indices = #map1}, {transform_indices = #map1}, {transform_indices = #map}, {transform_indices = #map2}, {transform_indices = #map2}, {transform_indices = #map1}, {transform_indices = #map2}]} {
    %mul3A = arith.constant 16 : i32
    %mul3A_0 = arith.muli %arg0, %mul3A : i32
    %add3A = arith.addi %mul3A_0, %arg1 : i32
    %mul3A_1 = arith.constant 632 : i32
    %mul3A_2 = arith.muli %arg1, %mul3A_1 : i32
    "tpu.region"() ({
      %run_scoped3A = tpu.sem_alloc : memref<!tpu.dma_semaphore, #tpu.memory_space<semaphore_mem>>
      %dma_start3A_358 = arith.constant 0 : i32
      %dma_start3A_359 = tpu.memref_slice %arg10[%mul3A_2, %dma_start3A_358] : memref<10112x128xbf16, #tpu.memory_space<vmem_shared>> -> memref<632x128xbf16, #tpu.memory_space<vmem_shared>>
      %dma_start3A_360 = arith.constant 0 : i32
      %dma_start3A_361 = tpu.memref_slice %arg5[%mul3A_2, %dma_start3A_360] : memref<10112x128xbf16, #tpu.memory_space<hbm>> -> memref<632x128xbf16, #tpu.memory_space<hbm>>
      tpu.enqueue_dma source(%dma_start3A_361 : memref<632x128xbf16, #tpu.memory_space<hbm>>) target(%dma_start3A_359 : memref<632x128xbf16, #tpu.memory_space<vmem_shared>>) target_semaphore(%run_scoped3A : memref<!tpu.dma_semaphore, #tpu.memory_space<semaphore_mem>>)
      %dma_wait3A_362 = arith.constant 0 : i32
      %dma_wait3A_363 = tpu.memref_slice %arg10[%mul3A_2, %dma_wait3A_362] : memref<10112x128xbf16, #tpu.memory_space<vmem_shared>> -> memref<632x128xbf16, #tpu.memory_space<vmem_shared>>
      %dma_wait3A_364 = arith.constant 0 : i32
      %dma_wait3A_365 = tpu.memref_slice %arg5[%mul3A_2, %dma_wait3A_364] : memref<10112x128xbf16, #tpu.memory_space<hbm>> -> memref<632x128xbf16, #tpu.memory_space<hbm>>
      tpu.wait_dma2 semaphore(%run_scoped3A : memref<!tpu.dma_semaphore, #tpu.memory_space<semaphore_mem>>) src(%dma_wait3A_365 : memref<632x128xbf16, #tpu.memory_space<hbm>>) dst(%dma_wait3A_363 : memref<632x128xbf16, #tpu.memory_space<vmem_shared>>)
      tpu.yield
    }) : () -> ()
    "tpu.region"() ({
      %run_scoped3A = tpu.sem_alloc : memref<!tpu.dma_semaphore, #tpu.memory_space<semaphore_mem>>
      %dma_start3A_358 = arith.constant 0 : i32
      %dma_start3A_359 = arith.constant 0 : i32
      %dma_start3A_360 = tpu.memref_slice %arg3[%add3A, %dma_start3A_358, %dma_start3A_359] : memref<32x80x128xi32, #tpu.memory_space<hbm>> -> memref<1x80x128xi32, #tpu.memory_space<hbm>>
      %dma_start3A_361 = tpu.memref_squeeze %dma_start3A_360 : memref<1x80x128xi32, #tpu.memory_space<hbm>> -> memref<80x128xi32, #tpu.memory_space<hbm>>
      %dma_start3A_362 = arith.constant 0 : i32
      %dma_start3A_363 = arith.constant 0 : i32
      %dma_start3A_364 = tpu.memref_slice %arg3[%add3A, %dma_start3A_362, %dma_start3A_363] : memref<32x80x128xi32, #tpu.memory_space<hbm>> -> memref<1x80x128xi32, #tpu.memory_space<hbm>>
      %dma_start3A_365 = tpu.memref_squeeze %dma_start3A_364 : memref<1x80x128xi32, #tpu.memory_space<hbm>> -> memref<80x128xi32, #tpu.memory_space<hbm>>
      tpu.enqueue_dma source(%dma_start3A_365 : memref<80x128xi32, #tpu.memory_space<hbm>>) target(%arg12 : memref<80x128xi32, #tpu.memory_space<vmem>>) target_semaphore(%run_scoped3A : memref<!tpu.dma_semaphore, #tpu.memory_space<semaphore_mem>>)
      %dma_wait3A_366 = arith.constant 0 : i32
      %dma_wait3A_367 = arith.constant 0 : i32
      %dma_wait3A_368 = tpu.memref_slice %arg3[%add3A, %dma_wait3A_366, %dma_wait3A_367] : memref<32x80x128xi32, #tpu.memory_space<hbm>> -> memref<1x80x128xi32, #tpu.memory_space<hbm>>
      %dma_wait3A_369 = tpu.memref_squeeze %dma_wait3A_368 : memref<1x80x128xi32, #tpu.memory_space<hbm>> -> memref<80x128xi32, #tpu.memory_space<hbm>>
      %dma_wait3A_370 = arith.constant 0 : i32
      %dma_wait3A_371 = arith.constant 0 : i32
      %dma_wait3A_372 = tpu.memref_slice %arg3[%add3A, %dma_wait3A_370, %dma_wait3A_371] : memref<32x80x128xi32, #tpu.memory_space<hbm>> -> memref<1x80x128xi32, #tpu.memory_space<hbm>>
      %dma_wait3A_373 = tpu.memref_squeeze %dma_wait3A_372 : memref<1x80x128xi32, #tpu.memory_space<hbm>> -> memref<80x128xi32, #tpu.memory_space<hbm>>
      tpu.wait_dma2 semaphore(%run_scoped3A : memref<!tpu.dma_semaphore, #tpu.memory_space<semaphore_mem>>) src(%dma_wait3A_373 : memref<80x128xi32, #tpu.memory_space<hbm>>) dst(%arg12 : memref<80x128xi32, #tpu.memory_space<vmem>>)
      tpu.yield
    }) : () -> ()
    "tpu.region"() ({
      %run_scoped3A = tpu.sem_alloc : memref<!tpu.dma_semaphore, #tpu.memory_space<semaphore_mem>>
      %dma_start3A_358 = arith.constant 0 : i32
      %dma_start3A_359 = arith.constant 0 : i32
      %dma_start3A_360 = tpu.memref_slice %arg4[%add3A, %dma_start3A_358, %dma_start3A_359] : memref<32x80x128xi32, #tpu.memory_space<hbm>> -> memref<1x80x128xi32, #tpu.memory_space<hbm>>
      %dma_start3A_361 = tpu.memref_squeeze %dma_start3A_360 : memref<1x80x128xi32, #tpu.memory_space<hbm>> -> memref<80x128xi32, #tpu.memory_space<hbm>>
      %dma_start3A_362 = arith.constant 0 : i32
      %dma_start3A_363 = arith.constant 0 : i32
      %dma_start3A_364 = tpu.memref_slice %arg4[%add3A, %dma_start3A_362, %dma_start3A_363] : memref<32x80x128xi32, #tpu.memory_space<hbm>> -> memref<1x80x128xi32, #tpu.memory_space<hbm>>
      %dma_start3A_365 = tpu.memref_squeeze %dma_start3A_364 : memref<1x80x128xi32, #tpu.memory_space<hbm>> -> memref<80x128xi32, #tpu.memory_space<hbm>>
      tpu.enqueue_dma source(%dma_start3A_365 : memref<80x128xi32, #tpu.memory_space<hbm>>) target(%arg13 : memref<80x128xi32, #tpu.memory_space<vmem>>) target_semaphore(%run_scoped3A : memref<!tpu.dma_semaphore, #tpu.memory_space<semaphore_mem>>)
      %dma_wait3A_366 = arith.constant 0 : i32
      %dma_wait3A_367 = arith.constant 0 : i32
      %dma_wait3A_368 = tpu.memref_slice %arg4[%add3A, %dma_wait3A_366, %dma_wait3A_367] : memref<32x80x128xi32, #tpu.memory_space<hbm>> -> memref<1x80x128xi32, #tpu.memory_space<hbm>>
      %dma_wait3A_369 = tpu.memref_squeeze %dma_wait3A_368 : memref<1x80x128xi32, #tpu.memory_space<hbm>> -> memref<80x128xi32, #tpu.memory_space<hbm>>
      %dma_wait3A_370 = arith.constant 0 : i32
      %dma_wait3A_371 = arith.constant 0 : i32
      %dma_wait3A_372 = tpu.memref_slice %arg4[%add3A, %dma_wait3A_370, %dma_wait3A_371] : memref<32x80x128xi32, #tpu.memory_space<hbm>> -> memref<1x80x128xi32, #tpu.memory_space<hbm>>
      %dma_wait3A_373 = tpu.memref_squeeze %dma_wait3A_372 : memref<1x80x128xi32, #tpu.memory_space<hbm>> -> memref<80x128xi32, #tpu.memory_space<hbm>>
      tpu.wait_dma2 semaphore(%run_scoped3A : memref<!tpu.dma_semaphore, #tpu.memory_space<semaphore_mem>>) src(%dma_wait3A_373 : memref<80x128xi32, #tpu.memory_space<hbm>>) dst(%arg13 : memref<80x128xi32, #tpu.memory_space<vmem>>)
      tpu.yield
    }) : () -> ()
    "tpu.region"() ({
      %run_scoped3A = tpu.sem_alloc : memref<!tpu.dma_semaphore, #tpu.memory_space<semaphore_mem>>
      %dma_start3A_358 = tpu.memref_slice %arg6[%mul3A_2] : memref<10112xf32, #tpu.memory_space<hbm>> -> memref<632xf32, #tpu.memory_space<hbm>>
      %dma_start3A_359 = tpu.memref_slice %arg6[%mul3A_2] : memref<10112xf32, #tpu.memory_space<hbm>> -> memref<632xf32, #tpu.memory_space<hbm>>
      tpu.enqueue_dma source(%dma_start3A_359 : memref<632xf32, #tpu.memory_space<hbm>>) target(%arg15 : memref<632xf32, #tpu.memory_space<vmem>>) target_semaphore(%run_scoped3A : memref<!tpu.dma_semaphore, #tpu.memory_space<semaphore_mem>>)
      %dma_wait3A_360 = tpu.memref_slice %arg6[%mul3A_2] : memref<10112xf32, #tpu.memory_space<hbm>> -> memref<632xf32, #tpu.memory_space<hbm>>
      %dma_wait3A_361 = tpu.memref_slice %arg6[%mul3A_2] : memref<10112xf32, #tpu.memory_space<hbm>> -> memref<632xf32, #tpu.memory_space<hbm>>
      tpu.wait_dma2 semaphore(%run_scoped3A : memref<!tpu.dma_semaphore, #tpu.memory_space<semaphore_mem>>) src(%dma_wait3A_361 : memref<632xf32, #tpu.memory_space<hbm>>) dst(%arg15 : memref<632xf32, #tpu.memory_space<vmem>>)
      tpu.yield
    }) : () -> ()
    "tpu.region"() ({
      %run_scoped3A = tpu.sem_alloc : memref<!tpu.dma_semaphore, #tpu.memory_space<semaphore_mem>>
      %dma_start3A_358 = tpu.memref_slice %arg11[%mul3A_2] : memref<10112xf32, #tpu.memory_space<vmem_shared>> -> memref<632xf32, #tpu.memory_space<vmem_shared>>
      %dma_start3A_359 = tpu.memref_slice %arg11[%mul3A_2] : memref<10112xf32, #tpu.memory_space<vmem_shared>> -> memref<632xf32, #tpu.memory_space<vmem_shared>>
      tpu.enqueue_dma source(%arg15 : memref<632xf32, #tpu.memory_space<vmem>>) target(%dma_start3A_359 : memref<632xf32, #tpu.memory_space<vmem_shared>>) target_semaphore(%run_scoped3A : memref<!tpu.dma_semaphore, #tpu.memory_space<semaphore_mem>>)
      %dma_wait3A_360 = tpu.memref_slice %arg11[%mul3A_2] : memref<10112xf32, #tpu.memory_space<vmem_shared>> -> memref<632xf32, #tpu.memory_space<vmem_shared>>
      %dma_wait3A_361 = tpu.memref_slice %arg11[%mul3A_2] : memref<10112xf32, #tpu.memory_space<vmem_shared>> -> memref<632xf32, #tpu.memory_space<vmem_shared>>
      tpu.wait_dma2 semaphore(%run_scoped3A : memref<!tpu.dma_semaphore, #tpu.memory_space<semaphore_mem>>) src(%arg15 : memref<632xf32, #tpu.memory_space<vmem>>) dst(%dma_wait3A_361 : memref<632xf32, #tpu.memory_space<vmem_shared>>)
      tpu.yield
    }) : () -> ()
    "tpu.region"() ({
      %run_scoped3A = tpu.sem_alloc : memref<!tpu.dma_semaphore, #tpu.memory_space<semaphore_mem>>
      tpu.enqueue_dma source(%arg7 : memref<128xf32, #tpu.memory_space<hbm>>) target(%arg14 : memref<128xf32, #tpu.memory_space<vmem>>) target_semaphore(%run_scoped3A : memref<!tpu.dma_semaphore, #tpu.memory_space<semaphore_mem>>)
      tpu.wait_dma2 semaphore(%run_scoped3A : memref<!tpu.dma_semaphore, #tpu.memory_space<semaphore_mem>>) src(%arg7 : memref<128xf32, #tpu.memory_space<hbm>>) dst(%arg14 : memref<128xf32, #tpu.memory_space<vmem>>)
      tpu.yield
    }) : () -> ()
    %barrier3A = arith.constant 0 : index
    tpu.barrier barrier_id(%barrier3A)
    %rem3A = arith.constant 0 : i32
    %rem3A_3 = arith.constant 20 : i32
    %rem3A_4 = arith.remsi %rem3A, %rem3A_3 : i32
    %mul3A_5 = arith.constant 4 : i32
    %mul3A_6 = arith.muli %rem3A_4, %mul3A_5 : i32
    %add3A_7 = arith.constant 0 : i32
    %add3A_8 = arith.addi %mul3A_6, %add3A_7 : i32
    %dma_start3A = arith.constant 0 : i32
    %dma_start3A_9 = tpu.memref_slice %arg12[%add3A_8, %dma_start3A] : memref<80x128xi32, #tpu.memory_space<vmem>> -> memref<1x128xi32, #tpu.memory_space<vmem>>
    %dma_start3A_10 = tpu.memref_squeeze %dma_start3A_9 : memref<1x128xi32, #tpu.memory_space<vmem>> -> memref<128xi32, #tpu.memory_space<vmem>>
    %dma_start3A_11 = arith.constant 0 : i32
    %dma_start3A_12 = arith.constant 0 : i32
    %dma_start3A_13 = tpu.memref_slice %arg2[%dma_start3A_11, %dma_start3A_12] : memref<10000x128xbf16, #tpu.memory_space<hbm>> -> memref<10000x128xbf16, #tpu.memory_space<hbm>>
    tpu.enqueue_indirect_dma source(%dma_start3A_13 : memref<10000x128xbf16, #tpu.memory_space<hbm>>) target(%arg16 : memref<128x128xbf16, #tpu.memory_space<vmem>>) offsets(%dma_start3A_10 : memref<128xi32, #tpu.memory_space<vmem>>) semaphore(%arg24 : memref<!tpu.dma_semaphore, #tpu.memory_space<semaphore_mem>>)
    %add3A_14 = arith.constant 1 : i32
    %add3A_15 = arith.addi %mul3A_6, %add3A_14 : i32
    %dma_start3A_16 = arith.constant 0 : i32
    %dma_start3A_17 = tpu.memref_slice %arg12[%add3A_15, %dma_start3A_16] : memref<80x128xi32, #tpu.memory_space<vmem>> -> memref<1x128xi32, #tpu.memory_space<vmem>>
    %dma_start3A_18 = tpu.memref_squeeze %dma_start3A_17 : memref<1x128xi32, #tpu.memory_space<vmem>> -> memref<128xi32, #tpu.memory_space<vmem>>
    %dma_start3A_19 = arith.constant 0 : i32
    %dma_start3A_20 = arith.constant 0 : i32
    %dma_start3A_21 = tpu.memref_slice %arg2[%dma_start3A_19, %dma_start3A_20] : memref<10000x128xbf16, #tpu.memory_space<hbm>> -> memref<10000x128xbf16, #tpu.memory_space<hbm>>
    tpu.enqueue_indirect_dma source(%dma_start3A_21 : memref<10000x128xbf16, #tpu.memory_space<hbm>>) target(%arg17 : memref<128x128xbf16, #tpu.memory_space<vmem>>) offsets(%dma_start3A_18 : memref<128xi32, #tpu.memory_space<vmem>>) semaphore(%arg24 : memref<!tpu.dma_semaphore, #tpu.memory_space<semaphore_mem>>)
    %add3A_22 = arith.constant 2 : i32
    %add3A_23 = arith.addi %mul3A_6, %add3A_22 : i32
    %dma_start3A_24 = arith.constant 0 : i32
    %dma_start3A_25 = tpu.memref_slice %arg12[%add3A_23, %dma_start3A_24] : memref<80x128xi32, #tpu.memory_space<vmem>> -> memref<1x128xi32, #tpu.memory_space<vmem>>
    %dma_start3A_26 = tpu.memref_squeeze %dma_start3A_25 : memref<1x128xi32, #tpu.memory_space<vmem>> -> memref<128xi32, #tpu.memory_space<vmem>>
    %dma_start3A_27 = arith.constant 0 : i32
    %dma_start3A_28 = arith.constant 0 : i32
    %dma_start3A_29 = tpu.memref_slice %arg2[%dma_start3A_27, %dma_start3A_28] : memref<10000x128xbf16, #tpu.memory_space<hbm>> -> memref<10000x128xbf16, #tpu.memory_space<hbm>>
    tpu.enqueue_indirect_dma source(%dma_start3A_29 : memref<10000x128xbf16, #tpu.memory_space<hbm>>) target(%arg18 : memref<128x128xbf16, #tpu.memory_space<vmem>>) offsets(%dma_start3A_26 : memref<128xi32, #tpu.memory_space<vmem>>) semaphore(%arg24 : memref<!tpu.dma_semaphore, #tpu.memory_space<semaphore_mem>>)
    %add3A_30 = arith.constant 3 : i32
    %add3A_31 = arith.addi %mul3A_6, %add3A_30 : i32
    %dma_start3A_32 = arith.constant 0 : i32
    %dma_start3A_33 = tpu.memref_slice %arg12[%add3A_31, %dma_start3A_32] : memref<80x128xi32, #tpu.memory_space<vmem>> -> memref<1x128xi32, #tpu.memory_space<vmem>>
    %dma_start3A_34 = tpu.memref_squeeze %dma_start3A_33 : memref<1x128xi32, #tpu.memory_space<vmem>> -> memref<128xi32, #tpu.memory_space<vmem>>
    %dma_start3A_35 = arith.constant 0 : i32
    %dma_start3A_36 = arith.constant 0 : i32
    %dma_start3A_37 = tpu.memref_slice %arg2[%dma_start3A_35, %dma_start3A_36] : memref<10000x128xbf16, #tpu.memory_space<hbm>> -> memref<10000x128xbf16, #tpu.memory_space<hbm>>
    tpu.enqueue_indirect_dma source(%dma_start3A_37 : memref<10000x128xbf16, #tpu.memory_space<hbm>>) target(%arg19 : memref<128x128xbf16, #tpu.memory_space<vmem>>) offsets(%dma_start3A_34 : memref<128xi32, #tpu.memory_space<vmem>>) semaphore(%arg24 : memref<!tpu.dma_semaphore, #tpu.memory_space<semaphore_mem>>)
    %dma_wait3A = arith.constant 0 : i32
    %dma_wait3A_38 = arith.constant 0 : i32
    %dma_wait3A_39 = tpu.memref_slice %arg2[%dma_wait3A, %dma_wait3A_38] : memref<10000x128xbf16, #tpu.memory_space<hbm>> -> memref<128x128xbf16, #tpu.memory_space<hbm>>
    %dma_wait3A_40 = arith.constant 0 : i32
    %dma_wait3A_41 = arith.constant 0 : i32
    %dma_wait3A_42 = tpu.memref_slice %arg2[%dma_wait3A_40, %dma_wait3A_41] : memref<10000x128xbf16, #tpu.memory_space<hbm>> -> memref<128x128xbf16, #tpu.memory_space<hbm>>
    tpu.wait_dma2 semaphore(%arg24 : memref<!tpu.dma_semaphore, #tpu.memory_space<semaphore_mem>>) src(%dma_wait3A_42 : memref<128x128xbf16, #tpu.memory_space<hbm>>) dst(%arg16 : memref<128x128xbf16, #tpu.memory_space<vmem>>)
    %dma_wait3A_43 = arith.constant 0 : i32
    %dma_wait3A_44 = arith.constant 0 : i32
    %dma_wait3A_45 = tpu.memref_slice %arg2[%dma_wait3A_43, %dma_wait3A_44] : memref<10000x128xbf16, #tpu.memory_space<hbm>> -> memref<128x128xbf16, #tpu.memory_space<hbm>>
    %dma_wait3A_46 = arith.constant 0 : i32
    %dma_wait3A_47 = arith.constant 0 : i32
    %dma_wait3A_48 = tpu.memref_slice %arg2[%dma_wait3A_46, %dma_wait3A_47] : memref<10000x128xbf16, #tpu.memory_space<hbm>> -> memref<128x128xbf16, #tpu.memory_space<hbm>>
    tpu.wait_dma2 semaphore(%arg24 : memref<!tpu.dma_semaphore, #tpu.memory_space<semaphore_mem>>) src(%dma_wait3A_48 : memref<128x128xbf16, #tpu.memory_space<hbm>>) dst(%arg17 : memref<128x128xbf16, #tpu.memory_space<vmem>>)
    %dma_wait3A_49 = arith.constant 0 : i32
    %dma_wait3A_50 = arith.constant 0 : i32
    %dma_wait3A_51 = tpu.memref_slice %arg2[%dma_wait3A_49, %dma_wait3A_50] : memref<10000x128xbf16, #tpu.memory_space<hbm>> -> memref<128x128xbf16, #tpu.memory_space<hbm>>
    %dma_wait3A_52 = arith.constant 0 : i32
    %dma_wait3A_53 = arith.constant 0 : i32
    %dma_wait3A_54 = tpu.memref_slice %arg2[%dma_wait3A_52, %dma_wait3A_53] : memref<10000x128xbf16, #tpu.memory_space<hbm>> -> memref<128x128xbf16, #tpu.memory_space<hbm>>
    tpu.wait_dma2 semaphore(%arg24 : memref<!tpu.dma_semaphore, #tpu.memory_space<semaphore_mem>>) src(%dma_wait3A_54 : memref<128x128xbf16, #tpu.memory_space<hbm>>) dst(%arg18 : memref<128x128xbf16, #tpu.memory_space<vmem>>)
    %dma_wait3A_55 = arith.constant 0 : i32
    %dma_wait3A_56 = arith.constant 0 : i32
    %dma_wait3A_57 = tpu.memref_slice %arg2[%dma_wait3A_55, %dma_wait3A_56] : memref<10000x128xbf16, #tpu.memory_space<hbm>> -> memref<128x128xbf16, #tpu.memory_space<hbm>>
    %dma_wait3A_58 = arith.constant 0 : i32
    %dma_wait3A_59 = arith.constant 0 : i32
    %dma_wait3A_60 = tpu.memref_slice %arg2[%dma_wait3A_58, %dma_wait3A_59] : memref<10000x128xbf16, #tpu.memory_space<hbm>> -> memref<128x128xbf16, #tpu.memory_space<hbm>>
    tpu.wait_dma2 semaphore(%arg24 : memref<!tpu.dma_semaphore, #tpu.memory_space<semaphore_mem>>) src(%dma_wait3A_60 : memref<128x128xbf16, #tpu.memory_space<hbm>>) dst(%arg19 : memref<128x128xbf16, #tpu.memory_space<vmem>>)
    %dma_start3A_61 = arith.constant 0 : i32
    %dma_start3A_62 = arith.constant 0 : i32
    %dma_start3A_63 = tpu.memref_slice %arg13[%dma_start3A_61, %dma_start3A_62] : memref<80x128xi32, #tpu.memory_space<vmem>> -> memref<1x128xi32, #tpu.memory_space<vmem>>
    %dma_start3A_64 = tpu.memref_squeeze %dma_start3A_63 : memref<1x128xi32, #tpu.memory_space<vmem>> -> memref<128xi32, #tpu.memory_space<vmem>>
    %dma_start3A_65 = arith.constant 0 : i32
    %dma_start3A_66 = arith.constant 0 : i32
    %dma_start3A_67 = tpu.memref_slice %arg10[%dma_start3A_65, %dma_start3A_66] : memref<10112x128xbf16, #tpu.memory_space<vmem_shared>> -> memref<10112x128xbf16, #tpu.memory_space<vmem_shared>>
    tpu.enqueue_indirect_dma source(%arg16 : memref<128x128xbf16, #tpu.memory_space<vmem>>) target(%dma_start3A_67 : memref<10112x128xbf16, #tpu.memory_space<vmem_shared>>) offsets(%dma_start3A_64 : memref<128xi32, #tpu.memory_space<vmem>>) semaphore(%arg26 : memref<!tpu.dma_semaphore, #tpu.memory_space<semaphore_mem>>) {add = true}
    %dma_start3A_68 = arith.constant 1 : i32
    %dma_start3A_69 = arith.constant 0 : i32
    %dma_start3A_70 = tpu.memref_slice %arg13[%dma_start3A_68, %dma_start3A_69] : memref<80x128xi32, #tpu.memory_space<vmem>> -> memref<1x128xi32, #tpu.memory_space<vmem>>
    %dma_start3A_71 = tpu.memref_squeeze %dma_start3A_70 : memref<1x128xi32, #tpu.memory_space<vmem>> -> memref<128xi32, #tpu.memory_space<vmem>>
    %dma_start3A_72 = arith.constant 0 : i32
    %dma_start3A_73 = arith.constant 0 : i32
    %dma_start3A_74 = tpu.memref_slice %arg10[%dma_start3A_72, %dma_start3A_73] : memref<10112x128xbf16, #tpu.memory_space<vmem_shared>> -> memref<10112x128xbf16, #tpu.memory_space<vmem_shared>>
    tpu.enqueue_indirect_dma source(%arg17 : memref<128x128xbf16, #tpu.memory_space<vmem>>) target(%dma_start3A_74 : memref<10112x128xbf16, #tpu.memory_space<vmem_shared>>) offsets(%dma_start3A_71 : memref<128xi32, #tpu.memory_space<vmem>>) semaphore(%arg26 : memref<!tpu.dma_semaphore, #tpu.memory_space<semaphore_mem>>) {add = true}
    %dma_start3A_75 = arith.constant 2 : i32
    %dma_start3A_76 = arith.constant 0 : i32
    %dma_start3A_77 = tpu.memref_slice %arg13[%dma_start3A_75, %dma_start3A_76] : memref<80x128xi32, #tpu.memory_space<vmem>> -> memref<1x128xi32, #tpu.memory_space<vmem>>
    %dma_start3A_78 = tpu.memref_squeeze %dma_start3A_77 : memref<1x128xi32, #tpu.memory_space<vmem>> -> memref<128xi32, #tpu.memory_space<vmem>>
    %dma_start3A_79 = arith.constant 0 : i32
    %dma_start3A_80 = arith.constant 0 : i32
    %dma_start3A_81 = tpu.memref_slice %arg10[%dma_start3A_79, %dma_start3A_80] : memref<10112x128xbf16, #tpu.memory_space<vmem_shared>> -> memref<10112x128xbf16, #tpu.memory_space<vmem_shared>>
    tpu.enqueue_indirect_dma source(%arg18 : memref<128x128xbf16, #tpu.memory_space<vmem>>) target(%dma_start3A_81 : memref<10112x128xbf16, #tpu.memory_space<vmem_shared>>) offsets(%dma_start3A_78 : memref<128xi32, #tpu.memory_space<vmem>>) semaphore(%arg26 : memref<!tpu.dma_semaphore, #tpu.memory_space<semaphore_mem>>) {add = true}
    %dma_start3A_82 = arith.constant 3 : i32
    %dma_start3A_83 = arith.constant 0 : i32
    %dma_start3A_84 = tpu.memref_slice %arg13[%dma_start3A_82, %dma_start3A_83] : memref<80x128xi32, #tpu.memory_space<vmem>> -> memref<1x128xi32, #tpu.memory_space<vmem>>
    %dma_start3A_85 = tpu.memref_squeeze %dma_start3A_84 : memref<1x128xi32, #tpu.memory_space<vmem>> -> memref<128xi32, #tpu.memory_space<vmem>>
    %dma_start3A_86 = arith.constant 0 : i32
    %dma_start3A_87 = arith.constant 0 : i32
    %dma_start3A_88 = tpu.memref_slice %arg10[%dma_start3A_86, %dma_start3A_87] : memref<10112x128xbf16, #tpu.memory_space<vmem_shared>> -> memref<10112x128xbf16, #tpu.memory_space<vmem_shared>>
    tpu.enqueue_indirect_dma source(%arg19 : memref<128x128xbf16, #tpu.memory_space<vmem>>) target(%dma_start3A_88 : memref<10112x128xbf16, #tpu.memory_space<vmem_shared>>) offsets(%dma_start3A_85 : memref<128xi32, #tpu.memory_space<vmem>>) semaphore(%arg26 : memref<!tpu.dma_semaphore, #tpu.memory_space<semaphore_mem>>) {add = true}
    %dma_start3A_89 = arith.constant 0 : i32
    %dma_start3A_90 = arith.constant 0 : i32
    %dma_start3A_91 = tpu.memref_slice %arg13[%dma_start3A_89, %dma_start3A_90] : memref<80x128xi32, #tpu.memory_space<vmem>> -> memref<1x128xi32, #tpu.memory_space<vmem>>
    %dma_start3A_92 = tpu.memref_squeeze %dma_start3A_91 : memref<1x128xi32, #tpu.memory_space<vmem>> -> memref<128xi32, #tpu.memory_space<vmem>>
    %dma_start3A_93 = arith.constant 0 : i32
    %dma_start3A_94 = tpu.memref_slice %arg11[%dma_start3A_93] : memref<10112xf32, #tpu.memory_space<vmem_shared>> -> memref<10112xf32, #tpu.memory_space<vmem_shared>>
    tpu.enqueue_indirect_dma source(%arg14 : memref<128xf32, #tpu.memory_space<vmem>>) target(%dma_start3A_94 : memref<10112xf32, #tpu.memory_space<vmem_shared>>) offsets(%dma_start3A_92 : memref<128xi32, #tpu.memory_space<vmem>>) semaphore(%arg28 : memref<!tpu.dma_semaphore, #tpu.memory_space<semaphore_mem>>) {add = true}
    %dma_start3A_95 = arith.constant 1 : i32
    %dma_start3A_96 = arith.constant 0 : i32
    %dma_start3A_97 = tpu.memref_slice %arg13[%dma_start3A_95, %dma_start3A_96] : memref<80x128xi32, #tpu.memory_space<vmem>> -> memref<1x128xi32, #tpu.memory_space<vmem>>
    %dma_start3A_98 = tpu.memref_squeeze %dma_start3A_97 : memref<1x128xi32, #tpu.memory_space<vmem>> -> memref<128xi32, #tpu.memory_space<vmem>>
    %dma_start3A_99 = arith.constant 0 : i32
    %dma_start3A_100 = tpu.memref_slice %arg11[%dma_start3A_99] : memref<10112xf32, #tpu.memory_space<vmem_shared>> -> memref<10112xf32, #tpu.memory_space<vmem_shared>>
    tpu.enqueue_indirect_dma source(%arg14 : memref<128xf32, #tpu.memory_space<vmem>>) target(%dma_start3A_100 : memref<10112xf32, #tpu.memory_space<vmem_shared>>) offsets(%dma_start3A_98 : memref<128xi32, #tpu.memory_space<vmem>>) semaphore(%arg28 : memref<!tpu.dma_semaphore, #tpu.memory_space<semaphore_mem>>) {add = true}
    %dma_start3A_101 = arith.constant 2 : i32
    %dma_start3A_102 = arith.constant 0 : i32
    %dma_start3A_103 = tpu.memref_slice %arg13[%dma_start3A_101, %dma_start3A_102] : memref<80x128xi32, #tpu.memory_space<vmem>> -> memref<1x128xi32, #tpu.memory_space<vmem>>
    %dma_start3A_104 = tpu.memref_squeeze %dma_start3A_103 : memref<1x128xi32, #tpu.memory_space<vmem>> -> memref<128xi32, #tpu.memory_space<vmem>>
    %dma_start3A_105 = arith.constant 0 : i32
    %dma_start3A_106 = tpu.memref_slice %arg11[%dma_start3A_105] : memref<10112xf32, #tpu.memory_space<vmem_shared>> -> memref<10112xf32, #tpu.memory_space<vmem_shared>>
    tpu.enqueue_indirect_dma source(%arg14 : memref<128xf32, #tpu.memory_space<vmem>>) target(%dma_start3A_106 : memref<10112xf32, #tpu.memory_space<vmem_shared>>) offsets(%dma_start3A_104 : memref<128xi32, #tpu.memory_space<vmem>>) semaphore(%arg28 : memref<!tpu.dma_semaphore, #tpu.memory_space<semaphore_mem>>) {add = true}
    %dma_start3A_107 = arith.constant 3 : i32
    %dma_start3A_108 = arith.constant 0 : i32
    %dma_start3A_109 = tpu.memref_slice %arg13[%dma_start3A_107, %dma_start3A_108] : memref<80x128xi32, #tpu.memory_space<vmem>> -> memref<1x128xi32, #tpu.memory_space<vmem>>
    %dma_start3A_110 = tpu.memref_squeeze %dma_start3A_109 : memref<1x128xi32, #tpu.memory_space<vmem>> -> memref<128xi32, #tpu.memory_space<vmem>>
    %dma_start3A_111 = arith.constant 0 : i32
    %dma_start3A_112 = tpu.memref_slice %arg11[%dma_start3A_111] : memref<10112xf32, #tpu.memory_space<vmem_shared>> -> memref<10112xf32, #tpu.memory_space<vmem_shared>>
    tpu.enqueue_indirect_dma source(%arg14 : memref<128xf32, #tpu.memory_space<vmem>>) target(%dma_start3A_112 : memref<10112xf32, #tpu.memory_space<vmem_shared>>) offsets(%dma_start3A_110 : memref<128xi32, #tpu.memory_space<vmem>>) semaphore(%arg28 : memref<!tpu.dma_semaphore, #tpu.memory_space<semaphore_mem>>) {add = true}
    %rem3A_113 = arith.constant 1 : i32
    %rem3A_114 = arith.constant 20 : i32
    %rem3A_115 = arith.remsi %rem3A_113, %rem3A_114 : i32
    %mul3A_116 = arith.constant 4 : i32
    %mul3A_117 = arith.muli %rem3A_115, %mul3A_116 : i32
    %add3A_118 = arith.constant 0 : i32
    %add3A_119 = arith.addi %mul3A_117, %add3A_118 : i32
    %dma_start3A_120 = arith.constant 0 : i32
    %dma_start3A_121 = tpu.memref_slice %arg12[%add3A_119, %dma_start3A_120] : memref<80x128xi32, #tpu.memory_space<vmem>> -> memref<1x128xi32, #tpu.memory_space<vmem>>
    %dma_start3A_122 = tpu.memref_squeeze %dma_start3A_121 : memref<1x128xi32, #tpu.memory_space<vmem>> -> memref<128xi32, #tpu.memory_space<vmem>>
    %dma_start3A_123 = arith.constant 0 : i32
    %dma_start3A_124 = arith.constant 0 : i32
    %dma_start3A_125 = tpu.memref_slice %arg2[%dma_start3A_123, %dma_start3A_124] : memref<10000x128xbf16, #tpu.memory_space<hbm>> -> memref<10000x128xbf16, #tpu.memory_space<hbm>>
    tpu.enqueue_indirect_dma source(%dma_start3A_125 : memref<10000x128xbf16, #tpu.memory_space<hbm>>) target(%arg20 : memref<128x128xbf16, #tpu.memory_space<vmem>>) offsets(%dma_start3A_122 : memref<128xi32, #tpu.memory_space<vmem>>) semaphore(%arg25 : memref<!tpu.dma_semaphore, #tpu.memory_space<semaphore_mem>>)
    %add3A_126 = arith.constant 1 : i32
    %add3A_127 = arith.addi %mul3A_117, %add3A_126 : i32
    %dma_start3A_128 = arith.constant 0 : i32
    %dma_start3A_129 = tpu.memref_slice %arg12[%add3A_127, %dma_start3A_128] : memref<80x128xi32, #tpu.memory_space<vmem>> -> memref<1x128xi32, #tpu.memory_space<vmem>>
    %dma_start3A_130 = tpu.memref_squeeze %dma_start3A_129 : memref<1x128xi32, #tpu.memory_space<vmem>> -> memref<128xi32, #tpu.memory_space<vmem>>
    %dma_start3A_131 = arith.constant 0 : i32
    %dma_start3A_132 = arith.constant 0 : i32
    %dma_start3A_133 = tpu.memref_slice %arg2[%dma_start3A_131, %dma_start3A_132] : memref<10000x128xbf16, #tpu.memory_space<hbm>> -> memref<10000x128xbf16, #tpu.memory_space<hbm>>
    tpu.enqueue_indirect_dma source(%dma_start3A_133 : memref<10000x128xbf16, #tpu.memory_space<hbm>>) target(%arg21 : memref<128x128xbf16, #tpu.memory_space<vmem>>) offsets(%dma_start3A_130 : memref<128xi32, #tpu.memory_space<vmem>>) semaphore(%arg25 : memref<!tpu.dma_semaphore, #tpu.memory_space<semaphore_mem>>)
    %add3A_134 = arith.constant 2 : i32
    %add3A_135 = arith.addi %mul3A_117, %add3A_134 : i32
    %dma_start3A_136 = arith.constant 0 : i32
    %dma_start3A_137 = tpu.memref_slice %arg12[%add3A_135, %dma_start3A_136] : memref<80x128xi32, #tpu.memory_space<vmem>> -> memref<1x128xi32, #tpu.memory_space<vmem>>
    %dma_start3A_138 = tpu.memref_squeeze %dma_start3A_137 : memref<1x128xi32, #tpu.memory_space<vmem>> -> memref<128xi32, #tpu.memory_space<vmem>>
    %dma_start3A_139 = arith.constant 0 : i32
    %dma_start3A_140 = arith.constant 0 : i32
    %dma_start3A_141 = tpu.memref_slice %arg2[%dma_start3A_139, %dma_start3A_140] : memref<10000x128xbf16, #tpu.memory_space<hbm>> -> memref<10000x128xbf16, #tpu.memory_space<hbm>>
    tpu.enqueue_indirect_dma source(%dma_start3A_141 : memref<10000x128xbf16, #tpu.memory_space<hbm>>) target(%arg22 : memref<128x128xbf16, #tpu.memory_space<vmem>>) offsets(%dma_start3A_138 : memref<128xi32, #tpu.memory_space<vmem>>) semaphore(%arg25 : memref<!tpu.dma_semaphore, #tpu.memory_space<semaphore_mem>>)
    %add3A_142 = arith.constant 3 : i32
    %add3A_143 = arith.addi %mul3A_117, %add3A_142 : i32
    %dma_start3A_144 = arith.constant 0 : i32
    %dma_start3A_145 = tpu.memref_slice %arg12[%add3A_143, %dma_start3A_144] : memref<80x128xi32, #tpu.memory_space<vmem>> -> memref<1x128xi32, #tpu.memory_space<vmem>>
    %dma_start3A_146 = tpu.memref_squeeze %dma_start3A_145 : memref<1x128xi32, #tpu.memory_space<vmem>> -> memref<128xi32, #tpu.memory_space<vmem>>
    %dma_start3A_147 = arith.constant 0 : i32
    %dma_start3A_148 = arith.constant 0 : i32
    %dma_start3A_149 = tpu.memref_slice %arg2[%dma_start3A_147, %dma_start3A_148] : memref<10000x128xbf16, #tpu.memory_space<hbm>> -> memref<10000x128xbf16, #tpu.memory_space<hbm>>
    tpu.enqueue_indirect_dma source(%dma_start3A_149 : memref<10000x128xbf16, #tpu.memory_space<hbm>>) target(%arg23 : memref<128x128xbf16, #tpu.memory_space<vmem>>) offsets(%dma_start3A_146 : memref<128xi32, #tpu.memory_space<vmem>>) semaphore(%arg25 : memref<!tpu.dma_semaphore, #tpu.memory_space<semaphore_mem>>)
    %dma_wait3A_150 = arith.constant 0 : i32
    %dma_wait3A_151 = arith.constant 0 : i32
    %dma_wait3A_152 = tpu.memref_slice %arg2[%dma_wait3A_150, %dma_wait3A_151] : memref<10000x128xbf16, #tpu.memory_space<hbm>> -> memref<128x128xbf16, #tpu.memory_space<hbm>>
    %dma_wait3A_153 = arith.constant 0 : i32
    %dma_wait3A_154 = arith.constant 0 : i32
    %dma_wait3A_155 = tpu.memref_slice %arg2[%dma_wait3A_153, %dma_wait3A_154] : memref<10000x128xbf16, #tpu.memory_space<hbm>> -> memref<128x128xbf16, #tpu.memory_space<hbm>>
    tpu.wait_dma2 semaphore(%arg25 : memref<!tpu.dma_semaphore, #tpu.memory_space<semaphore_mem>>) src(%dma_wait3A_155 : memref<128x128xbf16, #tpu.memory_space<hbm>>) dst(%arg20 : memref<128x128xbf16, #tpu.memory_space<vmem>>)
    %dma_wait3A_156 = arith.constant 0 : i32
    %dma_wait3A_157 = arith.constant 0 : i32
    %dma_wait3A_158 = tpu.memref_slice %arg2[%dma_wait3A_156, %dma_wait3A_157] : memref<10000x128xbf16, #tpu.memory_space<hbm>> -> memref<128x128xbf16, #tpu.memory_space<hbm>>
    %dma_wait3A_159 = arith.constant 0 : i32
    %dma_wait3A_160 = arith.constant 0 : i32
    %dma_wait3A_161 = tpu.memref_slice %arg2[%dma_wait3A_159, %dma_wait3A_160] : memref<10000x128xbf16, #tpu.memory_space<hbm>> -> memref<128x128xbf16, #tpu.memory_space<hbm>>
    tpu.wait_dma2 semaphore(%arg25 : memref<!tpu.dma_semaphore, #tpu.memory_space<semaphore_mem>>) src(%dma_wait3A_161 : memref<128x128xbf16, #tpu.memory_space<hbm>>) dst(%arg21 : memref<128x128xbf16, #tpu.memory_space<vmem>>)
    %dma_wait3A_162 = arith.constant 0 : i32
    %dma_wait3A_163 = arith.constant 0 : i32
    %dma_wait3A_164 = tpu.memref_slice %arg2[%dma_wait3A_162, %dma_wait3A_163] : memref<10000x128xbf16, #tpu.memory_space<hbm>> -> memref<128x128xbf16, #tpu.memory_space<hbm>>
    %dma_wait3A_165 = arith.constant 0 : i32
    %dma_wait3A_166 = arith.constant 0 : i32
    %dma_wait3A_167 = tpu.memref_slice %arg2[%dma_wait3A_165, %dma_wait3A_166] : memref<10000x128xbf16, #tpu.memory_space<hbm>> -> memref<128x128xbf16, #tpu.memory_space<hbm>>
    tpu.wait_dma2 semaphore(%arg25 : memref<!tpu.dma_semaphore, #tpu.memory_space<semaphore_mem>>) src(%dma_wait3A_167 : memref<128x128xbf16, #tpu.memory_space<hbm>>) dst(%arg22 : memref<128x128xbf16, #tpu.memory_space<vmem>>)
    %dma_wait3A_168 = arith.constant 0 : i32
    %dma_wait3A_169 = arith.constant 0 : i32
    %dma_wait3A_170 = tpu.memref_slice %arg2[%dma_wait3A_168, %dma_wait3A_169] : memref<10000x128xbf16, #tpu.memory_space<hbm>> -> memref<128x128xbf16, #tpu.memory_space<hbm>>
    %dma_wait3A_171 = arith.constant 0 : i32
    %dma_wait3A_172 = arith.constant 0 : i32
    %dma_wait3A_173 = tpu.memref_slice %arg2[%dma_wait3A_171, %dma_wait3A_172] : memref<10000x128xbf16, #tpu.memory_space<hbm>> -> memref<128x128xbf16, #tpu.memory_space<hbm>>
    tpu.wait_dma2 semaphore(%arg25 : memref<!tpu.dma_semaphore, #tpu.memory_space<semaphore_mem>>) src(%dma_wait3A_173 : memref<128x128xbf16, #tpu.memory_space<hbm>>) dst(%arg23 : memref<128x128xbf16, #tpu.memory_space<vmem>>)
    %dma_start3A_174 = arith.constant 4 : i32
    %dma_start3A_175 = arith.constant 0 : i32
    %dma_start3A_176 = tpu.memref_slice %arg13[%dma_start3A_174, %dma_start3A_175] : memref<80x128xi32, #tpu.memory_space<vmem>> -> memref<1x128xi32, #tpu.memory_space<vmem>>
    %dma_start3A_177 = tpu.memref_squeeze %dma_start3A_176 : memref<1x128xi32, #tpu.memory_space<vmem>> -> memref<128xi32, #tpu.memory_space<vmem>>
    %dma_start3A_178 = arith.constant 0 : i32
    %dma_start3A_179 = arith.constant 0 : i32
    %dma_start3A_180 = tpu.memref_slice %arg10[%dma_start3A_178, %dma_start3A_179] : memref<10112x128xbf16, #tpu.memory_space<vmem_shared>> -> memref<10112x128xbf16, #tpu.memory_space<vmem_shared>>
    tpu.enqueue_indirect_dma source(%arg20 : memref<128x128xbf16, #tpu.memory_space<vmem>>) target(%dma_start3A_180 : memref<10112x128xbf16, #tpu.memory_space<vmem_shared>>) offsets(%dma_start3A_177 : memref<128xi32, #tpu.memory_space<vmem>>) semaphore(%arg27 : memref<!tpu.dma_semaphore, #tpu.memory_space<semaphore_mem>>) {add = true}
    %dma_start3A_181 = arith.constant 5 : i32
    %dma_start3A_182 = arith.constant 0 : i32
    %dma_start3A_183 = tpu.memref_slice %arg13[%dma_start3A_181, %dma_start3A_182] : memref<80x128xi32, #tpu.memory_space<vmem>> -> memref<1x128xi32, #tpu.memory_space<vmem>>
    %dma_start3A_184 = tpu.memref_squeeze %dma_start3A_183 : memref<1x128xi32, #tpu.memory_space<vmem>> -> memref<128xi32, #tpu.memory_space<vmem>>
    %dma_start3A_185 = arith.constant 0 : i32
    %dma_start3A_186 = arith.constant 0 : i32
    %dma_start3A_187 = tpu.memref_slice %arg10[%dma_start3A_185, %dma_start3A_186] : memref<10112x128xbf16, #tpu.memory_space<vmem_shared>> -> memref<10112x128xbf16, #tpu.memory_space<vmem_shared>>
    tpu.enqueue_indirect_dma source(%arg21 : memref<128x128xbf16, #tpu.memory_space<vmem>>) target(%dma_start3A_187 : memref<10112x128xbf16, #tpu.memory_space<vmem_shared>>) offsets(%dma_start3A_184 : memref<128xi32, #tpu.memory_space<vmem>>) semaphore(%arg27 : memref<!tpu.dma_semaphore, #tpu.memory_space<semaphore_mem>>) {add = true}
    %dma_start3A_188 = arith.constant 6 : i32
    %dma_start3A_189 = arith.constant 0 : i32
    %dma_start3A_190 = tpu.memref_slice %arg13[%dma_start3A_188, %dma_start3A_189] : memref<80x128xi32, #tpu.memory_space<vmem>> -> memref<1x128xi32, #tpu.memory_space<vmem>>
    %dma_start3A_191 = tpu.memref_squeeze %dma_start3A_190 : memref<1x128xi32, #tpu.memory_space<vmem>> -> memref<128xi32, #tpu.memory_space<vmem>>
    %dma_start3A_192 = arith.constant 0 : i32
    %dma_start3A_193 = arith.constant 0 : i32
    %dma_start3A_194 = tpu.memref_slice %arg10[%dma_start3A_192, %dma_start3A_193] : memref<10112x128xbf16, #tpu.memory_space<vmem_shared>> -> memref<10112x128xbf16, #tpu.memory_space<vmem_shared>>
    tpu.enqueue_indirect_dma source(%arg22 : memref<128x128xbf16, #tpu.memory_space<vmem>>) target(%dma_start3A_194 : memref<10112x128xbf16, #tpu.memory_space<vmem_shared>>) offsets(%dma_start3A_191 : memref<128xi32, #tpu.memory_space<vmem>>) semaphore(%arg27 : memref<!tpu.dma_semaphore, #tpu.memory_space<semaphore_mem>>) {add = true}
    %dma_start3A_195 = arith.constant 7 : i32
    %dma_start3A_196 = arith.constant 0 : i32
    %dma_start3A_197 = tpu.memref_slice %arg13[%dma_start3A_195, %dma_start3A_196] : memref<80x128xi32, #tpu.memory_space<vmem>> -> memref<1x128xi32, #tpu.memory_space<vmem>>
    %dma_start3A_198 = tpu.memref_squeeze %dma_start3A_197 : memref<1x128xi32, #tpu.memory_space<vmem>> -> memref<128xi32, #tpu.memory_space<vmem>>
    %dma_start3A_199 = arith.constant 0 : i32
    %dma_start3A_200 = arith.constant 0 : i32
    %dma_start3A_201 = tpu.memref_slice %arg10[%dma_start3A_199, %dma_start3A_200] : memref<10112x128xbf16, #tpu.memory_space<vmem_shared>> -> memref<10112x128xbf16, #tpu.memory_space<vmem_shared>>
    tpu.enqueue_indirect_dma source(%arg23 : memref<128x128xbf16, #tpu.memory_space<vmem>>) target(%dma_start3A_201 : memref<10112x128xbf16, #tpu.memory_space<vmem_shared>>) offsets(%dma_start3A_198 : memref<128xi32, #tpu.memory_space<vmem>>) semaphore(%arg27 : memref<!tpu.dma_semaphore, #tpu.memory_space<semaphore_mem>>) {add = true}
    %dma_start3A_202 = arith.constant 4 : i32
    %dma_start3A_203 = arith.constant 0 : i32
    %dma_start3A_204 = tpu.memref_slice %arg13[%dma_start3A_202, %dma_start3A_203] : memref<80x128xi32, #tpu.memory_space<vmem>> -> memref<1x128xi32, #tpu.memory_space<vmem>>
    %dma_start3A_205 = tpu.memref_squeeze %dma_start3A_204 : memref<1x128xi32, #tpu.memory_space<vmem>> -> memref<128xi32, #tpu.memory_space<vmem>>
    %dma_start3A_206 = arith.constant 0 : i32
    %dma_start3A_207 = tpu.memref_slice %arg11[%dma_start3A_206] : memref<10112xf32, #tpu.memory_space<vmem_shared>> -> memref<10112xf32, #tpu.memory_space<vmem_shared>>
    tpu.enqueue_indirect_dma source(%arg14 : memref<128xf32, #tpu.memory_space<vmem>>) target(%dma_start3A_207 : memref<10112xf32, #tpu.memory_space<vmem_shared>>) offsets(%dma_start3A_205 : memref<128xi32, #tpu.memory_space<vmem>>) semaphore(%arg28 : memref<!tpu.dma_semaphore, #tpu.memory_space<semaphore_mem>>) {add = true}
    %dma_start3A_208 = arith.constant 5 : i32
    %dma_start3A_209 = arith.constant 0 : i32
    %dma_start3A_210 = tpu.memref_slice %arg13[%dma_start3A_208, %dma_start3A_209] : memref<80x128xi32, #tpu.memory_space<vmem>> -> memref<1x128xi32, #tpu.memory_space<vmem>>
    %dma_start3A_211 = tpu.memref_squeeze %dma_start3A_210 : memref<1x128xi32, #tpu.memory_space<vmem>> -> memref<128xi32, #tpu.memory_space<vmem>>
    %dma_start3A_212 = arith.constant 0 : i32
    %dma_start3A_213 = tpu.memref_slice %arg11[%dma_start3A_212] : memref<10112xf32, #tpu.memory_space<vmem_shared>> -> memref<10112xf32, #tpu.memory_space<vmem_shared>>
    tpu.enqueue_indirect_dma source(%arg14 : memref<128xf32, #tpu.memory_space<vmem>>) target(%dma_start3A_213 : memref<10112xf32, #tpu.memory_space<vmem_shared>>) offsets(%dma_start3A_211 : memref<128xi32, #tpu.memory_space<vmem>>) semaphore(%arg28 : memref<!tpu.dma_semaphore, #tpu.memory_space<semaphore_mem>>) {add = true}
    %dma_start3A_214 = arith.constant 6 : i32
    %dma_start3A_215 = arith.constant 0 : i32
    %dma_start3A_216 = tpu.memref_slice %arg13[%dma_start3A_214, %dma_start3A_215] : memref<80x128xi32, #tpu.memory_space<vmem>> -> memref<1x128xi32, #tpu.memory_space<vmem>>
    %dma_start3A_217 = tpu.memref_squeeze %dma_start3A_216 : memref<1x128xi32, #tpu.memory_space<vmem>> -> memref<128xi32, #tpu.memory_space<vmem>>
    %dma_start3A_218 = arith.constant 0 : i32
    %dma_start3A_219 = tpu.memref_slice %arg11[%dma_start3A_218] : memref<10112xf32, #tpu.memory_space<vmem_shared>> -> memref<10112xf32, #tpu.memory_space<vmem_shared>>
    tpu.enqueue_indirect_dma source(%arg14 : memref<128xf32, #tpu.memory_space<vmem>>) target(%dma_start3A_219 : memref<10112xf32, #tpu.memory_space<vmem_shared>>) offsets(%dma_start3A_217 : memref<128xi32, #tpu.memory_space<vmem>>) semaphore(%arg28 : memref<!tpu.dma_semaphore, #tpu.memory_space<semaphore_mem>>) {add = true}
    %dma_start3A_220 = arith.constant 7 : i32
    %dma_start3A_221 = arith.constant 0 : i32
    %dma_start3A_222 = tpu.memref_slice %arg13[%dma_start3A_220, %dma_start3A_221] : memref<80x128xi32, #tpu.memory_space<vmem>> -> memref<1x128xi32, #tpu.memory_space<vmem>>
    %dma_start3A_223 = tpu.memref_squeeze %dma_start3A_222 : memref<1x128xi32, #tpu.memory_space<vmem>> -> memref<128xi32, #tpu.memory_space<vmem>>
    %dma_start3A_224 = arith.constant 0 : i32
    %dma_start3A_225 = tpu.memref_slice %arg11[%dma_start3A_224] : memref<10112xf32, #tpu.memory_space<vmem_shared>> -> memref<10112xf32, #tpu.memory_space<vmem_shared>>
    tpu.enqueue_indirect_dma source(%arg14 : memref<128xf32, #tpu.memory_space<vmem>>) target(%dma_start3A_225 : memref<10112xf32, #tpu.memory_space<vmem_shared>>) offsets(%dma_start3A_223 : memref<128xi32, #tpu.memory_space<vmem>>) semaphore(%arg28 : memref<!tpu.dma_semaphore, #tpu.memory_space<semaphore_mem>>) {add = true}
    %dma_wait3A_226 = arith.constant 0 : i32
    %dma_wait3A_227 = arith.constant 0 : i32
    %dma_wait3A_228 = tpu.memref_slice %arg13[%dma_wait3A_226, %dma_wait3A_227] : memref<80x128xi32, #tpu.memory_space<vmem>> -> memref<1x128xi32, #tpu.memory_space<vmem>>
    %dma_wait3A_229 = tpu.memref_squeeze %dma_wait3A_228 : memref<1x128xi32, #tpu.memory_space<vmem>> -> memref<128xi32, #tpu.memory_space<vmem>>
    %dma_wait3A_230 = arith.constant 0 : i32
    %dma_wait3A_231 = arith.constant 0 : i32
    %dma_wait3A_232 = tpu.memref_slice %arg10[%dma_wait3A_230, %dma_wait3A_231] : memref<10112x128xbf16, #tpu.memory_space<vmem_shared>> -> memref<10112x128xbf16, #tpu.memory_space<vmem_shared>>
    tpu.wait_indirect_dma semaphore(%arg26 : memref<!tpu.dma_semaphore, #tpu.memory_space<semaphore_mem>>) src(%arg16 : memref<128x128xbf16, #tpu.memory_space<vmem>>) dst(%dma_wait3A_232 : memref<10112x128xbf16, #tpu.memory_space<vmem_shared>>)
    %dma_wait3A_233 = arith.constant 0 : i32
    %dma_wait3A_234 = arith.constant 0 : i32
    %dma_wait3A_235 = tpu.memref_slice %arg13[%dma_wait3A_233, %dma_wait3A_234] : memref<80x128xi32, #tpu.memory_space<vmem>> -> memref<1x128xi32, #tpu.memory_space<vmem>>
    %dma_wait3A_236 = tpu.memref_squeeze %dma_wait3A_235 : memref<1x128xi32, #tpu.memory_space<vmem>> -> memref<128xi32, #tpu.memory_space<vmem>>
    %dma_wait3A_237 = arith.constant 0 : i32
    %dma_wait3A_238 = arith.constant 0 : i32
    %dma_wait3A_239 = tpu.memref_slice %arg10[%dma_wait3A_237, %dma_wait3A_238] : memref<10112x128xbf16, #tpu.memory_space<vmem_shared>> -> memref<10112x128xbf16, #tpu.memory_space<vmem_shared>>
    tpu.wait_indirect_dma semaphore(%arg26 : memref<!tpu.dma_semaphore, #tpu.memory_space<semaphore_mem>>) src(%arg17 : memref<128x128xbf16, #tpu.memory_space<vmem>>) dst(%dma_wait3A_239 : memref<10112x128xbf16, #tpu.memory_space<vmem_shared>>)
    %dma_wait3A_240 = arith.constant 0 : i32
    %dma_wait3A_241 = arith.constant 0 : i32
    %dma_wait3A_242 = tpu.memref_slice %arg13[%dma_wait3A_240, %dma_wait3A_241] : memref<80x128xi32, #tpu.memory_space<vmem>> -> memref<1x128xi32, #tpu.memory_space<vmem>>
    %dma_wait3A_243 = tpu.memref_squeeze %dma_wait3A_242 : memref<1x128xi32, #tpu.memory_space<vmem>> -> memref<128xi32, #tpu.memory_space<vmem>>
    %dma_wait3A_244 = arith.constant 0 : i32
    %dma_wait3A_245 = arith.constant 0 : i32
    %dma_wait3A_246 = tpu.memref_slice %arg10[%dma_wait3A_244, %dma_wait3A_245] : memref<10112x128xbf16, #tpu.memory_space<vmem_shared>> -> memref<10112x128xbf16, #tpu.memory_space<vmem_shared>>
    tpu.wait_indirect_dma semaphore(%arg26 : memref<!tpu.dma_semaphore, #tpu.memory_space<semaphore_mem>>) src(%arg18 : memref<128x128xbf16, #tpu.memory_space<vmem>>) dst(%dma_wait3A_246 : memref<10112x128xbf16, #tpu.memory_space<vmem_shared>>)
    %dma_wait3A_247 = arith.constant 0 : i32
    %dma_wait3A_248 = arith.constant 0 : i32
    %dma_wait3A_249 = tpu.memref_slice %arg13[%dma_wait3A_247, %dma_wait3A_248] : memref<80x128xi32, #tpu.memory_space<vmem>> -> memref<1x128xi32, #tpu.memory_space<vmem>>
    %dma_wait3A_250 = tpu.memref_squeeze %dma_wait3A_249 : memref<1x128xi32, #tpu.memory_space<vmem>> -> memref<128xi32, #tpu.memory_space<vmem>>
    %dma_wait3A_251 = arith.constant 0 : i32
    %dma_wait3A_252 = arith.constant 0 : i32
    %dma_wait3A_253 = tpu.memref_slice %arg10[%dma_wait3A_251, %dma_wait3A_252] : memref<10112x128xbf16, #tpu.memory_space<vmem_shared>> -> memref<10112x128xbf16, #tpu.memory_space<vmem_shared>>
    tpu.wait_indirect_dma semaphore(%arg26 : memref<!tpu.dma_semaphore, #tpu.memory_space<semaphore_mem>>) src(%arg19 : memref<128x128xbf16, #tpu.memory_space<vmem>>) dst(%dma_wait3A_253 : memref<10112x128xbf16, #tpu.memory_space<vmem_shared>>)
    %rem3A_254 = arith.constant 2 : i32
    %rem3A_255 = arith.constant 20 : i32
    %rem3A_256 = arith.remsi %rem3A_254, %rem3A_255 : i32
    %mul3A_257 = arith.constant 4 : i32
    %mul3A_258 = arith.muli %rem3A_256, %mul3A_257 : i32
    %add3A_259 = arith.constant 0 : i32
    %add3A_260 = arith.addi %mul3A_258, %add3A_259 : i32
    %dma_start3A_261 = arith.constant 0 : i32
    %dma_start3A_262 = tpu.memref_slice %arg12[%add3A_260, %dma_start3A_261] : memref<80x128xi32, #tpu.memory_space<vmem>> -> memref<1x128xi32, #tpu.memory_space<vmem>>
    %dma_start3A_263 = tpu.memref_squeeze %dma_start3A_262 : memref<1x128xi32, #tpu.memory_space<vmem>> -> memref<128xi32, #tpu.memory_space<vmem>>
    %dma_start3A_264 = arith.constant 0 : i32
    %dma_start3A_265 = arith.constant 0 : i32
    %dma_start3A_266 = tpu.memref_slice %arg2[%dma_start3A_264, %dma_start3A_265] : memref<10000x128xbf16, #tpu.memory_space<hbm>> -> memref<10000x128xbf16, #tpu.memory_space<hbm>>
    tpu.enqueue_indirect_dma source(%dma_start3A_266 : memref<10000x128xbf16, #tpu.memory_space<hbm>>) target(%arg16 : memref<128x128xbf16, #tpu.memory_space<vmem>>) offsets(%dma_start3A_263 : memref<128xi32, #tpu.memory_space<vmem>>) semaphore(%arg24 : memref<!tpu.dma_semaphore, #tpu.memory_space<semaphore_mem>>)
    %add3A_267 = arith.constant 1 : i32
    %add3A_268 = arith.addi %mul3A_258, %add3A_267 : i32
    %dma_start3A_269 = arith.constant 0 : i32
    %dma_start3A_270 = tpu.memref_slice %arg12[%add3A_268, %dma_start3A_269] : memref<80x128xi32, #tpu.memory_space<vmem>> -> memref<1x128xi32, #tpu.memory_space<vmem>>
    %dma_start3A_271 = tpu.memref_squeeze %dma_start3A_270 : memref<1x128xi32, #tpu.memory_space<vmem>> -> memref<128xi32, #tpu.memory_space<vmem>>
    %dma_start3A_272 = arith.constant 0 : i32
    %dma_start3A_273 = arith.constant 0 : i32
    %dma_start3A_274 = tpu.memref_slice %arg2[%dma_start3A_272, %dma_start3A_273] : memref<10000x128xbf16, #tpu.memory_space<hbm>> -> memref<10000x128xbf16, #tpu.memory_space<hbm>>
    tpu.enqueue_indirect_dma source(%dma_start3A_274 : memref<10000x128xbf16, #tpu.memory_space<hbm>>) target(%arg17 : memref<128x128xbf16, #tpu.memory_space<vmem>>) offsets(%dma_start3A_271 : memref<128xi32, #tpu.memory_space<vmem>>) semaphore(%arg24 : memref<!tpu.dma_semaphore, #tpu.memory_space<semaphore_mem>>)
    %add3A_275 = arith.constant 2 : i32
    %add3A_276 = arith.addi %mul3A_258, %add3A_275 : i32
    %dma_start3A_277 = arith.constant 0 : i32
    %dma_start3A_278 = tpu.memref_slice %arg12[%add3A_276, %dma_start3A_277] : memref<80x128xi32, #tpu.memory_space<vmem>> -> memref<1x128xi32, #tpu.memory_space<vmem>>
    %dma_start3A_279 = tpu.memref_squeeze %dma_start3A_278 : memref<1x128xi32, #tpu.memory_space<vmem>> -> memref<128xi32, #tpu.memory_space<vmem>>
    %dma_start3A_280 = arith.constant 0 : i32
    %dma_start3A_281 = arith.constant 0 : i32
    %dma_start3A_282 = tpu.memref_slice %arg2[%dma_start3A_280, %dma_start3A_281] : memref<10000x128xbf16, #tpu.memory_space<hbm>> -> memref<10000x128xbf16, #tpu.memory_space<hbm>>
    tpu.enqueue_indirect_dma source(%dma_start3A_282 : memref<10000x128xbf16, #tpu.memory_space<hbm>>) target(%arg18 : memref<128x128xbf16, #tpu.memory_space<vmem>>) offsets(%dma_start3A_279 : memref<128xi32, #tpu.memory_space<vmem>>) semaphore(%arg24 : memref<!tpu.dma_semaphore, #tpu.memory_space<semaphore_mem>>)
    %add3A_283 = arith.constant 3 : i32
    %add3A_284 = arith.addi %mul3A_258, %add3A_283 : i32
    %dma_start3A_285 = arith.constant 0 : i32
    %dma_start3A_286 = tpu.memref_slice %arg12[%add3A_284, %dma_start3A_285] : memref<80x128xi32, #tpu.memory_space<vmem>> -> memref<1x128xi32, #tpu.memory_space<vmem>>
    %dma_start3A_287 = tpu.memref_squeeze %dma_start3A_286 : memref<1x128xi32, #tpu.memory_space<vmem>> -> memref<128xi32, #tpu.memory_space<vmem>>
    %dma_start3A_288 = arith.constant 0 : i32
    %dma_start3A_289 = arith.constant 0 : i32
    %dma_start3A_290 = tpu.memref_slice %arg2[%dma_start3A_288, %dma_start3A_289] : memref<10000x128xbf16, #tpu.memory_space<hbm>> -> memref<10000x128xbf16, #tpu.memory_space<hbm>>
    tpu.enqueue_indirect_dma source(%dma_start3A_290 : memref<10000x128xbf16, #tpu.memory_space<hbm>>) target(%arg19 : memref<128x128xbf16, #tpu.memory_space<vmem>>) offsets(%dma_start3A_287 : memref<128xi32, #tpu.memory_space<vmem>>) semaphore(%arg24 : memref<!tpu.dma_semaphore, #tpu.memory_space<semaphore_mem>>)
    %scan3A = arith.constant 0 : i32
    %scan3A_291 = arith.constant 1 : i32
    %scan3A_292 = arith.constant 9 : i32
    %scan3A_293 = arith.addi %scan3A_291, %scan3A_292 : i32
    %scan3A_294 = arith.constant 1 : i32
    scf.for %scan3A_358 = %scan3A_291 to %scan3A_293 step %scan3A_294  : i32 {
      %mul3A_359 = arith.constant 2 : i32
      %mul3A_360 = arith.muli %mul3A_359, %scan3A_358 : i32
      %dma_wait3A_361 = arith.constant 0 : i32
      %dma_wait3A_362 = arith.constant 0 : i32
      %dma_wait3A_363 = tpu.memref_slice %arg2[%dma_wait3A_361, %dma_wait3A_362] : memref<10000x128xbf16, #tpu.memory_space<hbm>> -> memref<128x128xbf16, #tpu.memory_space<hbm>>
      %dma_wait3A_364 = arith.constant 0 : i32
      %dma_wait3A_365 = arith.constant 0 : i32
      %dma_wait3A_366 = tpu.memref_slice %arg2[%dma_wait3A_364, %dma_wait3A_365] : memref<10000x128xbf16, #tpu.memory_space<hbm>> -> memref<128x128xbf16, #tpu.memory_space<hbm>>
      tpu.wait_dma2 semaphore(%arg24 : memref<!tpu.dma_semaphore, #tpu.memory_space<semaphore_mem>>) src(%dma_wait3A_366 : memref<128x128xbf16, #tpu.memory_space<hbm>>) dst(%arg16 : memref<128x128xbf16, #tpu.memory_space<vmem>>)
      %dma_wait3A_367 = arith.constant 0 : i32
      %dma_wait3A_368 = arith.constant 0 : i32
      %dma_wait3A_369 = tpu.memref_slice %arg2[%dma_wait3A_367, %dma_wait3A_368] : memref<10000x128xbf16, #tpu.memory_space<hbm>> -> memref<128x128xbf16, #tpu.memory_space<hbm>>
      %dma_wait3A_370 = arith.constant 0 : i32
      %dma_wait3A_371 = arith.constant 0 : i32
      %dma_wait3A_372 = tpu.memref_slice %arg2[%dma_wait3A_370, %dma_wait3A_371] : memref<10000x128xbf16, #tpu.memory_space<hbm>> -> memref<128x128xbf16, #tpu.memory_space<hbm>>
      tpu.wait_dma2 semaphore(%arg24 : memref<!tpu.dma_semaphore, #tpu.memory_space<semaphore_mem>>) src(%dma_wait3A_372 : memref<128x128xbf16, #tpu.memory_space<hbm>>) dst(%arg17 : memref<128x128xbf16, #tpu.memory_space<vmem>>)
      %dma_wait3A_373 = arith.constant 0 : i32
      %dma_wait3A_374 = arith.constant 0 : i32
      %dma_wait3A_375 = tpu.memref_slice %arg2[%dma_wait3A_373, %dma_wait3A_374] : memref<10000x128xbf16, #tpu.memory_space<hbm>> -> memref<128x128xbf16, #tpu.memory_space<hbm>>
      %dma_wait3A_376 = arith.constant 0 : i32
      %dma_wait3A_377 = arith.constant 0 : i32
      %dma_wait3A_378 = tpu.memref_slice %arg2[%dma_wait3A_376, %dma_wait3A_377] : memref<10000x128xbf16, #tpu.memory_space<hbm>> -> memref<128x128xbf16, #tpu.memory_space<hbm>>
      tpu.wait_dma2 semaphore(%arg24 : memref<!tpu.dma_semaphore, #tpu.memory_space<semaphore_mem>>) src(%dma_wait3A_378 : memref<128x128xbf16, #tpu.memory_space<hbm>>) dst(%arg18 : memref<128x128xbf16, #tpu.memory_space<vmem>>)
      %dma_wait3A_379 = arith.constant 0 : i32
      %dma_wait3A_380 = arith.constant 0 : i32
      %dma_wait3A_381 = tpu.memref_slice %arg2[%dma_wait3A_379, %dma_wait3A_380] : memref<10000x128xbf16, #tpu.memory_space<hbm>> -> memref<128x128xbf16, #tpu.memory_space<hbm>>
      %dma_wait3A_382 = arith.constant 0 : i32
      %dma_wait3A_383 = arith.constant 0 : i32
      %dma_wait3A_384 = tpu.memref_slice %arg2[%dma_wait3A_382, %dma_wait3A_383] : memref<10000x128xbf16, #tpu.memory_space<hbm>> -> memref<128x128xbf16, #tpu.memory_space<hbm>>
      tpu.wait_dma2 semaphore(%arg24 : memref<!tpu.dma_semaphore, #tpu.memory_space<semaphore_mem>>) src(%dma_wait3A_384 : memref<128x128xbf16, #tpu.memory_space<hbm>>) dst(%arg19 : memref<128x128xbf16, #tpu.memory_space<vmem>>)
      %mul3A_385 = arith.constant 4 : i32
      %mul3A_386 = arith.muli %mul3A_360, %mul3A_385 : i32
      %add3A_387 = arith.constant 0 : i32
      %add3A_388 = arith.addi %mul3A_386, %add3A_387 : i32
      %dma_start3A_389 = arith.constant 0 : i32
      %dma_start3A_390 = tpu.memref_slice %arg13[%add3A_388, %dma_start3A_389] : memref<80x128xi32, #tpu.memory_space<vmem>> -> memref<1x128xi32, #tpu.memory_space<vmem>>
      %dma_start3A_391 = tpu.memref_squeeze %dma_start3A_390 : memref<1x128xi32, #tpu.memory_space<vmem>> -> memref<128xi32, #tpu.memory_space<vmem>>
      %dma_start3A_392 = arith.constant 0 : i32
      %dma_start3A_393 = arith.constant 0 : i32
      %dma_start3A_394 = tpu.memref_slice %arg10[%dma_start3A_392, %dma_start3A_393] : memref<10112x128xbf16, #tpu.memory_space<vmem_shared>> -> memref<10112x128xbf16, #tpu.memory_space<vmem_shared>>
      tpu.enqueue_indirect_dma source(%arg16 : memref<128x128xbf16, #tpu.memory_space<vmem>>) target(%dma_start3A_394 : memref<10112x128xbf16, #tpu.memory_space<vmem_shared>>) offsets(%dma_start3A_391 : memref<128xi32, #tpu.memory_space<vmem>>) semaphore(%arg26 : memref<!tpu.dma_semaphore, #tpu.memory_space<semaphore_mem>>) {add = true}
      %add3A_395 = arith.constant 1 : i32
      %add3A_396 = arith.addi %mul3A_386, %add3A_395 : i32
      %dma_start3A_397 = arith.constant 0 : i32
      %dma_start3A_398 = tpu.memref_slice %arg13[%add3A_396, %dma_start3A_397] : memref<80x128xi32, #tpu.memory_space<vmem>> -> memref<1x128xi32, #tpu.memory_space<vmem>>
      %dma_start3A_399 = tpu.memref_squeeze %dma_start3A_398 : memref<1x128xi32, #tpu.memory_space<vmem>> -> memref<128xi32, #tpu.memory_space<vmem>>
      %dma_start3A_400 = arith.constant 0 : i32
      %dma_start3A_401 = arith.constant 0 : i32
      %dma_start3A_402 = tpu.memref_slice %arg10[%dma_start3A_400, %dma_start3A_401] : memref<10112x128xbf16, #tpu.memory_space<vmem_shared>> -> memref<10112x128xbf16, #tpu.memory_space<vmem_shared>>
      tpu.enqueue_indirect_dma source(%arg17 : memref<128x128xbf16, #tpu.memory_space<vmem>>) target(%dma_start3A_402 : memref<10112x128xbf16, #tpu.memory_space<vmem_shared>>) offsets(%dma_start3A_399 : memref<128xi32, #tpu.memory_space<vmem>>) semaphore(%arg26 : memref<!tpu.dma_semaphore, #tpu.memory_space<semaphore_mem>>) {add = true}
      %add3A_403 = arith.constant 2 : i32
      %add3A_404 = arith.addi %mul3A_386, %add3A_403 : i32
      %dma_start3A_405 = arith.constant 0 : i32
      %dma_start3A_406 = tpu.memref_slice %arg13[%add3A_404, %dma_start3A_405] : memref<80x128xi32, #tpu.memory_space<vmem>> -> memref<1x128xi32, #tpu.memory_space<vmem>>
      %dma_start3A_407 = tpu.memref_squeeze %dma_start3A_406 : memref<1x128xi32, #tpu.memory_space<vmem>> -> memref<128xi32, #tpu.memory_space<vmem>>
      %dma_start3A_408 = arith.constant 0 : i32
      %dma_start3A_409 = arith.constant 0 : i32
      %dma_start3A_410 = tpu.memref_slice %arg10[%dma_start3A_408, %dma_start3A_409] : memref<10112x128xbf16, #tpu.memory_space<vmem_shared>> -> memref<10112x128xbf16, #tpu.memory_space<vmem_shared>>
      tpu.enqueue_indirect_dma source(%arg18 : memref<128x128xbf16, #tpu.memory_space<vmem>>) target(%dma_start3A_410 : memref<10112x128xbf16, #tpu.memory_space<vmem_shared>>) offsets(%dma_start3A_407 : memref<128xi32, #tpu.memory_space<vmem>>) semaphore(%arg26 : memref<!tpu.dma_semaphore, #tpu.memory_space<semaphore_mem>>) {add = true}
      %add3A_411 = arith.constant 3 : i32
      %add3A_412 = arith.addi %mul3A_386, %add3A_411 : i32
      %dma_start3A_413 = arith.constant 0 : i32
      %dma_start3A_414 = tpu.memref_slice %arg13[%add3A_412, %dma_start3A_413] : memref<80x128xi32, #tpu.memory_space<vmem>> -> memref<1x128xi32, #tpu.memory_space<vmem>>
      %dma_start3A_415 = tpu.memref_squeeze %dma_start3A_414 : memref<1x128xi32, #tpu.memory_space<vmem>> -> memref<128xi32, #tpu.memory_space<vmem>>
      %dma_start3A_416 = arith.constant 0 : i32
      %dma_start3A_417 = arith.constant 0 : i32
      %dma_start3A_418 = tpu.memref_slice %arg10[%dma_start3A_416, %dma_start3A_417] : memref<10112x128xbf16, #tpu.memory_space<vmem_shared>> -> memref<10112x128xbf16, #tpu.memory_space<vmem_shared>>
      tpu.enqueue_indirect_dma source(%arg19 : memref<128x128xbf16, #tpu.memory_space<vmem>>) target(%dma_start3A_418 : memref<10112x128xbf16, #tpu.memory_space<vmem_shared>>) offsets(%dma_start3A_415 : memref<128xi32, #tpu.memory_space<vmem>>) semaphore(%arg26 : memref<!tpu.dma_semaphore, #tpu.memory_space<semaphore_mem>>) {add = true}
      %add3A_419 = arith.constant 0 : i32
      %add3A_420 = arith.addi %mul3A_386, %add3A_419 : i32
      %dma_start3A_421 = arith.constant 0 : i32
      %dma_start3A_422 = tpu.memref_slice %arg13[%add3A_420, %dma_start3A_421] : memref<80x128xi32, #tpu.memory_space<vmem>> -> memref<1x128xi32, #tpu.memory_space<vmem>>
      %dma_start3A_423 = tpu.memref_squeeze %dma_start3A_422 : memref<1x128xi32, #tpu.memory_space<vmem>> -> memref<128xi32, #tpu.memory_space<vmem>>
      %dma_start3A_424 = arith.constant 0 : i32
      %dma_start3A_425 = tpu.memref_slice %arg11[%dma_start3A_424] : memref<10112xf32, #tpu.memory_space<vmem_shared>> -> memref<10112xf32, #tpu.memory_space<vmem_shared>>
      tpu.enqueue_indirect_dma source(%arg14 : memref<128xf32, #tpu.memory_space<vmem>>) target(%dma_start3A_425 : memref<10112xf32, #tpu.memory_space<vmem_shared>>) offsets(%dma_start3A_423 : memref<128xi32, #tpu.memory_space<vmem>>) semaphore(%arg28 : memref<!tpu.dma_semaphore, #tpu.memory_space<semaphore_mem>>) {add = true}
      %add3A_426 = arith.constant 1 : i32
      %add3A_427 = arith.addi %mul3A_386, %add3A_426 : i32
      %dma_start3A_428 = arith.constant 0 : i32
      %dma_start3A_429 = tpu.memref_slice %arg13[%add3A_427, %dma_start3A_428] : memref<80x128xi32, #tpu.memory_space<vmem>> -> memref<1x128xi32, #tpu.memory_space<vmem>>
      %dma_start3A_430 = tpu.memref_squeeze %dma_start3A_429 : memref<1x128xi32, #tpu.memory_space<vmem>> -> memref<128xi32, #tpu.memory_space<vmem>>
      %dma_start3A_431 = arith.constant 0 : i32
      %dma_start3A_432 = tpu.memref_slice %arg11[%dma_start3A_431] : memref<10112xf32, #tpu.memory_space<vmem_shared>> -> memref<10112xf32, #tpu.memory_space<vmem_shared>>
      tpu.enqueue_indirect_dma source(%arg14 : memref<128xf32, #tpu.memory_space<vmem>>) target(%dma_start3A_432 : memref<10112xf32, #tpu.memory_space<vmem_shared>>) offsets(%dma_start3A_430 : memref<128xi32, #tpu.memory_space<vmem>>) semaphore(%arg28 : memref<!tpu.dma_semaphore, #tpu.memory_space<semaphore_mem>>) {add = true}
      %add3A_433 = arith.constant 2 : i32
      %add3A_434 = arith.addi %mul3A_386, %add3A_433 : i32
      %dma_start3A_435 = arith.constant 0 : i32
      %dma_start3A_436 = tpu.memref_slice %arg13[%add3A_434, %dma_start3A_435] : memref<80x128xi32, #tpu.memory_space<vmem>> -> memref<1x128xi32, #tpu.memory_space<vmem>>
      %dma_start3A_437 = tpu.memref_squeeze %dma_start3A_436 : memref<1x128xi32, #tpu.memory_space<vmem>> -> memref<128xi32, #tpu.memory_space<vmem>>
      %dma_start3A_438 = arith.constant 0 : i32
      %dma_start3A_439 = tpu.memref_slice %arg11[%dma_start3A_438] : memref<10112xf32, #tpu.memory_space<vmem_shared>> -> memref<10112xf32, #tpu.memory_space<vmem_shared>>
      tpu.enqueue_indirect_dma source(%arg14 : memref<128xf32, #tpu.memory_space<vmem>>) target(%dma_start3A_439 : memref<10112xf32, #tpu.memory_space<vmem_shared>>) offsets(%dma_start3A_437 : memref<128xi32, #tpu.memory_space<vmem>>) semaphore(%arg28 : memref<!tpu.dma_semaphore, #tpu.memory_space<semaphore_mem>>) {add = true}
      %add3A_440 = arith.constant 3 : i32
      %add3A_441 = arith.addi %mul3A_386, %add3A_440 : i32
      %dma_start3A_442 = arith.constant 0 : i32
      %dma_start3A_443 = tpu.memref_slice %arg13[%add3A_441, %dma_start3A_442] : memref<80x128xi32, #tpu.memory_space<vmem>> -> memref<1x128xi32, #tpu.memory_space<vmem>>
      %dma_start3A_444 = tpu.memref_squeeze %dma_start3A_443 : memref<1x128xi32, #tpu.memory_space<vmem>> -> memref<128xi32, #tpu.memory_space<vmem>>
      %dma_start3A_445 = arith.constant 0 : i32
      %dma_start3A_446 = tpu.memref_slice %arg11[%dma_start3A_445] : memref<10112xf32, #tpu.memory_space<vmem_shared>> -> memref<10112xf32, #tpu.memory_space<vmem_shared>>
      tpu.enqueue_indirect_dma source(%arg14 : memref<128xf32, #tpu.memory_space<vmem>>) target(%dma_start3A_446 : memref<10112xf32, #tpu.memory_space<vmem_shared>>) offsets(%dma_start3A_444 : memref<128xi32, #tpu.memory_space<vmem>>) semaphore(%arg28 : memref<!tpu.dma_semaphore, #tpu.memory_space<semaphore_mem>>) {add = true}
      %dma_wait3A_447 = arith.constant 0 : i32
      %dma_wait3A_448 = arith.constant 0 : i32
      %dma_wait3A_449 = tpu.memref_slice %arg13[%dma_wait3A_447, %dma_wait3A_448] : memref<80x128xi32, #tpu.memory_space<vmem>> -> memref<1x128xi32, #tpu.memory_space<vmem>>
      %dma_wait3A_450 = tpu.memref_squeeze %dma_wait3A_449 : memref<1x128xi32, #tpu.memory_space<vmem>> -> memref<128xi32, #tpu.memory_space<vmem>>
      %dma_wait3A_451 = arith.constant 0 : i32
      %dma_wait3A_452 = arith.constant 0 : i32
      %dma_wait3A_453 = tpu.memref_slice %arg10[%dma_wait3A_451, %dma_wait3A_452] : memref<10112x128xbf16, #tpu.memory_space<vmem_shared>> -> memref<10112x128xbf16, #tpu.memory_space<vmem_shared>>
      tpu.wait_indirect_dma semaphore(%arg27 : memref<!tpu.dma_semaphore, #tpu.memory_space<semaphore_mem>>) src(%arg20 : memref<128x128xbf16, #tpu.memory_space<vmem>>) dst(%dma_wait3A_453 : memref<10112x128xbf16, #tpu.memory_space<vmem_shared>>)
      %dma_wait3A_454 = arith.constant 0 : i32
      %dma_wait3A_455 = arith.constant 0 : i32
      %dma_wait3A_456 = tpu.memref_slice %arg13[%dma_wait3A_454, %dma_wait3A_455] : memref<80x128xi32, #tpu.memory_space<vmem>> -> memref<1x128xi32, #tpu.memory_space<vmem>>
      %dma_wait3A_457 = tpu.memref_squeeze %dma_wait3A_456 : memref<1x128xi32, #tpu.memory_space<vmem>> -> memref<128xi32, #tpu.memory_space<vmem>>
      %dma_wait3A_458 = arith.constant 0 : i32
      %dma_wait3A_459 = arith.constant 0 : i32
      %dma_wait3A_460 = tpu.memref_slice %arg10[%dma_wait3A_458, %dma_wait3A_459] : memref<10112x128xbf16, #tpu.memory_space<vmem_shared>> -> memref<10112x128xbf16, #tpu.memory_space<vmem_shared>>
      tpu.wait_indirect_dma semaphore(%arg27 : memref<!tpu.dma_semaphore, #tpu.memory_space<semaphore_mem>>) src(%arg21 : memref<128x128xbf16, #tpu.memory_space<vmem>>) dst(%dma_wait3A_460 : memref<10112x128xbf16, #tpu.memory_space<vmem_shared>>)
      %dma_wait3A_461 = arith.constant 0 : i32
      %dma_wait3A_462 = arith.constant 0 : i32
      %dma_wait3A_463 = tpu.memref_slice %arg13[%dma_wait3A_461, %dma_wait3A_462] : memref<80x128xi32, #tpu.memory_space<vmem>> -> memref<1x128xi32, #tpu.memory_space<vmem>>
      %dma_wait3A_464 = tpu.memref_squeeze %dma_wait3A_463 : memref<1x128xi32, #tpu.memory_space<vmem>> -> memref<128xi32, #tpu.memory_space<vmem>>
      %dma_wait3A_465 = arith.constant 0 : i32
      %dma_wait3A_466 = arith.constant 0 : i32
      %dma_wait3A_467 = tpu.memref_slice %arg10[%dma_wait3A_465, %dma_wait3A_466] : memref<10112x128xbf16, #tpu.memory_space<vmem_shared>> -> memref<10112x128xbf16, #tpu.memory_space<vmem_shared>>
      tpu.wait_indirect_dma semaphore(%arg27 : memref<!tpu.dma_semaphore, #tpu.memory_space<semaphore_mem>>) src(%arg22 : memref<128x128xbf16, #tpu.memory_space<vmem>>) dst(%dma_wait3A_467 : memref<10112x128xbf16, #tpu.memory_space<vmem_shared>>)
      %dma_wait3A_468 = arith.constant 0 : i32
      %dma_wait3A_469 = arith.constant 0 : i32
      %dma_wait3A_470 = tpu.memref_slice %arg13[%dma_wait3A_468, %dma_wait3A_469] : memref<80x128xi32, #tpu.memory_space<vmem>> -> memref<1x128xi32, #tpu.memory_space<vmem>>
      %dma_wait3A_471 = tpu.memref_squeeze %dma_wait3A_470 : memref<1x128xi32, #tpu.memory_space<vmem>> -> memref<128xi32, #tpu.memory_space<vmem>>
      %dma_wait3A_472 = arith.constant 0 : i32
      %dma_wait3A_473 = arith.constant 0 : i32
      %dma_wait3A_474 = tpu.memref_slice %arg10[%dma_wait3A_472, %dma_wait3A_473] : memref<10112x128xbf16, #tpu.memory_space<vmem_shared>> -> memref<10112x128xbf16, #tpu.memory_space<vmem_shared>>
      tpu.wait_indirect_dma semaphore(%arg27 : memref<!tpu.dma_semaphore, #tpu.memory_space<semaphore_mem>>) src(%arg23 : memref<128x128xbf16, #tpu.memory_space<vmem>>) dst(%dma_wait3A_474 : memref<10112x128xbf16, #tpu.memory_space<vmem_shared>>)
      %add3A_475 = arith.constant 1 : i32
      %add3A_476 = arith.addi %mul3A_360, %add3A_475 : i32
      %rem3A_477 = arith.constant 20 : i32
      %rem3A_478 = arith.remsi %add3A_476, %rem3A_477 : i32
      %mul3A_479 = arith.constant 4 : i32
      %mul3A_480 = arith.muli %rem3A_478, %mul3A_479 : i32
      %add3A_481 = arith.constant 0 : i32
      %add3A_482 = arith.addi %mul3A_480, %add3A_481 : i32
      %dma_start3A_483 = arith.constant 0 : i32
      %dma_start3A_484 = tpu.memref_slice %arg12[%add3A_482, %dma_start3A_483] : memref<80x128xi32, #tpu.memory_space<vmem>> -> memref<1x128xi32, #tpu.memory_space<vmem>>
      %dma_start3A_485 = tpu.memref_squeeze %dma_start3A_484 : memref<1x128xi32, #tpu.memory_space<vmem>> -> memref<128xi32, #tpu.memory_space<vmem>>
      %dma_start3A_486 = arith.constant 0 : i32
      %dma_start3A_487 = arith.constant 0 : i32
      %dma_start3A_488 = tpu.memref_slice %arg2[%dma_start3A_486, %dma_start3A_487] : memref<10000x128xbf16, #tpu.memory_space<hbm>> -> memref<10000x128xbf16, #tpu.memory_space<hbm>>
      tpu.enqueue_indirect_dma source(%dma_start3A_488 : memref<10000x128xbf16, #tpu.memory_space<hbm>>) target(%arg20 : memref<128x128xbf16, #tpu.memory_space<vmem>>) offsets(%dma_start3A_485 : memref<128xi32, #tpu.memory_space<vmem>>) semaphore(%arg25 : memref<!tpu.dma_semaphore, #tpu.memory_space<semaphore_mem>>)
      %add3A_489 = arith.constant 1 : i32
      %add3A_490 = arith.addi %mul3A_480, %add3A_489 : i32
      %dma_start3A_491 = arith.constant 0 : i32
      %dma_start3A_492 = tpu.memref_slice %arg12[%add3A_490, %dma_start3A_491] : memref<80x128xi32, #tpu.memory_space<vmem>> -> memref<1x128xi32, #tpu.memory_space<vmem>>
      %dma_start3A_493 = tpu.memref_squeeze %dma_start3A_492 : memref<1x128xi32, #tpu.memory_space<vmem>> -> memref<128xi32, #tpu.memory_space<vmem>>
      %dma_start3A_494 = arith.constant 0 : i32
      %dma_start3A_495 = arith.constant 0 : i32
      %dma_start3A_496 = tpu.memref_slice %arg2[%dma_start3A_494, %dma_start3A_495] : memref<10000x128xbf16, #tpu.memory_space<hbm>> -> memref<10000x128xbf16, #tpu.memory_space<hbm>>
      tpu.enqueue_indirect_dma source(%dma_start3A_496 : memref<10000x128xbf16, #tpu.memory_space<hbm>>) target(%arg21 : memref<128x128xbf16, #tpu.memory_space<vmem>>) offsets(%dma_start3A_493 : memref<128xi32, #tpu.memory_space<vmem>>) semaphore(%arg25 : memref<!tpu.dma_semaphore, #tpu.memory_space<semaphore_mem>>)
      %add3A_497 = arith.constant 2 : i32
      %add3A_498 = arith.addi %mul3A_480, %add3A_497 : i32
      %dma_start3A_499 = arith.constant 0 : i32
      %dma_start3A_500 = tpu.memref_slice %arg12[%add3A_498, %dma_start3A_499] : memref<80x128xi32, #tpu.memory_space<vmem>> -> memref<1x128xi32, #tpu.memory_space<vmem>>
      %dma_start3A_501 = tpu.memref_squeeze %dma_start3A_500 : memref<1x128xi32, #tpu.memory_space<vmem>> -> memref<128xi32, #tpu.memory_space<vmem>>
      %dma_start3A_502 = arith.constant 0 : i32
      %dma_start3A_503 = arith.constant 0 : i32
      %dma_start3A_504 = tpu.memref_slice %arg2[%dma_start3A_502, %dma_start3A_503] : memref<10000x128xbf16, #tpu.memory_space<hbm>> -> memref<10000x128xbf16, #tpu.memory_space<hbm>>
      tpu.enqueue_indirect_dma source(%dma_start3A_504 : memref<10000x128xbf16, #tpu.memory_space<hbm>>) target(%arg22 : memref<128x128xbf16, #tpu.memory_space<vmem>>) offsets(%dma_start3A_501 : memref<128xi32, #tpu.memory_space<vmem>>) semaphore(%arg25 : memref<!tpu.dma_semaphore, #tpu.memory_space<semaphore_mem>>)
      %add3A_505 = arith.constant 3 : i32
      %add3A_506 = arith.addi %mul3A_480, %add3A_505 : i32
      %dma_start3A_507 = arith.constant 0 : i32
      %dma_start3A_508 = tpu.memref_slice %arg12[%add3A_506, %dma_start3A_507] : memref<80x128xi32, #tpu.memory_space<vmem>> -> memref<1x128xi32, #tpu.memory_space<vmem>>
      %dma_start3A_509 = tpu.memref_squeeze %dma_start3A_508 : memref<1x128xi32, #tpu.memory_space<vmem>> -> memref<128xi32, #tpu.memory_space<vmem>>
      %dma_start3A_510 = arith.constant 0 : i32
      %dma_start3A_511 = arith.constant 0 : i32
      %dma_start3A_512 = tpu.memref_slice %arg2[%dma_start3A_510, %dma_start3A_511] : memref<10000x128xbf16, #tpu.memory_space<hbm>> -> memref<10000x128xbf16, #tpu.memory_space<hbm>>
      tpu.enqueue_indirect_dma source(%dma_start3A_512 : memref<10000x128xbf16, #tpu.memory_space<hbm>>) target(%arg23 : memref<128x128xbf16, #tpu.memory_space<vmem>>) offsets(%dma_start3A_509 : memref<128xi32, #tpu.memory_space<vmem>>) semaphore(%arg25 : memref<!tpu.dma_semaphore, #tpu.memory_space<semaphore_mem>>)
      %dma_wait3A_513 = arith.constant 0 : i32
      %dma_wait3A_514 = arith.constant 0 : i32
      %dma_wait3A_515 = tpu.memref_slice %arg2[%dma_wait3A_513, %dma_wait3A_514] : memref<10000x128xbf16, #tpu.memory_space<hbm>> -> memref<128x128xbf16, #tpu.memory_space<hbm>>
      %dma_wait3A_516 = arith.constant 0 : i32
      %dma_wait3A_517 = arith.constant 0 : i32
      %dma_wait3A_518 = tpu.memref_slice %arg2[%dma_wait3A_516, %dma_wait3A_517] : memref<10000x128xbf16, #tpu.memory_space<hbm>> -> memref<128x128xbf16, #tpu.memory_space<hbm>>
      tpu.wait_dma2 semaphore(%arg25 : memref<!tpu.dma_semaphore, #tpu.memory_space<semaphore_mem>>) src(%dma_wait3A_518 : memref<128x128xbf16, #tpu.memory_space<hbm>>) dst(%arg20 : memref<128x128xbf16, #tpu.memory_space<vmem>>)
      %dma_wait3A_519 = arith.constant 0 : i32
      %dma_wait3A_520 = arith.constant 0 : i32
      %dma_wait3A_521 = tpu.memref_slice %arg2[%dma_wait3A_519, %dma_wait3A_520] : memref<10000x128xbf16, #tpu.memory_space<hbm>> -> memref<128x128xbf16, #tpu.memory_space<hbm>>
      %dma_wait3A_522 = arith.constant 0 : i32
      %dma_wait3A_523 = arith.constant 0 : i32
      %dma_wait3A_524 = tpu.memref_slice %arg2[%dma_wait3A_522, %dma_wait3A_523] : memref<10000x128xbf16, #tpu.memory_space<hbm>> -> memref<128x128xbf16, #tpu.memory_space<hbm>>
      tpu.wait_dma2 semaphore(%arg25 : memref<!tpu.dma_semaphore, #tpu.memory_space<semaphore_mem>>) src(%dma_wait3A_524 : memref<128x128xbf16, #tpu.memory_space<hbm>>) dst(%arg21 : memref<128x128xbf16, #tpu.memory_space<vmem>>)
      %dma_wait3A_525 = arith.constant 0 : i32
      %dma_wait3A_526 = arith.constant 0 : i32
      %dma_wait3A_527 = tpu.memref_slice %arg2[%dma_wait3A_525, %dma_wait3A_526] : memref<10000x128xbf16, #tpu.memory_space<hbm>> -> memref<128x128xbf16, #tpu.memory_space<hbm>>
      %dma_wait3A_528 = arith.constant 0 : i32
      %dma_wait3A_529 = arith.constant 0 : i32
      %dma_wait3A_530 = tpu.memref_slice %arg2[%dma_wait3A_528, %dma_wait3A_529] : memref<10000x128xbf16, #tpu.memory_space<hbm>> -> memref<128x128xbf16, #tpu.memory_space<hbm>>
      tpu.wait_dma2 semaphore(%arg25 : memref<!tpu.dma_semaphore, #tpu.memory_space<semaphore_mem>>) src(%dma_wait3A_530 : memref<128x128xbf16, #tpu.memory_space<hbm>>) dst(%arg22 : memref<128x128xbf16, #tpu.memory_space<vmem>>)
      %dma_wait3A_531 = arith.constant 0 : i32
      %dma_wait3A_532 = arith.constant 0 : i32
      %dma_wait3A_533 = tpu.memref_slice %arg2[%dma_wait3A_531, %dma_wait3A_532] : memref<10000x128xbf16, #tpu.memory_space<hbm>> -> memref<128x128xbf16, #tpu.memory_space<hbm>>
      %dma_wait3A_534 = arith.constant 0 : i32
      %dma_wait3A_535 = arith.constant 0 : i32
      %dma_wait3A_536 = tpu.memref_slice %arg2[%dma_wait3A_534, %dma_wait3A_535] : memref<10000x128xbf16, #tpu.memory_space<hbm>> -> memref<128x128xbf16, #tpu.memory_space<hbm>>
      tpu.wait_dma2 semaphore(%arg25 : memref<!tpu.dma_semaphore, #tpu.memory_space<semaphore_mem>>) src(%dma_wait3A_536 : memref<128x128xbf16, #tpu.memory_space<hbm>>) dst(%arg23 : memref<128x128xbf16, #tpu.memory_space<vmem>>)
      %add3A_537 = arith.constant 1 : i32
      %add3A_538 = arith.addi %mul3A_360, %add3A_537 : i32
      %mul3A_539 = arith.constant 4 : i32
      %mul3A_540 = arith.muli %add3A_538, %mul3A_539 : i32
      %add3A_541 = arith.constant 0 : i32
      %add3A_542 = arith.addi %mul3A_540, %add3A_541 : i32
      %dma_start3A_543 = arith.constant 0 : i32
      %dma_start3A_544 = tpu.memref_slice %arg13[%add3A_542, %dma_start3A_543] : memref<80x128xi32, #tpu.memory_space<vmem>> -> memref<1x128xi32, #tpu.memory_space<vmem>>
      %dma_start3A_545 = tpu.memref_squeeze %dma_start3A_544 : memref<1x128xi32, #tpu.memory_space<vmem>> -> memref<128xi32, #tpu.memory_space<vmem>>
      %dma_start3A_546 = arith.constant 0 : i32
      %dma_start3A_547 = arith.constant 0 : i32
      %dma_start3A_548 = tpu.memref_slice %arg10[%dma_start3A_546, %dma_start3A_547] : memref<10112x128xbf16, #tpu.memory_space<vmem_shared>> -> memref<10112x128xbf16, #tpu.memory_space<vmem_shared>>
      tpu.enqueue_indirect_dma source(%arg20 : memref<128x128xbf16, #tpu.memory_space<vmem>>) target(%dma_start3A_548 : memref<10112x128xbf16, #tpu.memory_space<vmem_shared>>) offsets(%dma_start3A_545 : memref<128xi32, #tpu.memory_space<vmem>>) semaphore(%arg27 : memref<!tpu.dma_semaphore, #tpu.memory_space<semaphore_mem>>) {add = true}
      %add3A_549 = arith.constant 1 : i32
      %add3A_550 = arith.addi %mul3A_540, %add3A_549 : i32
      %dma_start3A_551 = arith.constant 0 : i32
      %dma_start3A_552 = tpu.memref_slice %arg13[%add3A_550, %dma_start3A_551] : memref<80x128xi32, #tpu.memory_space<vmem>> -> memref<1x128xi32, #tpu.memory_space<vmem>>
      %dma_start3A_553 = tpu.memref_squeeze %dma_start3A_552 : memref<1x128xi32, #tpu.memory_space<vmem>> -> memref<128xi32, #tpu.memory_space<vmem>>
      %dma_start3A_554 = arith.constant 0 : i32
      %dma_start3A_555 = arith.constant 0 : i32
      %dma_start3A_556 = tpu.memref_slice %arg10[%dma_start3A_554, %dma_start3A_555] : memref<10112x128xbf16, #tpu.memory_space<vmem_shared>> -> memref<10112x128xbf16, #tpu.memory_space<vmem_shared>>
      tpu.enqueue_indirect_dma source(%arg21 : memref<128x128xbf16, #tpu.memory_space<vmem>>) target(%dma_start3A_556 : memref<10112x128xbf16, #tpu.memory_space<vmem_shared>>) offsets(%dma_start3A_553 : memref<128xi32, #tpu.memory_space<vmem>>) semaphore(%arg27 : memref<!tpu.dma_semaphore, #tpu.memory_space<semaphore_mem>>) {add = true}
      %add3A_557 = arith.constant 2 : i32
      %add3A_558 = arith.addi %mul3A_540, %add3A_557 : i32
      %dma_start3A_559 = arith.constant 0 : i32
      %dma_start3A_560 = tpu.memref_slice %arg13[%add3A_558, %dma_start3A_559] : memref<80x128xi32, #tpu.memory_space<vmem>> -> memref<1x128xi32, #tpu.memory_space<vmem>>
      %dma_start3A_561 = tpu.memref_squeeze %dma_start3A_560 : memref<1x128xi32, #tpu.memory_space<vmem>> -> memref<128xi32, #tpu.memory_space<vmem>>
      %dma_start3A_562 = arith.constant 0 : i32
      %dma_start3A_563 = arith.constant 0 : i32
      %dma_start3A_564 = tpu.memref_slice %arg10[%dma_start3A_562, %dma_start3A_563] : memref<10112x128xbf16, #tpu.memory_space<vmem_shared>> -> memref<10112x128xbf16, #tpu.memory_space<vmem_shared>>
      tpu.enqueue_indirect_dma source(%arg22 : memref<128x128xbf16, #tpu.memory_space<vmem>>) target(%dma_start3A_564 : memref<10112x128xbf16, #tpu.memory_space<vmem_shared>>) offsets(%dma_start3A_561 : memref<128xi32, #tpu.memory_space<vmem>>) semaphore(%arg27 : memref<!tpu.dma_semaphore, #tpu.memory_space<semaphore_mem>>) {add = true}
      %add3A_565 = arith.constant 3 : i32
      %add3A_566 = arith.addi %mul3A_540, %add3A_565 : i32
      %dma_start3A_567 = arith.constant 0 : i32
      %dma_start3A_568 = tpu.memref_slice %arg13[%add3A_566, %dma_start3A_567] : memref<80x128xi32, #tpu.memory_space<vmem>> -> memref<1x128xi32, #tpu.memory_space<vmem>>
      %dma_start3A_569 = tpu.memref_squeeze %dma_start3A_568 : memref<1x128xi32, #tpu.memory_space<vmem>> -> memref<128xi32, #tpu.memory_space<vmem>>
      %dma_start3A_570 = arith.constant 0 : i32
      %dma_start3A_571 = arith.constant 0 : i32
      %dma_start3A_572 = tpu.memref_slice %arg10[%dma_start3A_570, %dma_start3A_571] : memref<10112x128xbf16, #tpu.memory_space<vmem_shared>> -> memref<10112x128xbf16, #tpu.memory_space<vmem_shared>>
      tpu.enqueue_indirect_dma source(%arg23 : memref<128x128xbf16, #tpu.memory_space<vmem>>) target(%dma_start3A_572 : memref<10112x128xbf16, #tpu.memory_space<vmem_shared>>) offsets(%dma_start3A_569 : memref<128xi32, #tpu.memory_space<vmem>>) semaphore(%arg27 : memref<!tpu.dma_semaphore, #tpu.memory_space<semaphore_mem>>) {add = true}
      %add3A_573 = arith.constant 0 : i32
      %add3A_574 = arith.addi %mul3A_540, %add3A_573 : i32
      %dma_start3A_575 = arith.constant 0 : i32
      %dma_start3A_576 = tpu.memref_slice %arg13[%add3A_574, %dma_start3A_575] : memref<80x128xi32, #tpu.memory_space<vmem>> -> memref<1x128xi32, #tpu.memory_space<vmem>>
      %dma_start3A_577 = tpu.memref_squeeze %dma_start3A_576 : memref<1x128xi32, #tpu.memory_space<vmem>> -> memref<128xi32, #tpu.memory_space<vmem>>
      %dma_start3A_578 = arith.constant 0 : i32
      %dma_start3A_579 = tpu.memref_slice %arg11[%dma_start3A_578] : memref<10112xf32, #tpu.memory_space<vmem_shared>> -> memref<10112xf32, #tpu.memory_space<vmem_shared>>
      tpu.enqueue_indirect_dma source(%arg14 : memref<128xf32, #tpu.memory_space<vmem>>) target(%dma_start3A_579 : memref<10112xf32, #tpu.memory_space<vmem_shared>>) offsets(%dma_start3A_577 : memref<128xi32, #tpu.memory_space<vmem>>) semaphore(%arg28 : memref<!tpu.dma_semaphore, #tpu.memory_space<semaphore_mem>>) {add = true}
      %add3A_580 = arith.constant 1 : i32
      %add3A_581 = arith.addi %mul3A_540, %add3A_580 : i32
      %dma_start3A_582 = arith.constant 0 : i32
      %dma_start3A_583 = tpu.memref_slice %arg13[%add3A_581, %dma_start3A_582] : memref<80x128xi32, #tpu.memory_space<vmem>> -> memref<1x128xi32, #tpu.memory_space<vmem>>
      %dma_start3A_584 = tpu.memref_squeeze %dma_start3A_583 : memref<1x128xi32, #tpu.memory_space<vmem>> -> memref<128xi32, #tpu.memory_space<vmem>>
      %dma_start3A_585 = arith.constant 0 : i32
      %dma_start3A_586 = tpu.memref_slice %arg11[%dma_start3A_585] : memref<10112xf32, #tpu.memory_space<vmem_shared>> -> memref<10112xf32, #tpu.memory_space<vmem_shared>>
      tpu.enqueue_indirect_dma source(%arg14 : memref<128xf32, #tpu.memory_space<vmem>>) target(%dma_start3A_586 : memref<10112xf32, #tpu.memory_space<vmem_shared>>) offsets(%dma_start3A_584 : memref<128xi32, #tpu.memory_space<vmem>>) semaphore(%arg28 : memref<!tpu.dma_semaphore, #tpu.memory_space<semaphore_mem>>) {add = true}
      %add3A_587 = arith.constant 2 : i32
      %add3A_588 = arith.addi %mul3A_540, %add3A_587 : i32
      %dma_start3A_589 = arith.constant 0 : i32
      %dma_start3A_590 = tpu.memref_slice %arg13[%add3A_588, %dma_start3A_589] : memref<80x128xi32, #tpu.memory_space<vmem>> -> memref<1x128xi32, #tpu.memory_space<vmem>>
      %dma_start3A_591 = tpu.memref_squeeze %dma_start3A_590 : memref<1x128xi32, #tpu.memory_space<vmem>> -> memref<128xi32, #tpu.memory_space<vmem>>
      %dma_start3A_592 = arith.constant 0 : i32
      %dma_start3A_593 = tpu.memref_slice %arg11[%dma_start3A_592] : memref<10112xf32, #tpu.memory_space<vmem_shared>> -> memref<10112xf32, #tpu.memory_space<vmem_shared>>
      tpu.enqueue_indirect_dma source(%arg14 : memref<128xf32, #tpu.memory_space<vmem>>) target(%dma_start3A_593 : memref<10112xf32, #tpu.memory_space<vmem_shared>>) offsets(%dma_start3A_591 : memref<128xi32, #tpu.memory_space<vmem>>) semaphore(%arg28 : memref<!tpu.dma_semaphore, #tpu.memory_space<semaphore_mem>>) {add = true}
      %add3A_594 = arith.constant 3 : i32
      %add3A_595 = arith.addi %mul3A_540, %add3A_594 : i32
      %dma_start3A_596 = arith.constant 0 : i32
      %dma_start3A_597 = tpu.memref_slice %arg13[%add3A_595, %dma_start3A_596] : memref<80x128xi32, #tpu.memory_space<vmem>> -> memref<1x128xi32, #tpu.memory_space<vmem>>
      %dma_start3A_598 = tpu.memref_squeeze %dma_start3A_597 : memref<1x128xi32, #tpu.memory_space<vmem>> -> memref<128xi32, #tpu.memory_space<vmem>>
      %dma_start3A_599 = arith.constant 0 : i32
      %dma_start3A_600 = tpu.memref_slice %arg11[%dma_start3A_599] : memref<10112xf32, #tpu.memory_space<vmem_shared>> -> memref<10112xf32, #tpu.memory_space<vmem_shared>>
      tpu.enqueue_indirect_dma source(%arg14 : memref<128xf32, #tpu.memory_space<vmem>>) target(%dma_start3A_600 : memref<10112xf32, #tpu.memory_space<vmem_shared>>) offsets(%dma_start3A_598 : memref<128xi32, #tpu.memory_space<vmem>>) semaphore(%arg28 : memref<!tpu.dma_semaphore, #tpu.memory_space<semaphore_mem>>) {add = true}
      %dma_wait3A_601 = arith.constant 0 : i32
      %dma_wait3A_602 = arith.constant 0 : i32
      %dma_wait3A_603 = tpu.memref_slice %arg13[%dma_wait3A_601, %dma_wait3A_602] : memref<80x128xi32, #tpu.memory_space<vmem>> -> memref<1x128xi32, #tpu.memory_space<vmem>>
      %dma_wait3A_604 = tpu.memref_squeeze %dma_wait3A_603 : memref<1x128xi32, #tpu.memory_space<vmem>> -> memref<128xi32, #tpu.memory_space<vmem>>
      %dma_wait3A_605 = arith.constant 0 : i32
      %dma_wait3A_606 = arith.constant 0 : i32
      %dma_wait3A_607 = tpu.memref_slice %arg10[%dma_wait3A_605, %dma_wait3A_606] : memref<10112x128xbf16, #tpu.memory_space<vmem_shared>> -> memref<10112x128xbf16, #tpu.memory_space<vmem_shared>>
      tpu.wait_indirect_dma semaphore(%arg26 : memref<!tpu.dma_semaphore, #tpu.memory_space<semaphore_mem>>) src(%arg16 : memref<128x128xbf16, #tpu.memory_space<vmem>>) dst(%dma_wait3A_607 : memref<10112x128xbf16, #tpu.memory_space<vmem_shared>>)
      %dma_wait3A_608 = arith.constant 0 : i32
      %dma_wait3A_609 = arith.constant 0 : i32
      %dma_wait3A_610 = tpu.memref_slice %arg13[%dma_wait3A_608, %dma_wait3A_609] : memref<80x128xi32, #tpu.memory_space<vmem>> -> memref<1x128xi32, #tpu.memory_space<vmem>>
      %dma_wait3A_611 = tpu.memref_squeeze %dma_wait3A_610 : memref<1x128xi32, #tpu.memory_space<vmem>> -> memref<128xi32, #tpu.memory_space<vmem>>
      %dma_wait3A_612 = arith.constant 0 : i32
      %dma_wait3A_613 = arith.constant 0 : i32
      %dma_wait3A_614 = tpu.memref_slice %arg10[%dma_wait3A_612, %dma_wait3A_613] : memref<10112x128xbf16, #tpu.memory_space<vmem_shared>> -> memref<10112x128xbf16, #tpu.memory_space<vmem_shared>>
      tpu.wait_indirect_dma semaphore(%arg26 : memref<!tpu.dma_semaphore, #tpu.memory_space<semaphore_mem>>) src(%arg17 : memref<128x128xbf16, #tpu.memory_space<vmem>>) dst(%dma_wait3A_614 : memref<10112x128xbf16, #tpu.memory_space<vmem_shared>>)
      %dma_wait3A_615 = arith.constant 0 : i32
      %dma_wait3A_616 = arith.constant 0 : i32
      %dma_wait3A_617 = tpu.memref_slice %arg13[%dma_wait3A_615, %dma_wait3A_616] : memref<80x128xi32, #tpu.memory_space<vmem>> -> memref<1x128xi32, #tpu.memory_space<vmem>>
      %dma_wait3A_618 = tpu.memref_squeeze %dma_wait3A_617 : memref<1x128xi32, #tpu.memory_space<vmem>> -> memref<128xi32, #tpu.memory_space<vmem>>
      %dma_wait3A_619 = arith.constant 0 : i32
      %dma_wait3A_620 = arith.constant 0 : i32
      %dma_wait3A_621 = tpu.memref_slice %arg10[%dma_wait3A_619, %dma_wait3A_620] : memref<10112x128xbf16, #tpu.memory_space<vmem_shared>> -> memref<10112x128xbf16, #tpu.memory_space<vmem_shared>>
      tpu.wait_indirect_dma semaphore(%arg26 : memref<!tpu.dma_semaphore, #tpu.memory_space<semaphore_mem>>) src(%arg18 : memref<128x128xbf16, #tpu.memory_space<vmem>>) dst(%dma_wait3A_621 : memref<10112x128xbf16, #tpu.memory_space<vmem_shared>>)
      %dma_wait3A_622 = arith.constant 0 : i32
      %dma_wait3A_623 = arith.constant 0 : i32
      %dma_wait3A_624 = tpu.memref_slice %arg13[%dma_wait3A_622, %dma_wait3A_623] : memref<80x128xi32, #tpu.memory_space<vmem>> -> memref<1x128xi32, #tpu.memory_space<vmem>>
      %dma_wait3A_625 = tpu.memref_squeeze %dma_wait3A_624 : memref<1x128xi32, #tpu.memory_space<vmem>> -> memref<128xi32, #tpu.memory_space<vmem>>
      %dma_wait3A_626 = arith.constant 0 : i32
      %dma_wait3A_627 = arith.constant 0 : i32
      %dma_wait3A_628 = tpu.memref_slice %arg10[%dma_wait3A_626, %dma_wait3A_627] : memref<10112x128xbf16, #tpu.memory_space<vmem_shared>> -> memref<10112x128xbf16, #tpu.memory_space<vmem_shared>>
      tpu.wait_indirect_dma semaphore(%arg26 : memref<!tpu.dma_semaphore, #tpu.memory_space<semaphore_mem>>) src(%arg19 : memref<128x128xbf16, #tpu.memory_space<vmem>>) dst(%dma_wait3A_628 : memref<10112x128xbf16, #tpu.memory_space<vmem_shared>>)
      %add3A_629 = arith.constant 2 : i32
      %add3A_630 = arith.addi %mul3A_360, %add3A_629 : i32
      %rem3A_631 = arith.constant 20 : i32
      %rem3A_632 = arith.remsi %add3A_630, %rem3A_631 : i32
      %mul3A_633 = arith.constant 4 : i32
      %mul3A_634 = arith.muli %rem3A_632, %mul3A_633 : i32
      %add3A_635 = arith.constant 0 : i32
      %add3A_636 = arith.addi %mul3A_634, %add3A_635 : i32
      %dma_start3A_637 = arith.constant 0 : i32
      %dma_start3A_638 = tpu.memref_slice %arg12[%add3A_636, %dma_start3A_637] : memref<80x128xi32, #tpu.memory_space<vmem>> -> memref<1x128xi32, #tpu.memory_space<vmem>>
      %dma_start3A_639 = tpu.memref_squeeze %dma_start3A_638 : memref<1x128xi32, #tpu.memory_space<vmem>> -> memref<128xi32, #tpu.memory_space<vmem>>
      %dma_start3A_640 = arith.constant 0 : i32
      %dma_start3A_641 = arith.constant 0 : i32
      %dma_start3A_642 = tpu.memref_slice %arg2[%dma_start3A_640, %dma_start3A_641] : memref<10000x128xbf16, #tpu.memory_space<hbm>> -> memref<10000x128xbf16, #tpu.memory_space<hbm>>
      tpu.enqueue_indirect_dma source(%dma_start3A_642 : memref<10000x128xbf16, #tpu.memory_space<hbm>>) target(%arg16 : memref<128x128xbf16, #tpu.memory_space<vmem>>) offsets(%dma_start3A_639 : memref<128xi32, #tpu.memory_space<vmem>>) semaphore(%arg24 : memref<!tpu.dma_semaphore, #tpu.memory_space<semaphore_mem>>)
      %add3A_643 = arith.constant 1 : i32
      %add3A_644 = arith.addi %mul3A_634, %add3A_643 : i32
      %dma_start3A_645 = arith.constant 0 : i32
      %dma_start3A_646 = tpu.memref_slice %arg12[%add3A_644, %dma_start3A_645] : memref<80x128xi32, #tpu.memory_space<vmem>> -> memref<1x128xi32, #tpu.memory_space<vmem>>
      %dma_start3A_647 = tpu.memref_squeeze %dma_start3A_646 : memref<1x128xi32, #tpu.memory_space<vmem>> -> memref<128xi32, #tpu.memory_space<vmem>>
      %dma_start3A_648 = arith.constant 0 : i32
      %dma_start3A_649 = arith.constant 0 : i32
      %dma_start3A_650 = tpu.memref_slice %arg2[%dma_start3A_648, %dma_start3A_649] : memref<10000x128xbf16, #tpu.memory_space<hbm>> -> memref<10000x128xbf16, #tpu.memory_space<hbm>>
      tpu.enqueue_indirect_dma source(%dma_start3A_650 : memref<10000x128xbf16, #tpu.memory_space<hbm>>) target(%arg17 : memref<128x128xbf16, #tpu.memory_space<vmem>>) offsets(%dma_start3A_647 : memref<128xi32, #tpu.memory_space<vmem>>) semaphore(%arg24 : memref<!tpu.dma_semaphore, #tpu.memory_space<semaphore_mem>>)
      %add3A_651 = arith.constant 2 : i32
      %add3A_652 = arith.addi %mul3A_634, %add3A_651 : i32
      %dma_start3A_653 = arith.constant 0 : i32
      %dma_start3A_654 = tpu.memref_slice %arg12[%add3A_652, %dma_start3A_653] : memref<80x128xi32, #tpu.memory_space<vmem>> -> memref<1x128xi32, #tpu.memory_space<vmem>>
      %dma_start3A_655 = tpu.memref_squeeze %dma_start3A_654 : memref<1x128xi32, #tpu.memory_space<vmem>> -> memref<128xi32, #tpu.memory_space<vmem>>
      %dma_start3A_656 = arith.constant 0 : i32
      %dma_start3A_657 = arith.constant 0 : i32
      %dma_start3A_658 = tpu.memref_slice %arg2[%dma_start3A_656, %dma_start3A_657] : memref<10000x128xbf16, #tpu.memory_space<hbm>> -> memref<10000x128xbf16, #tpu.memory_space<hbm>>
      tpu.enqueue_indirect_dma source(%dma_start3A_658 : memref<10000x128xbf16, #tpu.memory_space<hbm>>) target(%arg18 : memref<128x128xbf16, #tpu.memory_space<vmem>>) offsets(%dma_start3A_655 : memref<128xi32, #tpu.memory_space<vmem>>) semaphore(%arg24 : memref<!tpu.dma_semaphore, #tpu.memory_space<semaphore_mem>>)
      %add3A_659 = arith.constant 3 : i32
      %add3A_660 = arith.addi %mul3A_634, %add3A_659 : i32
      %dma_start3A_661 = arith.constant 0 : i32
      %dma_start3A_662 = tpu.memref_slice %arg12[%add3A_660, %dma_start3A_661] : memref<80x128xi32, #tpu.memory_space<vmem>> -> memref<1x128xi32, #tpu.memory_space<vmem>>
      %dma_start3A_663 = tpu.memref_squeeze %dma_start3A_662 : memref<1x128xi32, #tpu.memory_space<vmem>> -> memref<128xi32, #tpu.memory_space<vmem>>
      %dma_start3A_664 = arith.constant 0 : i32
      %dma_start3A_665 = arith.constant 0 : i32
      %dma_start3A_666 = tpu.memref_slice %arg2[%dma_start3A_664, %dma_start3A_665] : memref<10000x128xbf16, #tpu.memory_space<hbm>> -> memref<10000x128xbf16, #tpu.memory_space<hbm>>
      tpu.enqueue_indirect_dma source(%dma_start3A_666 : memref<10000x128xbf16, #tpu.memory_space<hbm>>) target(%arg19 : memref<128x128xbf16, #tpu.memory_space<vmem>>) offsets(%dma_start3A_663 : memref<128xi32, #tpu.memory_space<vmem>>) semaphore(%arg24 : memref<!tpu.dma_semaphore, #tpu.memory_space<semaphore_mem>>)
    }
    %scan3A_295 = arith.constant 9 : i32
    %dma_wait3A_296 = arith.constant 0 : i32
    %dma_wait3A_297 = arith.constant 0 : i32
    %dma_wait3A_298 = tpu.memref_slice %arg2[%dma_wait3A_296, %dma_wait3A_297] : memref<10000x128xbf16, #tpu.memory_space<hbm>> -> memref<128x128xbf16, #tpu.memory_space<hbm>>
    %dma_wait3A_299 = arith.constant 0 : i32
    %dma_wait3A_300 = arith.constant 0 : i32
    %dma_wait3A_301 = tpu.memref_slice %arg2[%dma_wait3A_299, %dma_wait3A_300] : memref<10000x128xbf16, #tpu.memory_space<hbm>> -> memref<128x128xbf16, #tpu.memory_space<hbm>>
    tpu.wait_dma2 semaphore(%arg24 : memref<!tpu.dma_semaphore, #tpu.memory_space<semaphore_mem>>) src(%dma_wait3A_301 : memref<128x128xbf16, #tpu.memory_space<hbm>>) dst(%arg16 : memref<128x128xbf16, #tpu.memory_space<vmem>>)
    %dma_wait3A_302 = arith.constant 0 : i32
    %dma_wait3A_303 = arith.constant 0 : i32
    %dma_wait3A_304 = tpu.memref_slice %arg2[%dma_wait3A_302, %dma_wait3A_303] : memref<10000x128xbf16, #tpu.memory_space<hbm>> -> memref<128x128xbf16, #tpu.memory_space<hbm>>
    %dma_wait3A_305 = arith.constant 0 : i32
    %dma_wait3A_306 = arith.constant 0 : i32
    %dma_wait3A_307 = tpu.memref_slice %arg2[%dma_wait3A_305, %dma_wait3A_306] : memref<10000x128xbf16, #tpu.memory_space<hbm>> -> memref<128x128xbf16, #tpu.memory_space<hbm>>
    tpu.wait_dma2 semaphore(%arg24 : memref<!tpu.dma_semaphore, #tpu.memory_space<semaphore_mem>>) src(%dma_wait3A_307 : memref<128x128xbf16, #tpu.memory_space<hbm>>) dst(%arg17 : memref<128x128xbf16, #tpu.memory_space<vmem>>)
    %dma_wait3A_308 = arith.constant 0 : i32
    %dma_wait3A_309 = arith.constant 0 : i32
    %dma_wait3A_310 = tpu.memref_slice %arg2[%dma_wait3A_308, %dma_wait3A_309] : memref<10000x128xbf16, #tpu.memory_space<hbm>> -> memref<128x128xbf16, #tpu.memory_space<hbm>>
    %dma_wait3A_311 = arith.constant 0 : i32
    %dma_wait3A_312 = arith.constant 0 : i32
    %dma_wait3A_313 = tpu.memref_slice %arg2[%dma_wait3A_311, %dma_wait3A_312] : memref<10000x128xbf16, #tpu.memory_space<hbm>> -> memref<128x128xbf16, #tpu.memory_space<hbm>>
    tpu.wait_dma2 semaphore(%arg24 : memref<!tpu.dma_semaphore, #tpu.memory_space<semaphore_mem>>) src(%dma_wait3A_313 : memref<128x128xbf16, #tpu.memory_space<hbm>>) dst(%arg18 : memref<128x128xbf16, #tpu.memory_space<vmem>>)
    %dma_wait3A_314 = arith.constant 0 : i32
    %dma_wait3A_315 = arith.constant 0 : i32
    %dma_wait3A_316 = tpu.memref_slice %arg2[%dma_wait3A_314, %dma_wait3A_315] : memref<10000x128xbf16, #tpu.memory_space<hbm>> -> memref<128x128xbf16, #tpu.memory_space<hbm>>
    %dma_wait3A_317 = arith.constant 0 : i32
    %dma_wait3A_318 = arith.constant 0 : i32
    %dma_wait3A_319 = tpu.memref_slice %arg2[%dma_wait3A_317, %dma_wait3A_318] : memref<10000x128xbf16, #tpu.memory_space<hbm>> -> memref<128x128xbf16, #tpu.memory_space<hbm>>
    tpu.wait_dma2 semaphore(%arg24 : memref<!tpu.dma_semaphore, #tpu.memory_space<semaphore_mem>>) src(%dma_wait3A_319 : memref<128x128xbf16, #tpu.memory_space<hbm>>) dst(%arg19 : memref<128x128xbf16, #tpu.memory_space<vmem>>)
    %dma_wait3A_320 = arith.constant 0 : i32
    %dma_wait3A_321 = arith.constant 0 : i32
    %dma_wait3A_322 = tpu.memref_slice %arg13[%dma_wait3A_320, %dma_wait3A_321] : memref<80x128xi32, #tpu.memory_space<vmem>> -> memref<1x128xi32, #tpu.memory_space<vmem>>
    %dma_wait3A_323 = tpu.memref_squeeze %dma_wait3A_322 : memref<1x128xi32, #tpu.memory_space<vmem>> -> memref<128xi32, #tpu.memory_space<vmem>>
    %dma_wait3A_324 = arith.constant 0 : i32
    %dma_wait3A_325 = arith.constant 0 : i32
    %dma_wait3A_326 = tpu.memref_slice %arg10[%dma_wait3A_324, %dma_wait3A_325] : memref<10112x128xbf16, #tpu.memory_space<vmem_shared>> -> memref<10112x128xbf16, #tpu.memory_space<vmem_shared>>
    tpu.wait_indirect_dma semaphore(%arg27 : memref<!tpu.dma_semaphore, #tpu.memory_space<semaphore_mem>>) src(%arg20 : memref<128x128xbf16, #tpu.memory_space<vmem>>) dst(%dma_wait3A_326 : memref<10112x128xbf16, #tpu.memory_space<vmem_shared>>)
    %dma_wait3A_327 = arith.constant 0 : i32
    %dma_wait3A_328 = arith.constant 0 : i32
    %dma_wait3A_329 = tpu.memref_slice %arg13[%dma_wait3A_327, %dma_wait3A_328] : memref<80x128xi32, #tpu.memory_space<vmem>> -> memref<1x128xi32, #tpu.memory_space<vmem>>
    %dma_wait3A_330 = tpu.memref_squeeze %dma_wait3A_329 : memref<1x128xi32, #tpu.memory_space<vmem>> -> memref<128xi32, #tpu.memory_space<vmem>>
    %dma_wait3A_331 = arith.constant 0 : i32
    %dma_wait3A_332 = arith.constant 0 : i32
    %dma_wait3A_333 = tpu.memref_slice %arg10[%dma_wait3A_331, %dma_wait3A_332] : memref<10112x128xbf16, #tpu.memory_space<vmem_shared>> -> memref<10112x128xbf16, #tpu.memory_space<vmem_shared>>
    tpu.wait_indirect_dma semaphore(%arg27 : memref<!tpu.dma_semaphore, #tpu.memory_space<semaphore_mem>>) src(%arg21 : memref<128x128xbf16, #tpu.memory_space<vmem>>) dst(%dma_wait3A_333 : memref<10112x128xbf16, #tpu.memory_space<vmem_shared>>)
    %dma_wait3A_334 = arith.constant 0 : i32
    %dma_wait3A_335 = arith.constant 0 : i32
    %dma_wait3A_336 = tpu.memref_slice %arg13[%dma_wait3A_334, %dma_wait3A_335] : memref<80x128xi32, #tpu.memory_space<vmem>> -> memref<1x128xi32, #tpu.memory_space<vmem>>
    %dma_wait3A_337 = tpu.memref_squeeze %dma_wait3A_336 : memref<1x128xi32, #tpu.memory_space<vmem>> -> memref<128xi32, #tpu.memory_space<vmem>>
    %dma_wait3A_338 = arith.constant 0 : i32
    %dma_wait3A_339 = arith.constant 0 : i32
    %dma_wait3A_340 = tpu.memref_slice %arg10[%dma_wait3A_338, %dma_wait3A_339] : memref<10112x128xbf16, #tpu.memory_space<vmem_shared>> -> memref<10112x128xbf16, #tpu.memory_space<vmem_shared>>
    tpu.wait_indirect_dma semaphore(%arg27 : memref<!tpu.dma_semaphore, #tpu.memory_space<semaphore_mem>>) src(%arg22 : memref<128x128xbf16, #tpu.memory_space<vmem>>) dst(%dma_wait3A_340 : memref<10112x128xbf16, #tpu.memory_space<vmem_shared>>)
    %dma_wait3A_341 = arith.constant 0 : i32
    %dma_wait3A_342 = arith.constant 0 : i32
    %dma_wait3A_343 = tpu.memref_slice %arg13[%dma_wait3A_341, %dma_wait3A_342] : memref<80x128xi32, #tpu.memory_space<vmem>> -> memref<1x128xi32, #tpu.memory_space<vmem>>
    %dma_wait3A_344 = tpu.memref_squeeze %dma_wait3A_343 : memref<1x128xi32, #tpu.memory_space<vmem>> -> memref<128xi32, #tpu.memory_space<vmem>>
    %dma_wait3A_345 = arith.constant 0 : i32
    %dma_wait3A_346 = arith.constant 0 : i32
    %dma_wait3A_347 = tpu.memref_slice %arg10[%dma_wait3A_345, %dma_wait3A_346] : memref<10112x128xbf16, #tpu.memory_space<vmem_shared>> -> memref<10112x128xbf16, #tpu.memory_space<vmem_shared>>
    tpu.wait_indirect_dma semaphore(%arg27 : memref<!tpu.dma_semaphore, #tpu.memory_space<semaphore_mem>>) src(%arg23 : memref<128x128xbf16, #tpu.memory_space<vmem>>) dst(%dma_wait3A_347 : memref<10112x128xbf16, #tpu.memory_space<vmem_shared>>)
    %scan3A_348 = arith.constant 0 : i32
    %scan3A_349 = arith.constant 0 : i32
    %scan3A_350 = arith.constant 80 : i32
    %scan3A_351 = arith.addi %scan3A_349, %scan3A_350 : i32
    %scan3A_352 = arith.constant 1 : i32
    scf.for %scan3A_358 = %scan3A_349 to %scan3A_351 step %scan3A_352  : i32 {
      %dma_wait3A_359 = arith.constant 0 : i32
      %dma_wait3A_360 = arith.constant 0 : i32
      %dma_wait3A_361 = tpu.memref_slice %arg13[%dma_wait3A_359, %dma_wait3A_360] : memref<80x128xi32, #tpu.memory_space<vmem>> -> memref<1x128xi32, #tpu.memory_space<vmem>>
      %dma_wait3A_362 = tpu.memref_squeeze %dma_wait3A_361 : memref<1x128xi32, #tpu.memory_space<vmem>> -> memref<128xi32, #tpu.memory_space<vmem>>
      %dma_wait3A_363 = arith.constant 0 : i32
      %dma_wait3A_364 = tpu.memref_slice %arg11[%dma_wait3A_363] : memref<10112xf32, #tpu.memory_space<vmem_shared>> -> memref<10112xf32, #tpu.memory_space<vmem_shared>>
      tpu.wait_indirect_dma semaphore(%arg28 : memref<!tpu.dma_semaphore, #tpu.memory_space<semaphore_mem>>) src(%arg14 : memref<128xf32, #tpu.memory_space<vmem>>) dst(%dma_wait3A_364 : memref<10112xf32, #tpu.memory_space<vmem_shared>>)
    }
    %scan3A_353 = arith.constant 80 : i32
    %barrier3A_354 = arith.constant 0 : index
    tpu.barrier barrier_id(%barrier3A_354)
    "tpu.region"() ({
      %run_scoped3A = tpu.sem_alloc : memref<!tpu.dma_semaphore, #tpu.memory_space<semaphore_mem>>
      %dma_start3A_358 = arith.constant 0 : i32
      %dma_start3A_359 = tpu.memref_slice %arg8[%arg0, %mul3A_2, %dma_start3A_358] : memref<2x10112x128xbf16, #tpu.memory_space<hbm>> -> memref<1x632x128xbf16, #tpu.memory_space<hbm>>
      %dma_start3A_360 = tpu.memref_squeeze %dma_start3A_359 : memref<1x632x128xbf16, #tpu.memory_space<hbm>> -> memref<632x128xbf16, #tpu.memory_space<hbm>>
      %dma_start3A_361 = arith.constant 0 : i32
      %dma_start3A_362 = tpu.memref_slice %arg10[%mul3A_2, %dma_start3A_361] : memref<10112x128xbf16, #tpu.memory_space<vmem_shared>> -> memref<632x128xbf16, #tpu.memory_space<vmem_shared>>
      tpu.enqueue_dma source(%dma_start3A_362 : memref<632x128xbf16, #tpu.memory_space<vmem_shared>>) target(%dma_start3A_360 : memref<632x128xbf16, #tpu.memory_space<hbm>>) target_semaphore(%run_scoped3A : memref<!tpu.dma_semaphore, #tpu.memory_space<semaphore_mem>>)
      %dma_wait3A_363 = arith.constant 0 : i32
      %dma_wait3A_364 = tpu.memref_slice %arg8[%arg0, %mul3A_2, %dma_wait3A_363] : memref<2x10112x128xbf16, #tpu.memory_space<hbm>> -> memref<1x632x128xbf16, #tpu.memory_space<hbm>>
      %dma_wait3A_365 = tpu.memref_squeeze %dma_wait3A_364 : memref<1x632x128xbf16, #tpu.memory_space<hbm>> -> memref<632x128xbf16, #tpu.memory_space<hbm>>
      %dma_wait3A_366 = arith.constant 0 : i32
      %dma_wait3A_367 = tpu.memref_slice %arg10[%mul3A_2, %dma_wait3A_366] : memref<10112x128xbf16, #tpu.memory_space<vmem_shared>> -> memref<632x128xbf16, #tpu.memory_space<vmem_shared>>
      tpu.wait_dma2 semaphore(%run_scoped3A : memref<!tpu.dma_semaphore, #tpu.memory_space<semaphore_mem>>) src(%dma_wait3A_367 : memref<632x128xbf16, #tpu.memory_space<vmem_shared>>) dst(%dma_wait3A_365 : memref<632x128xbf16, #tpu.memory_space<hbm>>)
      tpu.yield
    }) : () -> ()
    "tpu.region"() ({
      %run_scoped3A = tpu.sem_alloc : memref<!tpu.dma_semaphore, #tpu.memory_space<semaphore_mem>>
      %dma_start3A_358 = tpu.memref_slice %arg11[%mul3A_2] : memref<10112xf32, #tpu.memory_space<vmem_shared>> -> memref<632xf32, #tpu.memory_space<vmem_shared>>
      %dma_start3A_359 = tpu.memref_slice %arg11[%mul3A_2] : memref<10112xf32, #tpu.memory_space<vmem_shared>> -> memref<632xf32, #tpu.memory_space<vmem_shared>>
      tpu.enqueue_dma source(%dma_start3A_359 : memref<632xf32, #tpu.memory_space<vmem_shared>>) target(%arg15 : memref<632xf32, #tpu.memory_space<vmem>>) target_semaphore(%run_scoped3A : memref<!tpu.dma_semaphore, #tpu.memory_space<semaphore_mem>>)
      %dma_wait3A_360 = tpu.memref_slice %arg11[%mul3A_2] : memref<10112xf32, #tpu.memory_space<vmem_shared>> -> memref<632xf32, #tpu.memory_space<vmem_shared>>
      %dma_wait3A_361 = tpu.memref_slice %arg11[%mul3A_2] : memref<10112xf32, #tpu.memory_space<vmem_shared>> -> memref<632xf32, #tpu.memory_space<vmem_shared>>
      tpu.wait_dma2 semaphore(%run_scoped3A : memref<!tpu.dma_semaphore, #tpu.memory_space<semaphore_mem>>) src(%dma_wait3A_361 : memref<632xf32, #tpu.memory_space<vmem_shared>>) dst(%arg15 : memref<632xf32, #tpu.memory_space<vmem>>)
      tpu.yield
    }) : () -> ()
    %mul3A_355 = arith.constant 10112 : i32
    %mul3A_356 = arith.muli %arg0, %mul3A_355 : i32
    %add3A_357 = arith.addi %mul3A_356, %mul3A_2 : i32
    "tpu.region"() ({
      %run_scoped3A = tpu.sem_alloc : memref<!tpu.dma_semaphore, #tpu.memory_space<semaphore_mem>>
      %dma_start3A_358 = tpu.memref_slice %arg9[%add3A_357] : memref<20224xf32, #tpu.memory_space<hbm>> -> memref<632xf32, #tpu.memory_space<hbm>>
      %dma_start3A_359 = tpu.memref_slice %arg9[%add3A_357] : memref<20224xf32, #tpu.memory_space<hbm>> -> memref<632xf32, #tpu.memory_space<hbm>>
      tpu.enqueue_dma source(%arg15 : memref<632xf32, #tpu.memory_space<vmem>>) target(%dma_start3A_359 : memref<632xf32, #tpu.memory_space<hbm>>) target_semaphore(%run_scoped3A : memref<!tpu.dma_semaphore, #tpu.memory_space<semaphore_mem>>)
      %dma_wait3A_360 = tpu.memref_slice %arg9[%add3A_357] : memref<20224xf32, #tpu.memory_space<hbm>> -> memref<632xf32, #tpu.memory_space<hbm>>
      %dma_wait3A_361 = tpu.memref_slice %arg9[%add3A_357] : memref<20224xf32, #tpu.memory_space<hbm>> -> memref<632xf32, #tpu.memory_space<hbm>>
      tpu.wait_dma2 semaphore(%run_scoped3A : memref<!tpu.dma_semaphore, #tpu.memory_space<semaphore_mem>>) src(%arg15 : memref<632xf32, #tpu.memory_space<vmem>>) dst(%dma_wait3A_361 : memref<632xf32, #tpu.memory_space<hbm>>)
      tpu.yield
    }) : () -> ()
    return
  }
}

module attributes {stable_mosaic.version = 14 : i64} {
  func.func @_dense1_body(%arg0: i32, %arg1: memref<1000x128xbf16, #tpu.memory_space<vmem>>, %arg2: memref<1000x128xbf16, #tpu.memory_space<vmem>>, %arg3: memref<1000x1xf32, #tpu.memory_space<vmem>>, %arg4: memref<1000x1xf32, #tpu.memory_space<vmem>>, %arg5: memref<1000x128xf32, #tpu.memory_space<vmem>>, %arg6: memref<128x128xf32, #tpu.memory_space<vmem>>, %arg7: memref<128x128xf32, #tpu.memory_space<vmem>>, %arg8: memref<1x128xf32, #tpu.memory_space<vmem>>, %arg9: memref<1000x128xf32, #tpu.memory_space<vmem>>) attributes {dimension_semantics = [#tpu.dimension_semantics<arbitrary>], iteration_bounds = array<i64: 10>, scalar_prefetch = 0 : i64, scratch_operands = 0 : i64, tpu.core_type = #tpu.core_type<tc>, window_params = [{transform_indices = @transform_0, window_bounds = array<i64: 1000, 128>}, {transform_indices = @transform_1, window_bounds = array<i64: 1000, 128>}, {transform_indices = @transform_2, window_bounds = array<i64: 1000, 1>}, {transform_indices = @transform_3, window_bounds = array<i64: 1000, 1>}, {transform_indices = @transform_4, window_bounds = array<i64: 1000, 128>}, {pipeline_mode = #tpu.pipeline_mode<synchronous>, transform_indices = @transform_5, window_bounds = array<i64: 128, 128>}, {pipeline_mode = #tpu.pipeline_mode<synchronous>, transform_indices = @transform_6, window_bounds = array<i64: 128, 128>}, {pipeline_mode = #tpu.pipeline_mode<synchronous>, transform_indices = @transform_7, window_bounds = array<i64: 1, 128>}, {transform_indices = @transform_8, window_bounds = array<i64: 1000, 128>}]} {
    %get3A = arith.constant 0 : index
    %get3A_0 = arith.constant 0 : index
    %get3A_1 = vector.load %arg3[%get3A, %get3A_0] : memref<1000x1xf32, #tpu.memory_space<vmem>>, vector<1000x1xf32>
    %get3A_2 = arith.constant 0 : index
    %get3A_3 = arith.constant 0 : index
    %get3A_4 = vector.load %arg4[%get3A_2, %get3A_3] : memref<1000x1xf32, #tpu.memory_space<vmem>>, vector<1000x1xf32>
    %add3A = arith.addf %get3A_1, %get3A_4 : vector<1000x1xf32>
    %max3A = arith.constant 1.000000e+00 : f32
    %max3A_5 = vector.broadcast %max3A : f32 to vector<1000x1xf32>
    %max3A_6 = arith.maximumf %add3A, %max3A_5 : vector<1000x1xf32>
    %get3A_7 = arith.constant 0 : index
    %get3A_8 = arith.constant 0 : index
    %get3A_9 = vector.load %arg1[%get3A_7, %get3A_8] : memref<1000x128xbf16, #tpu.memory_space<vmem>>, vector<1000x128xbf16>
    %convert_element_type3A = arith.extf %get3A_9 : vector<1000x128xbf16> to vector<1000x128xf32>
    %get3A_10 = arith.constant 0 : index
    %get3A_11 = arith.constant 0 : index
    %get3A_12 = vector.load %arg2[%get3A_10, %get3A_11] : memref<1000x128xbf16, #tpu.memory_space<vmem>>, vector<1000x128xbf16>
    %convert_element_type3A_13 = arith.extf %get3A_12 : vector<1000x128xbf16> to vector<1000x128xf32>
    %add3A_14 = arith.addf %convert_element_type3A, %convert_element_type3A_13 : vector<1000x128xf32>
    %div3A = vector.broadcast %max3A_6 : vector<1000x1xf32> to vector<1000x128xf32>
    %div3A_15 = arith.divf %add3A_14, %div3A : vector<1000x128xf32>
    %get3A_16 = arith.constant 0 : index
    %get3A_17 = arith.constant 0 : index
    %get3A_18 = vector.load %arg6[%get3A_16, %get3A_17] : memref<128x128xf32, #tpu.memory_space<vmem>>, vector<128x128xf32>
    %dot_general3A = arith.constant dense<0.000000e+00> : vector<1000x128xf32>
    %dot_general3A_19 = tpu.matmul %div3A_15, %get3A_18, %dot_general3A {dimension_numbers = #tpu.dot_dimension_numbers<[1], [0], [0], [1], [0, 0, 1, 1], [], []>, transpose_lhs_hint = false} : vector<1000x128xf32>, vector<128x128xf32>, vector<1000x128xf32> -> vector<1000x128xf32>
    %get3A_20 = arith.constant 0 : index
    %get3A_21 = arith.constant 0 : index
    %get3A_22 = vector.load %arg5[%get3A_20, %get3A_21] : memref<1000x128xf32, #tpu.memory_space<vmem>>, vector<1000x128xf32>
    %get3A_23 = arith.constant 0 : index
    %get3A_24 = arith.constant 0 : index
    %get3A_25 = vector.load %arg7[%get3A_23, %get3A_24] : memref<128x128xf32, #tpu.memory_space<vmem>>, vector<128x128xf32>
    %dot_general3A_26 = arith.constant dense<0.000000e+00> : vector<1000x128xf32>
    %dot_general3A_27 = tpu.matmul %get3A_22, %get3A_25, %dot_general3A_26 {dimension_numbers = #tpu.dot_dimension_numbers<[1], [0], [0], [1], [0, 0, 1, 1], [], []>, transpose_lhs_hint = false} : vector<1000x128xf32>, vector<128x128xf32>, vector<1000x128xf32> -> vector<1000x128xf32>
    %add3A_28 = arith.addf %dot_general3A_19, %dot_general3A_27 : vector<1000x128xf32>
    %get3A_29 = arith.constant 0 : index
    %get3A_30 = arith.constant 0 : index
    %get3A_31 = vector.load %arg8[%get3A_29, %get3A_30] : memref<1x128xf32, #tpu.memory_space<vmem>>, vector<1x128xf32>
    %add3A_32 = vector.broadcast %get3A_31 : vector<1x128xf32> to vector<1000x128xf32>
    %add3A_33 = arith.addf %add3A_28, %add3A_32 : vector<1000x128xf32>
    %max3A_34 = arith.constant 0.000000e+00 : f32
    %max3A_35 = vector.broadcast %max3A_34 : f32 to vector<1000x128xf32>
    %max3A_36 = arith.maximumf %add3A_33, %max3A_35 : vector<1000x128xf32>
    %swap3A = arith.constant 0 : index
    %swap3A_37 = arith.constant 0 : index
    %swap3A_38 = vector.load %arg9[%swap3A, %swap3A_37] : memref<1000x128xf32, #tpu.memory_space<vmem>>, vector<1000x128xf32>
    tpu.vector_store %arg9[%swap3A, %swap3A_37], %max3A_36 {strides = array<i32>} : memref<1000x128xf32, #tpu.memory_space<vmem>>, vector<1000x128xf32>,
    return
  }
  func.func @transform_0(%arg0: i32) -> (i32, i32) {
    %c0_i32 = arith.constant 0 : i32
    %c0_i32_0 = arith.constant 0 : i32
    return %arg0, %c0_i32 : i32, i32
  }
  func.func @transform_1(%arg0: i32) -> (i32, i32) {
    %c0_i32 = arith.constant 0 : i32
    %c0_i32_0 = arith.constant 0 : i32
    return %arg0, %c0_i32 : i32, i32
  }
  func.func @transform_2(%arg0: i32) -> (i32, i32) {
    %c0_i32 = arith.constant 0 : i32
    %c0_i32_0 = arith.constant 0 : i32
    return %arg0, %c0_i32 : i32, i32
  }
  func.func @transform_3(%arg0: i32) -> (i32, i32) {
    %c0_i32 = arith.constant 0 : i32
    %c0_i32_0 = arith.constant 0 : i32
    return %arg0, %c0_i32 : i32, i32
  }
  func.func @transform_4(%arg0: i32) -> (i32, i32) {
    %c0_i32 = arith.constant 0 : i32
    %c0_i32_0 = arith.constant 0 : i32
    return %arg0, %c0_i32 : i32, i32
  }
  func.func @transform_5(%arg0: i32) -> (i32, i32) {
    %c0_i32 = arith.constant 0 : i32
    %c0_i32_0 = arith.constant 0 : i32
    %c0_i32_1 = arith.constant 0 : i32
    return %c0_i32, %c0_i32_0 : i32, i32
  }
  func.func @transform_6(%arg0: i32) -> (i32, i32) {
    %c0_i32 = arith.constant 0 : i32
    %c0_i32_0 = arith.constant 0 : i32
    %c0_i32_1 = arith.constant 0 : i32
    return %c0_i32, %c0_i32_0 : i32, i32
  }
  func.func @transform_7(%arg0: i32) -> (i32, i32) {
    %c0_i32 = arith.constant 0 : i32
    %c0_i32_0 = arith.constant 0 : i32
    %c0_i32_1 = arith.constant 0 : i32
    return %c0_i32, %c0_i32_0 : i32, i32
  }
  func.func @transform_8(%arg0: i32) -> (i32, i32) {
    %c0_i32 = arith.constant 0 : i32
    %c0_i32_0 = arith.constant 0 : i32
    return %arg0, %c0_i32 : i32, i32
  }
}

module attributes {stable_mosaic.version = 14 : i64} {
  func.func @_dense2_body(%arg0: i32, %arg1: memref<1000x128xbf16, #tpu.memory_space<vmem>>, %arg2: memref<1000x128xbf16, #tpu.memory_space<vmem>>, %arg3: memref<1000x1xf32, #tpu.memory_space<vmem>>, %arg4: memref<1000x1xf32, #tpu.memory_space<vmem>>, %arg5: memref<1000x128xf32, #tpu.memory_space<vmem>>, %arg6: memref<128x128xf32, #tpu.memory_space<vmem>>, %arg7: memref<128x128xf32, #tpu.memory_space<vmem>>, %arg8: memref<1x128xf32, #tpu.memory_space<vmem>>, %arg9: memref<128x13xf32, #tpu.memory_space<vmem>>, %arg10: memref<1x13xf32, #tpu.memory_space<vmem>>, %arg11: memref<1000x13xf32, #tpu.memory_space<vmem>>) attributes {dimension_semantics = [#tpu.dimension_semantics<arbitrary>], iteration_bounds = array<i64: 10>, scalar_prefetch = 0 : i64, scratch_operands = 0 : i64, tpu.core_type = #tpu.core_type<tc>, window_params = [{transform_indices = @transform_0, window_bounds = array<i64: 1000, 128>}, {transform_indices = @transform_1, window_bounds = array<i64: 1000, 128>}, {transform_indices = @transform_2, window_bounds = array<i64: 1000, 1>}, {transform_indices = @transform_3, window_bounds = array<i64: 1000, 1>}, {transform_indices = @transform_4, window_bounds = array<i64: 1000, 128>}, {pipeline_mode = #tpu.pipeline_mode<synchronous>, transform_indices = @transform_5, window_bounds = array<i64: 128, 128>}, {pipeline_mode = #tpu.pipeline_mode<synchronous>, transform_indices = @transform_6, window_bounds = array<i64: 128, 128>}, {pipeline_mode = #tpu.pipeline_mode<synchronous>, transform_indices = @transform_7, window_bounds = array<i64: 1, 128>}, {pipeline_mode = #tpu.pipeline_mode<synchronous>, transform_indices = @transform_8, window_bounds = array<i64: 128, 13>}, {pipeline_mode = #tpu.pipeline_mode<synchronous>, transform_indices = @transform_9, window_bounds = array<i64: 1, 13>}, {transform_indices = @transform_10, window_bounds = array<i64: 1000, 13>}]} {
    %get3A = arith.constant 0 : index
    %get3A_0 = arith.constant 0 : index
    %get3A_1 = vector.load %arg3[%get3A, %get3A_0] : memref<1000x1xf32, #tpu.memory_space<vmem>>, vector<1000x1xf32>
    %get3A_2 = arith.constant 0 : index
    %get3A_3 = arith.constant 0 : index
    %get3A_4 = vector.load %arg4[%get3A_2, %get3A_3] : memref<1000x1xf32, #tpu.memory_space<vmem>>, vector<1000x1xf32>
    %add3A = arith.addf %get3A_1, %get3A_4 : vector<1000x1xf32>
    %max3A = arith.constant 1.000000e+00 : f32
    %max3A_5 = vector.broadcast %max3A : f32 to vector<1000x1xf32>
    %max3A_6 = arith.maximumf %add3A, %max3A_5 : vector<1000x1xf32>
    %get3A_7 = arith.constant 0 : index
    %get3A_8 = arith.constant 0 : index
    %get3A_9 = vector.load %arg1[%get3A_7, %get3A_8] : memref<1000x128xbf16, #tpu.memory_space<vmem>>, vector<1000x128xbf16>
    %convert_element_type3A = arith.extf %get3A_9 : vector<1000x128xbf16> to vector<1000x128xf32>
    %get3A_10 = arith.constant 0 : index
    %get3A_11 = arith.constant 0 : index
    %get3A_12 = vector.load %arg2[%get3A_10, %get3A_11] : memref<1000x128xbf16, #tpu.memory_space<vmem>>, vector<1000x128xbf16>
    %convert_element_type3A_13 = arith.extf %get3A_12 : vector<1000x128xbf16> to vector<1000x128xf32>
    %add3A_14 = arith.addf %convert_element_type3A, %convert_element_type3A_13 : vector<1000x128xf32>
    %div3A = vector.broadcast %max3A_6 : vector<1000x1xf32> to vector<1000x128xf32>
    %div3A_15 = arith.divf %add3A_14, %div3A : vector<1000x128xf32>
    %get3A_16 = arith.constant 0 : index
    %get3A_17 = arith.constant 0 : index
    %get3A_18 = vector.load %arg6[%get3A_16, %get3A_17] : memref<128x128xf32, #tpu.memory_space<vmem>>, vector<128x128xf32>
    %dot_general3A = arith.constant dense<0.000000e+00> : vector<1000x128xf32>
    %dot_general3A_19 = tpu.matmul %div3A_15, %get3A_18, %dot_general3A {dimension_numbers = #tpu.dot_dimension_numbers<[1], [0], [0], [1], [0, 0, 1, 1], [], []>, transpose_lhs_hint = false} : vector<1000x128xf32>, vector<128x128xf32>, vector<1000x128xf32> -> vector<1000x128xf32>
    %get3A_20 = arith.constant 0 : index
    %get3A_21 = arith.constant 0 : index
    %get3A_22 = vector.load %arg5[%get3A_20, %get3A_21] : memref<1000x128xf32, #tpu.memory_space<vmem>>, vector<1000x128xf32>
    %get3A_23 = arith.constant 0 : index
    %get3A_24 = arith.constant 0 : index
    %get3A_25 = vector.load %arg7[%get3A_23, %get3A_24] : memref<128x128xf32, #tpu.memory_space<vmem>>, vector<128x128xf32>
    %dot_general3A_26 = arith.constant dense<0.000000e+00> : vector<1000x128xf32>
    %dot_general3A_27 = tpu.matmul %get3A_22, %get3A_25, %dot_general3A_26 {dimension_numbers = #tpu.dot_dimension_numbers<[1], [0], [0], [1], [0, 0, 1, 1], [], []>, transpose_lhs_hint = false} : vector<1000x128xf32>, vector<128x128xf32>, vector<1000x128xf32> -> vector<1000x128xf32>
    %add3A_28 = arith.addf %dot_general3A_19, %dot_general3A_27 : vector<1000x128xf32>
    %get3A_29 = arith.constant 0 : index
    %get3A_30 = arith.constant 0 : index
    %get3A_31 = vector.load %arg8[%get3A_29, %get3A_30] : memref<1x128xf32, #tpu.memory_space<vmem>>, vector<1x128xf32>
    %add3A_32 = vector.broadcast %get3A_31 : vector<1x128xf32> to vector<1000x128xf32>
    %add3A_33 = arith.addf %add3A_28, %add3A_32 : vector<1000x128xf32>
    %max3A_34 = arith.constant 0.000000e+00 : f32
    %max3A_35 = vector.broadcast %max3A_34 : f32 to vector<1000x128xf32>
    %max3A_36 = arith.maximumf %add3A_33, %max3A_35 : vector<1000x128xf32>
    %get3A_37 = arith.constant 0 : index
    %get3A_38 = arith.constant 0 : index
    %get3A_39 = vector.load %arg9[%get3A_37, %get3A_38] : memref<128x13xf32, #tpu.memory_space<vmem>>, vector<128x13xf32>
    %dot_general3A_40 = arith.constant dense<0.000000e+00> : vector<1000x13xf32>
    %dot_general3A_41 = tpu.matmul %max3A_36, %get3A_39, %dot_general3A_40 {dimension_numbers = #tpu.dot_dimension_numbers<[1], [0], [0], [1], [0, 0, 1, 1], [], []>, transpose_lhs_hint = false} : vector<1000x128xf32>, vector<128x13xf32>, vector<1000x13xf32> -> vector<1000x13xf32>
    %get3A_42 = arith.constant 0 : index
    %get3A_43 = arith.constant 0 : index
    %get3A_44 = vector.load %arg10[%get3A_42, %get3A_43] : memref<1x13xf32, #tpu.memory_space<vmem>>, vector<1x13xf32>
    %add3A_45 = vector.broadcast %get3A_44 : vector<1x13xf32> to vector<1000x13xf32>
    %add3A_46 = arith.addf %dot_general3A_41, %add3A_45 : vector<1000x13xf32>
    %swap3A = arith.constant 0 : index
    %swap3A_47 = arith.constant 0 : index
    %swap3A_48 = vector.load %arg11[%swap3A, %swap3A_47] : memref<1000x13xf32, #tpu.memory_space<vmem>>, vector<1000x13xf32>
    tpu.vector_store %arg11[%swap3A, %swap3A_47], %add3A_46 {strides = array<i32>} : memref<1000x13xf32, #tpu.memory_space<vmem>>, vector<1000x13xf32>,
    return
  }
  func.func @transform_0(%arg0: i32) -> (i32, i32) {
    %c0_i32 = arith.constant 0 : i32
    %c0_i32_0 = arith.constant 0 : i32
    return %arg0, %c0_i32 : i32, i32
  }
  func.func @transform_1(%arg0: i32) -> (i32, i32) {
    %c0_i32 = arith.constant 0 : i32
    %c0_i32_0 = arith.constant 0 : i32
    return %arg0, %c0_i32 : i32, i32
  }
  func.func @transform_2(%arg0: i32) -> (i32, i32) {
    %c0_i32 = arith.constant 0 : i32
    %c0_i32_0 = arith.constant 0 : i32
    return %arg0, %c0_i32 : i32, i32
  }
  func.func @transform_3(%arg0: i32) -> (i32, i32) {
    %c0_i32 = arith.constant 0 : i32
    %c0_i32_0 = arith.constant 0 : i32
    return %arg0, %c0_i32 : i32, i32
  }
  func.func @transform_4(%arg0: i32) -> (i32, i32) {
    %c0_i32 = arith.constant 0 : i32
    %c0_i32_0 = arith.constant 0 : i32
    return %arg0, %c0_i32 : i32, i32
  }
  func.func @transform_5(%arg0: i32) -> (i32, i32) {
    %c0_i32 = arith.constant 0 : i32
    %c0_i32_0 = arith.constant 0 : i32
    %c0_i32_1 = arith.constant 0 : i32
    return %c0_i32, %c0_i32_0 : i32, i32
  }
  func.func @transform_6(%arg0: i32) -> (i32, i32) {
    %c0_i32 = arith.constant 0 : i32
    %c0_i32_0 = arith.constant 0 : i32
    %c0_i32_1 = arith.constant 0 : i32
    return %c0_i32, %c0_i32_0 : i32, i32
  }
  func.func @transform_7(%arg0: i32) -> (i32, i32) {
    %c0_i32 = arith.constant 0 : i32
    %c0_i32_0 = arith.constant 0 : i32
    %c0_i32_1 = arith.constant 0 : i32
    return %c0_i32, %c0_i32_0 : i32, i32
  }
  func.func @transform_8(%arg0: i32) -> (i32, i32) {
    %c0_i32 = arith.constant 0 : i32
    %c0_i32_0 = arith.constant 0 : i32
    %c0_i32_1 = arith.constant 0 : i32
    return %c0_i32, %c0_i32_0 : i32, i32
  }
  func.func @transform_9(%arg0: i32) -> (i32, i32) {
    %c0_i32 = arith.constant 0 : i32
    %c0_i32_0 = arith.constant 0 : i32
    %c0_i32_1 = arith.constant 0 : i32
    return %c0_i32, %c0_i32_0 : i32, i32
  }
  func.func @transform_10(%arg0: i32) -> (i32, i32) {
    %c0_i32 = arith.constant 0 : i32
    %c0_i32_0 = arith.constant 0 : i32
    return %arg0, %c0_i32 : i32, i32
  }
}

</mosaic_0001>

<sc_bundles>
// kernel: kernel.6.cloned.1.call-start
scs
__scs_entry_jumppad:
0x0: {  	(pc) =	sbr.rel $0x88, $3  }
0x1: {  	(tag) =	ssettag $0x0;
	lr =	simm.s32 $0x1  }
0x2: {  	[smem:$0x3F97] =	sst lr;
	_ =	strace $0xD0000000  }
0x3: {  	_ = 	snop  }
0x4: {  	_ = 	snop  }
0x5: {  	_ = 	snop  }
0x6: {  	_ = 	snop  }
0x7: {  	_ = 	snop  }
__scs_overlays_trampoline_lowered:
0x8: {  	[smem:$0x3FA6] =	sst s0  }
0x9: {  	[smem:$0x3FA7] =	sst s1  }
0xa: {  	[smem:$0x3FA8] =	sst s2  }
0xb: {  	[smem:$0x3FA9] =	sst s3  }
0xc: {  	[smem:$0x3FAA] =	sst s4  }
0xd: {  	[smem:$0x3FAB] =	sst s5  }
0xe: {  	[smem:$0x3FAC] =	sst s6  }
0xf: {  	[smem:$0x3FAD] =	sst s7  }
0x10: {  	[smem:$0x3FAE] =	sst s8  }
0x11: {  	[smem:$0x3FAF] =	sst s9;
	s0 =	simm.s32 @!p0 $0x0  }
0x12: {  	s1 =	sld [smem:$0x3F95];
	s0 =	simm.s32 @p0 $0x1  }
0x13: {  	[smem:$0x3FB0] =	sst s0;
	s0 =	simm.s32 @!p1 $0x0  }
0x14: {  	s2 =	sld [smem:$0x3F94];
	s0 =	simm.s32 @p1 $0x1  }
0x15: {  	[smem:$0x3FB1] =	sst s0;
	s0 =	simm.s32 @!p2 $0x0  }
0x16: {  	s3 =	sld [smem:$0x3FDB];
	s0 =	simm.s32 @p2 $0x1  }
0x17: {  	s4 =	simm.s32 $0x1BF5;
	[smem:$0x3FB3] =	sst s0  }
0x18: {  	s0 =	sld [smem:$0x3F96];
	_ =	swait.ge [sflag:s4], $0x0  }
0x19: {  	s7 =	sld [smem:$0x3F97]  }
0x1a: {  	s8 =	sadd.s32 $0xFFFFE003, lr  }
0x1b: {  	s9 =	sadd.s32 $0xFFFFFEF7, lr;
	s5 =	simm.s32 $0xFFFFFFFF;
	p2 =	slt.u32 s8, $0xFFFFF086  }
0x1c: {  	p1 =	slt.u32 s9, $0xF7A;
	s5 =	simm.s32 @!p2 $0x0  }
0x1d: {  	s5 =	simm.s32 @p1 $0x1;
	p0 =	seq.s32 s7, s2  }
0x1e: {  	s7 =	smul.u32 @!p0 $0xF7A, s2;
	p2 =	seq.s32 @!p0 s5, $0x0  }
0x1f: {  	s9 =	smul.u32 $0xF7A, s1;
	s8 =	simm.s32 @!p0 $0x1BF5;
	p2 =	por !p2, p0  }
0x20: {  	[sflag:s8] =	ssyncset.s32 @!p0 $0xFFFFF086;
	s6 =	sadd.s32 @!p0 s3, s7;
	s7 =	simm.s32 @!p0 $0x108  }
0x21: {  	s3 =	sadd.s32 s3, s9;
	s6 =	sadd.s32 @!p0 $0x88, s6;
	s7 =	simm.s32 @p2 $0x1082  }
0x22: {  	[simem:s7], [sflag:s8] =	dma.local @!p0 [hbm:s6], $0xF7A  }
0x23: {  	s9 =	sor.u32 $0xD0000000, s2;
	s6 =	simm.s32 $0x108;
	_ =	swait.ge @!p0 [sflag:s8], $0x0  }
0x24: {  	s3 =	sadd.s32 $0x88, s3;
	s6 =	simm.s32 @!p1 $0x1082;
	[sflag:s4] =	ssyncset.s32 $0xFFFFF086  }
0x25: {  	[simem:s6], [sflag:s4] =	dma.local [hbm:s3], $0xF7A  }
0x26: {  	[smem:$0x3F97] =	sst s1;
	(tag) =	ssettag s2;
	_ =	strace s9  }
0x27: {  	s1 =	sld [smem:$0x3FA7]  }
0x28: {  	s2 =	sld [smem:$0x3FA8]  }
0x29: {  	s4 =	sld [smem:$0x3FAA]  }
0x2a: {  	p0 =	seq.s32 s5, $0x0;
	s5 =	sld [smem:$0x3FAB]  }
0x2b: {  	s6 =	sld [smem:$0x3FAC]  }
0x2c: {  	s7 =	sld [smem:$0x3FAD]  }
0x2d: {  	s3 =	simm.s32 $0x108;
	s8 =	sld [smem:$0x3FAE]  }
0x2e: {  	s3 =	simm.s32 @!p0 $0x1082;
	s9 =	sld [smem:$0x3FAF]  }
0x2f: {  	lr =	sadd.s32 s0, s3;
	s0 =	sld [smem:$0x3FA6]  }
0x30: {  	s3 =	sld [smem:$0x3FA9]  }
0x31: {  	[smem:$0x3FB2] =	sst s10  }
0x32: {  	s10 =	sld [smem:$0x3FB0];
	_ =	sdelay $0x3  }
0x33: {  	p0 =	seq.s32 s10, $0x1;
	s10 =	sld [smem:$0x3FB2];
	_ =	sdelay $0x3  }
0x34: {  	[smem:$0x3FB2] =	sst s10  }
0x35: {  	s10 =	sld [smem:$0x3FB1];
	_ =	sdelay $0x3  }
0x36: {  	p1 =	seq.s32 s10, $0x1;
	s10 =	sld [smem:$0x3FB2];
	_ =	sdelay $0x3  }
0x37: {  	[smem:$0x3FB2] =	sst s10  }
0x38: {  	s10 =	sld [smem:$0x3FB3]  }
0x39: {  	_ = 	snop;
	(pc) =	sbr.ind lr, $3  }
0x3a: {  	_ = 	snop  }
0x3b: {  	_ = 	snop  }
0x3c: {  	p2 =	seq.s32 s10, $0x1;
	s10 =	sld [smem:$0x3FB2]  }
0x3d: {  	_ =	shalt  }
0x3e: {  	_ =	shalt  }
0x3f: {  	_ =	shalt  }
0x40: {  	_ =	shalt  }
0x41: {  	_ =	shalt  }
0x42: {  	_ =	shalt  }
0x43: {  	_ =	shalt  }
0x44: {  	_ =	shalt  }
0x45: {  	_ =	shalt  }
0x46: {  	_ =	shalt  }
0x47: {  	_ =	shalt  }
0x48: {  	_ =	shalt  }
0x49: {  	_ =	shalt  }
0x4a: {  	_ =	shalt  }
0x4b: {  	_ =	shalt  }
0x4c: {  	_ =	shalt  }
0x4d: {  	_ =	shalt  }
0x4e: {  	_ =	shalt  }
0x4f: {  	_ =	shalt  }
0x50: {  	_ =	shalt  }
0x51: {  	_ =	shalt  }
0x52: {  	_ =	shalt  }
0x53: {  	_ =	shalt  }
0x54: {  	_ =	shalt  }
0x55: {  	_ =	shalt  }
0x56: {  	_ =	shalt  }
0x57: {  	_ =	shalt  }
0x58: {  	_ =	shalt  }
0x59: {  	_ =	shalt  }
0x5a: {  	_ =	shalt  }
0x5b: {  	_ =	shalt  }
0x5c: {  	_ =	shalt  }
0x5d: {  	_ =	shalt  }
0x5e: {  	_ =	shalt  }
0x5f: {  	_ =	shalt  }
0x60: {  	_ =	shalt  }
0x61: {  	_ =	shalt  }
0x62: {  	_ =	shalt  }
0x63: {  	_ =	shalt  }
0x64: {  	_ =	shalt  }
0x65: {  	_ =	shalt  }
0x66: {  	_ =	shalt  }
0x67: {  	_ =	shalt  }
0x68: {  	_ =	shalt  }
0x69: {  	_ =	shalt  }
0x6a: {  	_ =	shalt  }
0x6b: {  	_ =	shalt  }
0x6c: {  	_ =	shalt  }
0x6d: {  	_ =	shalt  }
0x6e: {  	_ =	shalt  }
0x6f: {  	_ =	shalt  }
0x70: {  	_ =	shalt  }
0x71: {  	_ =	shalt  }
0x72: {  	_ =	shalt  }
0x73: {  	_ =	shalt  }
0x74: {  	_ =	shalt  }
0x75: {  	_ =	shalt  }
0x76: {  	_ =	shalt  }
0x77: {  	_ =	shalt  }
0x78: {  	_ =	shalt  }
0x79: {  	_ =	shalt  }
0x7a: {  	_ =	shalt  }
0x7b: {  	_ =	shalt  }
0x7c: {  	_ =	shalt  }
0x7d: {  	_ =	shalt  }
0x7e: {  	_ =	shalt  }
0x7f: {  	_ =	shalt  }
0x80: {  	_ =	shalt  }
0x81: {  	_ =	shalt  }
0x82: {  	_ =	shalt  }
0x83: {  	_ =	shalt  }
0x84: {  	_ =	shalt  }
0x85: {  	_ =	shalt  }
0x86: {  	_ =	shalt  }
0x87: {  	_ =	shalt  }
.Lfunc_end0:
.L_simem_size_0:
called_computation_lowered:
.L_overlay_start_0:
0x88: {  	s2 =	sld [smem:$0x3FD9]  }
0x89: {  	s3 =	sld [smem:$0x3FFE];
	_ =	sdelay $0x1  }
0x8a: {  	s1 =	srdreg.scid  }
0x8b: {  	s0 =	sand.u32 $0x1, s1  }
0x8c: {  	s17 =	sshll.u32 s0, $0xA;
	s2 =	sadd.s32 s3, s2  }
0x8d: {  	s2 =	sadd.s32 s2, s17  }
0x8e: {  	[smem:$0x3FBE] =	sst s2  }
0x8f: {  	_ = 	snop  }
0x90: {  	s2 =	sld [smem:$0x3FD0];
	(tm) =	ssettm $0x1  }
0x91: {  	s18 =	sld [smem:$0x3FFB];
	_ =	sdelay $0x3  }
0x92: {  	_ =	strace s18  }
0x93: {  	s3 =	sld [smem:$0x3FFC];
	_ =	sdelay $0x3  }
0x94: {  	_ =	strace s3  }
0x95: {  	s3 =	sld [smem:$0x3FFD];
	_ =	sdelay $0x3  }
0x96: {  	_ =	strace s3  }
0x97: {  	_ =	strace $0x8FFFFFFF  }
0x98: {  	s19 =	sld [smem:$0x3FDB];
	_ =	sdelay $0x1  }
0x99: {  	s4 =	simm.s32 $_scs_section_size  }
0x9a: {  	s5 =	simm.s32 $_size__tile_overlayer_lowered;
	s6 =	simm.s32 $_tile_overlayer_lowered  }
0x9b: {  	s22 =	simm.s32 $0x1BFF;
	s21 =	sshll.u32 s6, $0x1;
	s3 =	sadd.s32 s4, s19  }
0x9c: {  	s7 =	simm.s32 $0x0;
	s20 =	sshll.u32 s5, $0x1;
	s5 =	sadd.s32 s21, s3  }
0x9d: {  	[timem:s7], [sflag:s22] =	dma.local [hbm:s5], s20  }
0x9e: {  	_ =	swait.ge [sflag:s22], s20  }
0x9f: {  	s4 =	ssub.s32 $0x0, s20;
	[sflag:s22] =	ssyncset.done $0x0  }
0xa0: {  	[sflag:s22] =	ssyncadd.s32 s4;
	_ =	sdelay $0x1  }
0xa1: {  	s23 =	simm.s32 $0x1B8B  }
0xa2: {  	_ =	swait.ge [sflag:s23], $0x1  }
0xa3: {  	[sflag:s23] =	ssyncset.done $0x0  }
0xa4: {  	s25 =	simm.s32 $0x1B8E;
	s24 =	sld [smem:$0x3FFE];
	[sflag:s23] =	ssyncadd.s32 $0xFFFFFFFF  }
0xa5: {  	s26 =	simm.s32 $execute0_lowered;
	[smem:$0x3FD2] =	sst s25  }
0xa6: {  	s5 =	sshll.u32 s26, $0x1;
	_ =	strace $0x80000046;
	[dreg:$0x1] =	wrdreg $0xFFFFFFFF  }
0xa7: {  	s28 =	simm.s32 $_size_execute0_lowered;
	s3 =	sadd.s32 s3, s5;
	[dreg:$0x0] =	wrdreg $0x0  }
0xa8: {  	s5 =	sshll.u32 s28, $0x1;
	[dreg:$0x2] =	wrdreg s3  }
0xa9: {  	[dreg:$0x3] =	wrdreg s5  }
0xaa: {  	[dreg:$0x4] =	wrdreg $0xC0  }
0xab: {  	_ =	task [dreg:s7], $0x5FFFF  }
0xac: {  	[dreg:$0x1] =	wrdreg $0xFFFFFFFF  }
0xad: {  	[dreg:$0x0] =	wrdreg $0x60  }
0xae: {  	[dreg:$0x2] =	wrdreg s24  }
0xaf: {  	[dreg:$0x3] =	wrdreg s2  }
0xb0: {  	[dreg:$0x4] =	wrdreg $0x0  }
0xb1: {  	[dreg:$0x5] =	wrdreg $0x9E000  }
0xb2: {  	[dreg:$0x6] =	wrdreg $0x9  }
0xb3: {  	_ =	task.clear_ibuf [dreg:s7], $0x7FFFF;
	_ =	strace $0x90000046  }
0xb4: {  	s29 =	simm.s32 $0x9;
	_ =	strace $0x80000048  }
0xb5: {  	_ =	swait.ge [sflag:s29], $0x1  }
0xb6: {  	[sflag:s29] =	ssyncadd.s32 $0xFFFFFFFF  }
0xb7: {  	_ =	strace $0x90000048  }
0xb8: {  	_ =	sfence  }
0xb9: {  	s30 =	sld [smem:$0x0];
	_ =	sdelay $0x2  }
0xba: {  	s31 =	sshll.u32 s1, $0xD;
	s1 =	sshrl.u32 s1, $0x2  }
0xbb: {  	s3 =	sand.u32 $0x4000, s31;
	s1 =	sadd.s32 s1, s30  }
0xbc: {  	s0 =	sor.u32 s3, s0;
	s1 =	sshll.u32 s1, $0x11  }
0xbd: {  	s0 =	sor.u32 s1, s0  }
0xbe: {  	s0 =	sadd.s32 $0x8F2B, s0  }
0xbf: {  	[sflag:s0] =	ssyncadd.remote.s32 $0x1  }
0xc0: {  	_ =	sfence.sel $0xFFFF  }
0xc1: {  	[dreg:$0x0] =	wrdreg $0xFFFFFFFF;
	(pc) =	sbr.abs _section_cstart, $3  }
0xc2: {  	[dreg:$0x1] =	wrdreg $0xFFFFFFFF  }
0xc3: {  	_ =	task.clear_ibuf [dreg:s7], $0x2FFFF;
	_ =	strace $0x9FFFFFFF  }
0xc4: {  	(tm) =	ssettm $0x7FFFFFFF  }
0xc5: {  	_ =	shalt  }
tec
execute0_lowered:
.L_overlay_start_1:
0x0: {  	(tag) =	ssettag $0x1  }
0x1: {  	s1 =	rddreg [dreg:$0x0]  }
0x2: {  	s0 =	srdreg.scid;
	s6 =	rddreg [dreg:$0x1]  }
0x3: {  	s15 =	stileid.u32;
	s2 =	rddreg [dreg:$0x2]  }
0x4: {  	s17 =	simm.s32 $0x6;
	s18 =	simm.s32 $0xF0F8;
	s28 =	simm.s32 $0x13370  }
0x5: {  	s30 =	simm.s32 $0x15370;
	s31 =	simm.s32 $0x1;
	s8 =	smul.u32 $0x13C00, s15  }
0x6: {  	s29 =	simm.s32 $0x17370;
	s0 =	sand.u32 $0x1, s0;
	s9 =	smul.u32 $0x278, s15  }
0x7: {  	s5 =	sadd.s32 $0x15E00, s1;
	s16 =	sadd.s32 $0x3DE00, s1;
	s21 =	sshll.u32 s15, $0x6  }
0x8: {  	s3 =	sshll.u32 s0, $0x4;
	s11 =	smul.u32 $0x13C000, s0;
	s13 =	ssub.s32 $0x2, s0  }
0x9: {  	s0 =	smul.u32 $0x2780, s0;
	s4 =	sor.u32 s15, s3;
	s3 =	rddreg [dreg:$0x3]  }
0xa: {  	s10 =	sshrl.u32 s8, $0x4;
	s12 =	sshrl.u32 s9, $0x3;
	s14 =	sshrl.u32 s13, $0x1  }
0xb: {  	s15 =	simm.s32 $0x4;
	s7 =	smul.u32 $0x500, s4;
	s4 =	simm.s32 $0x0  }
0xc: {  	s10 =	sadd.s32 s10, s1;
	s11 =	sadd.s32 s8, s11;
	s12 =	sadd.s32 s12, s1  }
0xd: {  	s20 =	ssub.s32 s13, s14;
	s8 =	sshrl.u32 s8, $0x1;
	s0 =	sadd.s32 s9, s0  }
0xe: {  	s13 =	sadd.s32 s9, s3;
	s9 =	simm.s32 $0x2;
	s14 =	simm.s32 $0x3  }
0xf: {  	[smem:$0x7FF] =	sst s4;
	s11 =	sshrl.u32 s11, $0x4;
	s22 =	sadd.s32 s8, s2  }
0x10: {  	s23 =	sadd.s32 $0x2200, s10;
	s10 =	sor.u32 $0x1C06, s21;
	s25 =	sadd.s32 $0x3D800, s12  }
0x11: {  	s0 =	sshrl.u32 s0, $0x3;
	_ =	strace $0x80000047;
	[dreg:$0x5] =	wrdreg s16  }
0x12: {  	s26 =	smax.u32 s20, $0x1;
	s21 =	simm.s32 $0xF078;
	[dreg:$0x6] =	wrdreg s23  }
0x13: {  	s7 =	sadd.s32 s7, s1;
	s1 =	sadd.s32 s11, s1;
	[dreg:$0x9] =	wrdreg s25  }
0x14: {  	s0 =	sadd.s32 s6, s0;
	[dreg:$0xc] =	wrdreg s26;
	s11 =	sshrl.u32 s22, $0x3  }
0x15: {  	s22 =	simm.s32 $0x80;
	s23 =	simm.s32 $0xF370;
	s25 =	simm.s32 $0x11370  }
0x16: {  	s26 =	simm.s32 $0x19370;
	s24 =	sadd.s32 $0x33800, s7;
	[dreg:$0xb] =	wrdreg s0  }
0x17: {  	s6 =	simm.s32 $0x1B370;
	s7 =	sadd.s32 $0x29800, s7;
	[dreg:$0x7] =	wrdreg s24  }
0x18: {  	s1 =	sadd.s32 $0x3E000, s1;
	s0 =	simm.s32 $0x0;
	[dreg:$0x8] =	wrdreg s7  }
0x19: {  	[dreg:$0xa] =	wrdreg s1;
	s7 =	simm.s32 $0x1D370;
	s1 =	simm.s32 $0x5  }
.LBB2_1:
0x1a: {  	s8 =	rddreg [dreg:$0x6]  }
0x1b: {  	[spmem:s11], [sflag:s10] =	dma.local [hbm:s8], $0x13C0  }
0x1c: {  	_ =	swait.ge [sflag:s17], $0x13C0  }
0x1d: {  	s12 =	smov.u32 s10;
	[sflag:s17] =	ssyncset.done $0x0  }
0x1e: {  	s10 =	simm.s32 $0xA078;
	s19 =	rddreg [dreg:$0x7];
	[sflag:s17] =	ssyncadd.s32 $0xFFFFEC40  }
0x1f: {  	[tilespmem:s10], [sflag:$0x6] =	stream.linear.gather [hbm4b:s19+s4], $0x2800, $0x38;
	[tilespmem:$0x1F370] =	vst v63  }
0x20: {  	_ =	swait.ge [sflag:s17], $0x2800  }
0x21: {  	s20 =	smov.u32 s11;
	[sflag:s17] =	ssyncset.done $0x0  }
0x22: {  	s11 =	simm.s32 $0xC878;
	s24 =	rddreg [dreg:$0x8];
	[sflag:s17] =	ssyncadd.s32 $0xFFFFD800  }
0x23: {  	[tilespmem:s11], [sflag:$0x6] =	stream.linear.gather [hbm4b:s24+s4], $0x2800, $0x38;
	[tilespmem:$0x1F370] =	vst v63  }
0x24: {  	_ =	swait.ge [sflag:s17], $0x2800  }
0x25: {  	[sflag:s17] =	ssyncset.done $0x0  }
0x26: {  	s16 =	rddreg [dreg:$0x9];
	[sflag:s17] =	ssyncadd.s32 $0xFFFFD800  }
0x27: {  	[tilespmem:s18], [sflag:$0x6] =	stream.linear.gather [hbm4b:s16+s4], $0x278, $0x38;
	[tilespmem:$0x1F370] =	vst v63  }
0x28: {  	_ =	swait.ge [sflag:s17], $0x278  }
0x29: {  	[sflag:s17] =	ssyncset.done $0x0  }
0x2a: {  	[sflag:s17] =	ssyncadd.s32 $0xFFFFFD88  }
0x2b: {  	[spmem:s13] =	stream.linear.scatter [tilespmem:s18], [sflag:$0x6], $0x278, $0x38;
	[tilespmem:$0x1F370] =	vst v63  }
0x2c: {  	_ =	swait.ge [sflag:s17], $0x278  }
0x2d: {  	[sflag:s17] =	ssyncset.done $0x0  }
0x2e: {  	s19 =	rddreg [dreg:$0x5];
	[sflag:s17] =	ssyncadd.s32 $0xFFFFFD88  }
0x2f: {  	[tilespmem:s21], [sflag:$0x6] =	stream.linear.gather [hbm4b:s19+s4], $0x80, $0x38;
	[tilespmem:$0x1F370] =	vst v63  }
0x30: {  	_ =	swait.ge [sflag:s17], $0x80  }
0x31: {  	[sflag:s17] =	ssyncset.done $0x0  }
0x32: {  	[sflag:s17] =	ssyncadd.s32 $0xFFFFFF80  }
0x33: {  	[bflag:$0x0] =	sbarrier.arrive $0xFFFF  }
0x34: {  	[tilespmem:s23], [sflag:$0x1] =	stream.indirect.gather [hbm4b:s5+s22], $0x40, s10, s22, $0xb8;
	[tilespmem:$0x1F370] =	vst v63  }
0x35: {  	s24 =	simm.s32 $0xA0F8  }
0x36: {  	[tilespmem:s25], [sflag:$0x1] =	stream.indirect.gather [hbm4b:s5+s22], $0x40, s24, s22, $0xb8;
	[tilespmem:$0x1F370] =	vst v63  }
0x37: {  	s10 =	simm.s32 $0xA178  }
0x38: {  	[tilespmem:s28], [sflag:$0x1] =	stream.indirect.gather [hbm4b:s5+s22], $0x40, s10, s22, $0xb8;
	[tilespmem:$0x1F370] =	vst v63  }
0x39: {  	s16 =	smov.u32 s13;
	s13 =	simm.s32 $0xA1F8  }
0x3a: {  	[tilespmem:s30], [sflag:$0x1] =	stream.indirect.gather [hbm4b:s5+s22], $0x40, s13, s22, $0xb8;
	[tilespmem:$0x1F370] =	vst v63  }
0x3b: {  	_ =	swait.ge [sflag:s31], $0x2000  }
0x3c: {  	[sflag:s31] =	ssyncset.done $0x0  }
0x3d: {  	[sflag:s31] =	ssyncadd.s32 $0xFFFFE000  }
0x3e: {  	_ =	swait.ge [sflag:s31], $0x2000  }
0x3f: {  	[sflag:s31] =	ssyncset.done $0x0  }
0x40: {  	[sflag:s31] =	ssyncadd.s32 $0xFFFFE000  }
0x41: {  	_ =	swait.ge [sflag:s31], $0x2000  }
0x42: {  	[sflag:s31] =	ssyncset.done $0x0  }
0x43: {  	[sflag:s31] =	ssyncadd.s32 $0xFFFFE000  }
0x44: {  	_ =	swait.ge [sflag:s31], $0x2000  }
0x45: {  	[sflag:s31] =	ssyncset.done $0x0  }
0x46: {  	[sflag:s31] =	ssyncadd.s32 $0xFFFFE000  }
0x47: {  	[spmem:s2] =	stream.indirect.scatter.add.bf16 [tilespmem:s23], [sflag:$0x3], $0x40, s11, s22, $0xb8;
	[tilespmem:$0x1F370] =	vst v63  }
0x48: {  	s18 =	simm.s32 $0xC8F8  }
0x49: {  	[spmem:s2] =	stream.indirect.scatter.add.bf16 [tilespmem:s25], [sflag:$0x3], $0x40, s18, s22, $0xb8;
	[tilespmem:$0x1F370] =	vst v63  }
0x4a: {  	s19 =	simm.s32 $0xC978  }
0x4b: {  	[spmem:s2] =	stream.indirect.scatter.add.bf16 [tilespmem:s28], [sflag:$0x3], $0x40, s19, s22, $0xb8;
	[tilespmem:$0x1F370] =	vst v63  }
0x4c: {  	s24 =	simm.s32 $0xC9F8  }
0x4d: {  	[spmem:s2] =	stream.indirect.scatter.add.bf16 [tilespmem:s30], [sflag:$0x3], $0x40, s24, s22, $0xb8;
	[tilespmem:$0x1F370] =	vst v63  }
0x4e: {  	_ = 	snop  }
0x4f: {  	[spmem:s3] =	stream.indirect.scatter.add.f32 [tilespmem:s21], [sflag:$0x5], $0x1, s11, s22, $0xb8;
	[tilespmem:$0x1F370] =	vst v63  }
0x50: {  	_ = 	snop  }
0x51: {  	[spmem:s3] =	stream.indirect.scatter.add.f32 [tilespmem:s21], [sflag:$0x5], $0x1, s18, s22, $0xb8;
	[tilespmem:$0x1F370] =	vst v63  }
0x52: {  	_ = 	snop  }
0x53: {  	[spmem:s3] =	stream.indirect.scatter.add.f32 [tilespmem:s21], [sflag:$0x5], $0x1, s19, s22, $0xb8;
	[tilespmem:$0x1F370] =	vst v63  }
0x54: {  	_ = 	snop  }
0x55: {  	[spmem:s3] =	stream.indirect.scatter.add.f32 [tilespmem:s21], [sflag:$0x5], $0x1, s24, s22, $0xb8;
	[tilespmem:$0x1F370] =	vst v63  }
0x56: {  	s13 =	simm.s32 $0xA278  }
0x57: {  	[tilespmem:s29], [sflag:$0x2] =	stream.indirect.gather [hbm4b:s5+s22], $0x40, s13, s22, $0xb8;
	[tilespmem:$0x1F370] =	vst v63  }
0x58: {  	s18 =	simm.s32 $0xA2F8  }
0x59: {  	[tilespmem:s26], [sflag:$0x2] =	stream.indirect.gather [hbm4b:s5+s22], $0x40, s18, s22, $0xb8;
	[tilespmem:$0x1F370] =	vst v63  }
0x5a: {  	s19 =	simm.s32 $0xA378  }
0x5b: {  	[tilespmem:s6], [sflag:$0x2] =	stream.indirect.gather [hbm4b:s5+s22], $0x40, s19, s22, $0xb8;
	[tilespmem:$0x1F370] =	vst v63  }
0x5c: {  	s24 =	simm.s32 $0xA3F8  }
0x5d: {  	[tilespmem:s7], [sflag:$0x2] =	stream.indirect.gather [hbm4b:s5+s22], $0x40, s24, s22, $0xb8;
	[tilespmem:$0x1F370] =	vst v63  }
0x5e: {  	_ =	swait.ge [sflag:s9], $0x2000  }
0x5f: {  	[sflag:s9] =	ssyncset.done $0x0  }
0x60: {  	[sflag:s9] =	ssyncadd.s32 $0xFFFFE000  }
0x61: {  	_ =	swait.ge [sflag:s9], $0x2000  }
0x62: {  	[sflag:s9] =	ssyncset.done $0x0  }
0x63: {  	[sflag:s9] =	ssyncadd.s32 $0xFFFFE000  }
0x64: {  	_ =	swait.ge [sflag:s9], $0x2000  }
0x65: {  	[sflag:s9] =	ssyncset.done $0x0  }
0x66: {  	[sflag:s9] =	ssyncadd.s32 $0xFFFFE000  }
0x67: {  	_ =	swait.ge [sflag:s9], $0x2000  }
0x68: {  	[sflag:s9] =	ssyncset.done $0x0  }
0x69: {  	s10 =	simm.s32 $0xCA78;
	[sflag:s9] =	ssyncadd.s32 $0xFFFFE000  }
0x6a: {  	[spmem:s2] =	stream.indirect.scatter.add.bf16 [tilespmem:s29], [sflag:$0x4], $0x40, s10, s22, $0xb8;
	[tilespmem:$0x1F370] =	vst v63  }
0x6b: {  	s11 =	simm.s32 $0xCAF8  }
0x6c: {  	[spmem:s2] =	stream.indirect.scatter.add.bf16 [tilespmem:s26], [sflag:$0x4], $0x40, s11, s22, $0xb8;
	[tilespmem:$0x1F370] =	vst v63  }
0x6d: {  	s13 =	simm.s32 $0xCB78  }
0x6e: {  	[spmem:s2] =	stream.indirect.scatter.add.bf16 [tilespmem:s6], [sflag:$0x4], $0x40, s13, s22, $0xb8;
	[tilespmem:$0x1F370] =	vst v63  }
0x6f: {  	s18 =	simm.s32 $0xCBF8  }
0x70: {  	[spmem:s2] =	stream.indirect.scatter.add.bf16 [tilespmem:s7], [sflag:$0x4], $0x40, s18, s22, $0xb8;
	[tilespmem:$0x1F370] =	vst v63  }
0x71: {  	_ = 	snop  }
0x72: {  	[spmem:s3] =	stream.indirect.scatter.add.f32 [tilespmem:s21], [sflag:$0x5], $0x1, s10, s22, $0xb8;
	[tilespmem:$0x1F370] =	vst v63  }
0x73: {  	_ = 	snop  }
0x74: {  	[spmem:s3] =	stream.indirect.scatter.add.f32 [tilespmem:s21], [sflag:$0x5], $0x1, s11, s22, $0xb8;
	[tilespmem:$0x1F370] =	vst v63  }
0x75: {  	_ = 	snop  }
0x76: {  	[spmem:s3] =	stream.indirect.scatter.add.f32 [tilespmem:s21], [sflag:$0x5], $0x1, s13, s22, $0xb8;
	[tilespmem:$0x1F370] =	vst v63  }
0x77: {  	_ = 	snop  }
0x78: {  	[spmem:s3] =	stream.indirect.scatter.add.f32 [tilespmem:s21], [sflag:$0x5], $0x1, s18, s22, $0xb8;
	[tilespmem:$0x1F370] =	vst v63  }
0x79: {  	_ =	swait.ge [sflag:s14], $0x2000  }
0x7a: {  	[sflag:s14] =	ssyncset.done $0x0  }
0x7b: {  	[sflag:s14] =	ssyncadd.s32 $0xFFFFE000  }
0x7c: {  	_ =	swait.ge [sflag:s14], $0x2000  }
0x7d: {  	[sflag:s14] =	ssyncset.done $0x0  }
0x7e: {  	[sflag:s14] =	ssyncadd.s32 $0xFFFFE000  }
0x7f: {  	_ =	swait.ge [sflag:s14], $0x2000  }
0x80: {  	[sflag:s14] =	ssyncset.done $0x0  }
0x81: {  	[sflag:s14] =	ssyncadd.s32 $0xFFFFE000  }
0x82: {  	_ =	swait.ge [sflag:s14], $0x2000  }
0x83: {  	[sflag:s14] =	ssyncset.done $0x0  }
0x84: {  	s19 =	simm.s32 $0xA478;
	[sflag:s14] =	ssyncadd.s32 $0xFFFFE000  }
0x85: {  	[tilespmem:s23], [sflag:$0x1] =	stream.indirect.gather [hbm4b:s5+s22], $0x40, s19, s22, $0xb8;
	[tilespmem:$0x1F370] =	vst v63  }
0x86: {  	s24 =	simm.s32 $0xA4F8  }
0x87: {  	[tilespmem:s25], [sflag:$0x1] =	stream.indirect.gather [hbm4b:s5+s22], $0x40, s24, s22, $0xb8;
	[tilespmem:$0x1F370] =	vst v63  }
0x88: {  	s10 =	simm.s32 $0xA578  }
0x89: {  	[tilespmem:s28], [sflag:$0x1] =	stream.indirect.gather [hbm4b:s5+s22], $0x40, s10, s22, $0xb8;
	[tilespmem:$0x1F370] =	vst v63  }
0x8a: {  	s11 =	simm.s32 $0xA5F8  }
0x8b: {  	[tilespmem:s30], [sflag:$0x1] =	stream.indirect.gather [hbm4b:s5+s22], $0x40, s11, s22, $0xb8;
	[tilespmem:$0x1F370] =	vst v63  }
0x8c: {  	_ =	swait.ge [sflag:s31], $0x2000  }
0x8d: {  	[sflag:s31] =	ssyncset.done $0x0  }
0x8e: {  	[sflag:s31] =	ssyncadd.s32 $0xFFFFE000  }
0x8f: {  	_ =	swait.ge [sflag:s31], $0x2000  }
0x90: {  	[sflag:s31] =	ssyncset.done $0x0  }
0x91: {  	[sflag:s31] =	ssyncadd.s32 $0xFFFFE000  }
0x92: {  	_ =	swait.ge [sflag:s31], $0x2000  }
0x93: {  	[sflag:s31] =	ssyncset.done $0x0  }
0x94: {  	[sflag:s31] =	ssyncadd.s32 $0xFFFFE000  }
0x95: {  	_ =	swait.ge [sflag:s31], $0x2000  }
0x96: {  	[sflag:s31] =	ssyncset.done $0x0  }
0x97: {  	s13 =	simm.s32 $0xCC78;
	[sflag:s31] =	ssyncadd.s32 $0xFFFFE000  }
0x98: {  	[spmem:s2] =	stream.indirect.scatter.add.bf16 [tilespmem:s23], [sflag:$0x3], $0x40, s13, s22, $0xb8;
	[tilespmem:$0x1F370] =	vst v63  }
0x99: {  	s18 =	simm.s32 $0xCCF8  }
0x9a: {  	[spmem:s2] =	stream.indirect.scatter.add.bf16 [tilespmem:s25], [sflag:$0x3], $0x40, s18, s22, $0xb8;
	[tilespmem:$0x1F370] =	vst v63  }
0x9b: {  	s24 =	simm.s32 $0xCD78  }
0x9c: {  	[spmem:s2] =	stream.indirect.scatter.add.bf16 [tilespmem:s28], [sflag:$0x3], $0x40, s24, s22, $0xb8;
	[tilespmem:$0x1F370] =	vst v63  }
0x9d: {  	s19 =	simm.s32 $0xCDF8  }
0x9e: {  	[spmem:s2] =	stream.indirect.scatter.add.bf16 [tilespmem:s30], [sflag:$0x3], $0x40, s19, s22, $0xb8;
	[tilespmem:$0x1F370] =	vst v63  }
0x9f: {  	_ = 	snop  }
0xa0: {  	[spmem:s3] =	stream.indirect.scatter.add.f32 [tilespmem:s21], [sflag:$0x5], $0x1, s13, s22, $0xb8;
	[tilespmem:$0x1F370] =	vst v63  }
0xa1: {  	_ = 	snop  }
0xa2: {  	[spmem:s3] =	stream.indirect.scatter.add.f32 [tilespmem:s21], [sflag:$0x5], $0x1, s18, s22, $0xb8;
	[tilespmem:$0x1F370] =	vst v63  }
0xa3: {  	_ = 	snop  }
0xa4: {  	[spmem:s3] =	stream.indirect.scatter.add.f32 [tilespmem:s21], [sflag:$0x5], $0x1, s24, s22, $0xb8;
	[tilespmem:$0x1F370] =	vst v63  }
0xa5: {  	_ = 	snop  }
0xa6: {  	[spmem:s3] =	stream.indirect.scatter.add.f32 [tilespmem:s21], [sflag:$0x5], $0x1, s19, s22, $0xb8;
	[tilespmem:$0x1F370] =	vst v63  }
0xa7: {  	_ =	swait.ge [sflag:s15], $0x2000  }
0xa8: {  	[sflag:s15] =	ssyncset.done $0x0  }
0xa9: {  	[sflag:s15] =	ssyncadd.s32 $0xFFFFE000  }
0xaa: {  	_ =	swait.ge [sflag:s15], $0x2000  }
0xab: {  	[sflag:s15] =	ssyncset.done $0x0  }
0xac: {  	[sflag:s15] =	ssyncadd.s32 $0xFFFFE000  }
0xad: {  	_ =	swait.ge [sflag:s15], $0x2000  }
0xae: {  	[sflag:s15] =	ssyncset.done $0x0  }
0xaf: {  	[sflag:s15] =	ssyncadd.s32 $0xFFFFE000  }
0xb0: {  	_ =	swait.ge [sflag:s15], $0x2000  }
0xb1: {  	[sflag:s15] =	ssyncset.done $0x0  }
0xb2: {  	s8 =	simm.s32 $0xA678;
	[sflag:s15] =	ssyncadd.s32 $0xFFFFE000  }
0xb3: {  	[tilespmem:s29], [sflag:$0x2] =	stream.indirect.gather [hbm4b:s5+s22], $0x40, s8, s22, $0xb8;
	[tilespmem:$0x1F370] =	vst v63  }
0xb4: {  	s11 =	simm.s32 $0xA6F8  }
0xb5: {  	[tilespmem:s26], [sflag:$0x2] =	stream.indirect.gather [hbm4b:s5+s22], $0x40, s11, s22, $0xb8;
	[tilespmem:$0x1F370] =	vst v63  }
0xb6: {  	s13 =	simm.s32 $0xA778  }
0xb7: {  	[tilespmem:s6], [sflag:$0x2] =	stream.indirect.gather [hbm4b:s5+s22], $0x40, s13, s22, $0xb8;
	[tilespmem:$0x1F370] =	vst v63  }
0xb8: {  	s18 =	simm.s32 $0xA7F8  }
0xb9: {  	[tilespmem:s7], [sflag:$0x2] =	stream.indirect.gather [hbm4b:s5+s22], $0x40, s18, s22, $0xb8;
	[tilespmem:$0x1F370] =	vst v63  }
0xba: {  	_ =	swait.ge [sflag:s9], $0x2000  }
0xbb: {  	[sflag:s9] =	ssyncset.done $0x0  }
0xbc: {  	[sflag:s9] =	ssyncadd.s32 $0xFFFFE000  }
0xbd: {  	_ =	swait.ge [sflag:s9], $0x2000  }
0xbe: {  	[sflag:s9] =	ssyncset.done $0x0  }
0xbf: {  	[sflag:s9] =	ssyncadd.s32 $0xFFFFE000  }
0xc0: {  	_ =	swait.ge [sflag:s9], $0x2000  }
0xc1: {  	[sflag:s9] =	ssyncset.done $0x0  }
0xc2: {  	[sflag:s9] =	ssyncadd.s32 $0xFFFFE000  }
0xc3: {  	_ =	swait.ge [sflag:s9], $0x2000  }
0xc4: {  	[sflag:s9] =	ssyncset.done $0x0  }
0xc5: {  	s19 =	simm.s32 $0xCE78;
	[sflag:s9] =	ssyncadd.s32 $0xFFFFE000  }
0xc6: {  	[spmem:s2] =	stream.indirect.scatter.add.bf16 [tilespmem:s29], [sflag:$0x4], $0x40, s19, s22, $0xb8;
	[tilespmem:$0x1F370] =	vst v63  }
0xc7: {  	s24 =	simm.s32 $0xCEF8  }
0xc8: {  	[spmem:s2] =	stream.indirect.scatter.add.bf16 [tilespmem:s26], [sflag:$0x4], $0x40, s24, s22, $0xb8;
	[tilespmem:$0x1F370] =	vst v63  }
0xc9: {  	s8 =	simm.s32 $0xCF78  }
0xca: {  	[spmem:s2] =	stream.indirect.scatter.add.bf16 [tilespmem:s6], [sflag:$0x4], $0x40, s8, s22, $0xb8;
	[tilespmem:$0x1F370] =	vst v63  }
0xcb: {  	s13 =	simm.s32 $0xCFF8  }
0xcc: {  	[spmem:s2] =	stream.indirect.scatter.add.bf16 [tilespmem:s7], [sflag:$0x4], $0x40, s13, s22, $0xb8;
	[tilespmem:$0x1F370] =	vst v63  }
0xcd: {  	_ = 	snop  }
0xce: {  	[spmem:s3] =	stream.indirect.scatter.add.f32 [tilespmem:s21], [sflag:$0x5], $0x1, s19, s22, $0xb8;
	[tilespmem:$0x1F370] =	vst v63  }
0xcf: {  	_ = 	snop  }
0xd0: {  	[spmem:s3] =	stream.indirect.scatter.add.f32 [tilespmem:s21], [sflag:$0x5], $0x1, s24, s22, $0xb8;
	[tilespmem:$0x1F370] =	vst v63  }
0xd1: {  	_ = 	snop  }
0xd2: {  	[spmem:s3] =	stream.indirect.scatter.add.f32 [tilespmem:s21], [sflag:$0x5], $0x1, s8, s22, $0xb8;
	[tilespmem:$0x1F370] =	vst v63  }
0xd3: {  	_ = 	snop  }
0xd4: {  	[spmem:s3] =	stream.indirect.scatter.add.f32 [tilespmem:s21], [sflag:$0x5], $0x1, s13, s22, $0xb8;
	[tilespmem:$0x1F370] =	vst v63  }
0xd5: {  	_ =	swait.ge [sflag:s14], $0x2000  }
0xd6: {  	[sflag:s14] =	ssyncset.done $0x0  }
0xd7: {  	[sflag:s14] =	ssyncadd.s32 $0xFFFFE000  }
0xd8: {  	_ =	swait.ge [sflag:s14], $0x2000  }
0xd9: {  	[sflag:s14] =	ssyncset.done $0x0  }
0xda: {  	[sflag:s14] =	ssyncadd.s32 $0xFFFFE000  }
0xdb: {  	_ =	swait.ge [sflag:s14], $0x2000  }
0xdc: {  	[sflag:s14] =	ssyncset.done $0x0  }
0xdd: {  	p0 =	por $0x0, $0x0;
	s10 =	simm.s32 $0x2000;
	[sflag:s14] =	ssyncadd.s32 $0xFFFFE000  }
0xde: {  	s10 =	simm.s32 @p0 $0x0;
	_ =	swait.ge [sflag:s14], $0x2000  }
0xdf: {  	s10 =	sshra.s32 s10, $0x2;
	[sflag:s14] =	ssyncset.done $0x0  }
0xe0: {  	s18 =	sadd.s32 $0xA078, s10;
	[sflag:s14] =	ssyncadd.s32 $0xFFFFE000  }
0xe1: {  	[tilespmem:s23], [sflag:$0x1] =	stream.indirect.gather [hbm4b:s5+s22], $0x40, s18, s22, $0xb8;
	[tilespmem:$0x1F370] =	vst v63  }
0xe2: {  	s19 =	sadd.s32 $0xA0F8, s10  }
0xe3: {  	[tilespmem:s25], [sflag:$0x1] =	stream.indirect.gather [hbm4b:s5+s22], $0x40, s19, s22, $0xb8;
	[tilespmem:$0x1F370] =	vst v63  }
0xe4: {  	s24 =	sadd.s32 $0xA178, s10  }
0xe5: {  	[tilespmem:s28], [sflag:$0x1] =	stream.indirect.gather [hbm4b:s5+s22], $0x40, s24, s22, $0xb8;
	[tilespmem:$0x1F370] =	vst v63  }
0xe6: {  	s10 =	sadd.s32 $0xA1F8, s10;
	s24 =	simm.s32 $0x3000  }
.LBB2_2:
0xe7: {  	[tilespmem:s30], [sflag:$0x1] =	stream.indirect.gather [hbm4b:s5+s22], $0x40, s10, s22, $0xb8;
	[tilespmem:$0x1F370] =	vst v63  }
0xe8: {  	s10 =	smov.u32 s24  }
0xe9: {  	p0 =	sne.s32 s24, $0xA000;
	s24 =	sadd.s32 $0x1000, s24;
	_ =	swait.ge [sflag:s31], $0x2000  }
0xea: {  	[sflag:s31] =	ssyncset.done $0x0  }
0xeb: {  	[sflag:s31] =	ssyncadd.s32 $0xFFFFE000  }
0xec: {  	_ =	swait.ge [sflag:s31], $0x2000  }
0xed: {  	[sflag:s31] =	ssyncset.done $0x0  }
0xee: {  	[sflag:s31] =	ssyncadd.s32 $0xFFFFE000  }
0xef: {  	_ =	swait.ge [sflag:s31], $0x2000  }
0xf0: {  	[sflag:s31] =	ssyncset.done $0x0  }
0xf1: {  	[sflag:s31] =	ssyncadd.s32 $0xFFFFE000  }
0xf2: {  	_ =	swait.ge [sflag:s31], $0x2000  }
0xf3: {  	s11 =	sshra.s32 s10, $0x2;
	[sflag:s31] =	ssyncset.done $0x0  }
0xf4: {  	s18 =	sadd.s32 $0xC478, s11;
	[sflag:s31] =	ssyncadd.s32 $0xFFFFE000  }
0xf5: {  	[spmem:s2] =	stream.indirect.scatter.add.bf16 [tilespmem:s23], [sflag:$0x3], $0x40, s18, s22, $0xb8;
	[tilespmem:$0x1F370] =	vst v63  }
0xf6: {  	s13 =	sadd.s32 $0xC4F8, s11  }
0xf7: {  	[spmem:s2] =	stream.indirect.scatter.add.bf16 [tilespmem:s25], [sflag:$0x3], $0x40, s13, s22, $0xb8;
	[tilespmem:$0x1F370] =	vst v63  }
0xf8: {  	s19 =	sadd.s32 $0xC578, s11  }
0xf9: {  	[spmem:s2] =	stream.indirect.scatter.add.bf16 [tilespmem:s28], [sflag:$0x3], $0x40, s19, s22, $0xb8;
	[tilespmem:$0x1F370] =	vst v63  }
0xfa: {  	s8 =	sadd.s32 $0xC5F8, s11  }
0xfb: {  	[spmem:s2] =	stream.indirect.scatter.add.bf16 [tilespmem:s30], [sflag:$0x3], $0x40, s8, s22, $0xb8;
	[tilespmem:$0x1F370] =	vst v63  }
0xfc: {  	_ = 	snop  }
0xfd: {  	[spmem:s3] =	stream.indirect.scatter.add.f32 [tilespmem:s21], [sflag:$0x5], $0x1, s18, s22, $0xb8;
	[tilespmem:$0x1F370] =	vst v63  }
0xfe: {  	_ = 	snop  }
0xff: {  	[spmem:s3] =	stream.indirect.scatter.add.f32 [tilespmem:s21], [sflag:$0x5], $0x1, s13, s22, $0xb8;
	[tilespmem:$0x1F370] =	vst v63  }
0x100: {  	_ = 	snop  }
0x101: {  	[spmem:s3] =	stream.indirect.scatter.add.f32 [tilespmem:s21], [sflag:$0x5], $0x1, s19, s22, $0xb8;
	[tilespmem:$0x1F370] =	vst v63  }
0x102: {  	_ = 	snop  }
0x103: {  	[spmem:s3] =	stream.indirect.scatter.add.f32 [tilespmem:s21], [sflag:$0x5], $0x1, s8, s22, $0xb8;
	[tilespmem:$0x1F370] =	vst v63  }
0x104: {  	_ =	swait.ge [sflag:s15], $0x2000  }
0x105: {  	[sflag:s15] =	ssyncset.done $0x0  }
0x106: {  	[sflag:s15] =	ssyncadd.s32 $0xFFFFE000  }
0x107: {  	_ =	swait.ge [sflag:s15], $0x2000  }
0x108: {  	[sflag:s15] =	ssyncset.done $0x0  }
0x109: {  	[sflag:s15] =	ssyncadd.s32 $0xFFFFE000  }
0x10a: {  	_ =	swait.ge [sflag:s15], $0x2000  }
0x10b: {  	[sflag:s15] =	ssyncset.done $0x0  }
0x10c: {  	[sflag:s15] =	ssyncadd.s32 $0xFFFFE000  }
0x10d: {  	_ =	swait.ge [sflag:s15], $0x2000  }
0x10e: {  	[sflag:s15] =	ssyncset.done $0x0  }
0x10f: {  	s8 =	sadd.s32 $0x9E78, s11;
	[sflag:s15] =	ssyncadd.s32 $0xFFFFE000  }
0x110: {  	[tilespmem:s29], [sflag:$0x2] =	stream.indirect.gather [hbm4b:s5+s22], $0x40, s8, s22, $0xb8;
	[tilespmem:$0x1F370] =	vst v63  }
0x111: {  	s8 =	sadd.s32 $0x9EF8, s11  }
0x112: {  	[tilespmem:s26], [sflag:$0x2] =	stream.indirect.gather [hbm4b:s5+s22], $0x40, s8, s22, $0xb8;
	[tilespmem:$0x1F370] =	vst v63  }
0x113: {  	s8 =	sadd.s32 $0x9F78, s11  }
0x114: {  	[tilespmem:s6], [sflag:$0x2] =	stream.indirect.gather [hbm4b:s5+s22], $0x40, s8, s22, $0xb8;
	[tilespmem:$0x1F370] =	vst v63  }
0x115: {  	s8 =	sadd.s32 $0x9FF8, s11  }
0x116: {  	[tilespmem:s7], [sflag:$0x2] =	stream.indirect.gather [hbm4b:s5+s22], $0x40, s8, s22, $0xb8;
	[tilespmem:$0x1F370] =	vst v63  }
0x117: {  	_ =	swait.ge [sflag:s9], $0x2000  }
0x118: {  	[sflag:s9] =	ssyncset.done $0x0  }
0x119: {  	[sflag:s9] =	ssyncadd.s32 $0xFFFFE000  }
0x11a: {  	_ =	swait.ge [sflag:s9], $0x2000  }
0x11b: {  	[sflag:s9] =	ssyncset.done $0x0  }
0x11c: {  	[sflag:s9] =	ssyncadd.s32 $0xFFFFE000  }
0x11d: {  	_ =	swait.ge [sflag:s9], $0x2000  }
0x11e: {  	[sflag:s9] =	ssyncset.done $0x0  }
0x11f: {  	[sflag:s9] =	ssyncadd.s32 $0xFFFFE000  }
0x120: {  	_ =	swait.ge [sflag:s9], $0x2000  }
0x121: {  	[sflag:s9] =	ssyncset.done $0x0  }
0x122: {  	s8 =	sadd.s32 $0xC678, s11;
	[sflag:s9] =	ssyncadd.s32 $0xFFFFE000  }
0x123: {  	[spmem:s2] =	stream.indirect.scatter.add.bf16 [tilespmem:s29], [sflag:$0x4], $0x40, s8, s22, $0xb8;
	[tilespmem:$0x1F370] =	vst v63  }
0x124: {  	s13 =	sadd.s32 $0xC6F8, s11  }
0x125: {  	[spmem:s2] =	stream.indirect.scatter.add.bf16 [tilespmem:s26], [sflag:$0x4], $0x40, s13, s22, $0xb8;
	[tilespmem:$0x1F370] =	vst v63  }
0x126: {  	s18 =	sadd.s32 $0xC778, s11  }
0x127: {  	[spmem:s2] =	stream.indirect.scatter.add.bf16 [tilespmem:s6], [sflag:$0x4], $0x40, s18, s22, $0xb8;
	[tilespmem:$0x1F370] =	vst v63  }
0x128: {  	s11 =	sadd.s32 $0xC7F8, s11  }
0x129: {  	[spmem:s2] =	stream.indirect.scatter.add.bf16 [tilespmem:s7], [sflag:$0x4], $0x40, s11, s22, $0xb8;
	[tilespmem:$0x1F370] =	vst v63  }
0x12a: {  	_ = 	snop  }
0x12b: {  	[spmem:s3] =	stream.indirect.scatter.add.f32 [tilespmem:s21], [sflag:$0x5], $0x1, s8, s22, $0xb8;
	[tilespmem:$0x1F370] =	vst v63  }
0x12c: {  	_ = 	snop  }
0x12d: {  	[spmem:s3] =	stream.indirect.scatter.add.f32 [tilespmem:s21], [sflag:$0x5], $0x1, s13, s22, $0xb8;
	[tilespmem:$0x1F370] =	vst v63  }
0x12e: {  	_ = 	snop  }
0x12f: {  	[spmem:s3] =	stream.indirect.scatter.add.f32 [tilespmem:s21], [sflag:$0x5], $0x1, s18, s22, $0xb8;
	[tilespmem:$0x1F370] =	vst v63  }
0x130: {  	_ = 	snop  }
0x131: {  	[spmem:s3] =	stream.indirect.scatter.add.f32 [tilespmem:s21], [sflag:$0x5], $0x1, s11, s22, $0xb8;
	[tilespmem:$0x1F370] =	vst v63  }
0x132: {  	_ =	swait.ge [sflag:s14], $0x2000  }
0x133: {  	[sflag:s14] =	ssyncset.done $0x0  }
0x134: {  	[sflag:s14] =	ssyncadd.s32 $0xFFFFE000  }
0x135: {  	_ =	swait.ge [sflag:s14], $0x2000  }
0x136: {  	[sflag:s14] =	ssyncset.done $0x0  }
0x137: {  	[sflag:s14] =	ssyncadd.s32 $0xFFFFE000  }
0x138: {  	_ =	swait.ge [sflag:s14], $0x2000  }
0x139: {  	[sflag:s14] =	ssyncset.done $0x0  }
0x13a: {  	p1 =	seq.s32 s10, $0xA000;
	[sflag:s14] =	ssyncadd.s32 $0xFFFFE000  }
0x13b: {  	s10 =	simm.s32 @p1 $0x0;
	_ =	swait.ge [sflag:s14], $0x2000  }
0x13c: {  	s8 =	sshra.s32 s10, $0x2;
	[sflag:s14] =	ssyncset.done $0x0  }
0x13d: {  	s10 =	sadd.s32 $0xA078, s8;
	[sflag:s14] =	ssyncadd.s32 $0xFFFFE000  }
0x13e: {  	[tilespmem:s23], [sflag:$0x1] =	stream.indirect.gather [hbm4b:s5+s22], $0x40, s10, s22, $0xb8;
	[tilespmem:$0x1F370] =	vst v63  }
.Ltmp0:
0x13f: {  	s10 =	sadd.s32 $0xA0F8, s8;
	(pc) =	sbr.rel @p0 .LBB2_2-.Ltmp0, $4  }
0x140: {  	[tilespmem:s25], [sflag:$0x1] =	stream.indirect.gather [hbm4b:s5+s22], $0x40, s10, s22, $0xb8;
	[tilespmem:$0x1F370] =	vst v63  }
0x141: {  	s10 =	sadd.s32 $0xA178, s8  }
0x142: {  	[tilespmem:s28], [sflag:$0x1] =	stream.indirect.gather [hbm4b:s5+s22], $0x40, s10, s22, $0xb8;
	[tilespmem:$0x1F370] =	vst v63  }
0x143: {  	s10 =	sadd.s32 $0xA1F8, s8  }
0x144: {  	[tilespmem:s30], [sflag:$0x1] =	stream.indirect.gather [hbm4b:s5+s22], $0x40, s10, s22, $0xb8;
	[tilespmem:$0x1F370] =	vst v63  }
0x145: {  	_ =	swait.ge [sflag:s31], $0x2000  }
0x146: {  	[sflag:s31] =	ssyncset.done $0x0  }
0x147: {  	[sflag:s31] =	ssyncadd.s32 $0xFFFFE000  }
0x148: {  	_ =	swait.ge [sflag:s31], $0x2000  }
0x149: {  	[sflag:s31] =	ssyncset.done $0x0  }
0x14a: {  	[sflag:s31] =	ssyncadd.s32 $0xFFFFE000  }
0x14b: {  	_ =	swait.ge [sflag:s31], $0x2000  }
0x14c: {  	[sflag:s31] =	ssyncset.done $0x0  }
0x14d: {  	[sflag:s31] =	ssyncadd.s32 $0xFFFFE000  }
0x14e: {  	_ =	swait.ge [sflag:s31], $0x2000  }
0x14f: {  	[sflag:s31] =	ssyncset.done $0x0  }
0x150: {  	[sflag:s31] =	ssyncadd.s32 $0xFFFFE000  }
0x151: {  	_ =	swait.ge [sflag:s15], $0x2000  }
0x152: {  	[sflag:s15] =	ssyncset.done $0x0  }
0x153: {  	[sflag:s15] =	ssyncadd.s32 $0xFFFFE000  }
0x154: {  	_ =	swait.ge [sflag:s15], $0x2000  }
0x155: {  	[sflag:s15] =	ssyncset.done $0x0  }
0x156: {  	[sflag:s15] =	ssyncadd.s32 $0xFFFFE000  }
0x157: {  	_ =	swait.ge [sflag:s15], $0x2000  }
0x158: {  	[sflag:s15] =	ssyncset.done $0x0  }
0x159: {  	[sflag:s15] =	ssyncadd.s32 $0xFFFFE000  }
0x15a: {  	_ =	swait.ge [sflag:s15], $0x2000  }
0x15b: {  	[sflag:s15] =	ssyncset.done $0x0  }
0x15c: {  	[sflag:s15] =	ssyncadd.s32 $0xFFFFE000  }
0x15d: {  	_ =	swait.ge [sflag:s1], $0x80  }
0x15e: {  	s10 =	simm.s32 $0x4F;
	[sflag:s1] =	ssyncset.done $0x0  }
.LBB2_4:
0x15f: {  	p0 =	sne.s32 s10, $0x1;
	s10 =	sadd.s32 $0xFFFFFFFF, s10;
	[sflag:s1] =	ssyncadd.s32 $0xFFFFFF80  }
.Ltmp1:
0x160: {  	(pc) =	sbr.rel @p0 .LBB2_4-.Ltmp1, $3  }
0x161: {  	_ =	sdelay $0x1  }
0x162: {  	_ =	swait.ge [sflag:s1], $0x80  }
0x163: {  	[sflag:s1] =	ssyncset.done $0x0  }
0x164: {  	[sflag:s1] =	ssyncadd.s32 $0xFFFFFF80  }
0x165: {  	[bflag:$0x0] =	sbarrier.arrive $0xFFFF  }
0x166: {  	s8 =	rddreg [dreg:$0xa]  }
0x167: {  	[hbm:s8], [sflag:s12] =	dma.local [spmem:s20], $0x13C0  }
0x168: {  	_ =	swait.ge [sflag:s17], $0x13C0  }
0x169: {  	[sflag:s17] =	ssyncset.done $0x0  }
0x16a: {  	s18 =	simm.s32 $0xF0F8;
	[sflag:s17] =	ssyncadd.s32 $0xFFFFEC40  }
0x16b: {  	[tilespmem:s18], [sflag:$0x6] =	stream.linear.gather [spmem:s16], $0x278, $0x38;
	[tilespmem:$0x1F370] =	vst v63  }
0x16c: {  	_ =	swait.ge [sflag:s17], $0x278  }
0x16d: {  	[sflag:s17] =	ssyncset.done $0x0  }
0x16e: {  	s11 =	smov.u32 s20;
	s20 =	rddreg [dreg:$0xb];
	[sflag:s17] =	ssyncadd.s32 $0xFFFFFD88  }
0x16f: {  	[hbm4b:s20+s4] =	stream.linear.scatter [tilespmem:s18], [sflag:$0x6], $0x278, $0x38;
	[tilespmem:$0x1F370] =	vst v63  }
0x170: {  	_ =	swait.ge [sflag:s17], $0x278  }
0x171: {  	s0 =	sadd.s32 $0x1, s0;
	s24 =	rddreg [dreg:$0xc]  }
0x172: {  	p0 =	sne.s32 s0, s24  }
.Ltmp2:
0x173: {  	_ = 	snop;
	(pc) =	sbr.rel @p0 .LBB2_1-.Ltmp2, $3  }
0x174: {  	_ =	sdelay $0x1  }
0x175: {  	[sflag:s17] =	ssyncset.done $0x0  }
0x176: {  	s10 =	smov.u32 s12;
	s13 =	smov.u32 s16;
	[sflag:s17] =	ssyncadd.s32 $0xFFFFFD88  }
0x177: {  	_ =	sfence.sel $0x180000  }
0x178: {  	[bflag:$0x0] =	sbarrier.arrive $0xFFFF  }
0x179: {  	_ =	strace $0x90000047  }
0x17a: {  	s0 =	stileid.u32;
	[bflag:$0x2] =	sbarrier.arrive $0xFFFF  }
0x17b: {  	p0 =	sne.s32 s0, $0x0;
	s0 =	rddreg [dreg:$0x4]  }
0x17c: {  	s0 =	sadd.s32 @!p0 $0x100000, s0  }
0x17d: {  	[sflag:s0] =	ssyncadd.tile.s32 @!p0 $0x1;
	_ =	shalt  }
.Lfunc_end2:
_tile_overlayer_lowered:
.L_overlay_start_2:
0x17e: {  	(tag) =	ssettag $0x2  }
0x17f: {  	s0 =	rddreg [dreg:$0x0];
	s2 =	stileid.u32  }
0x180: {  	s1 =	rddreg [dreg:$0x1];
	p0 =	sne.s32 s2, $0x0  }
0x181: {  	s3 =	rddreg [dreg:$0x2];
	[bflag:$0x3] =	sbarrier.arrive $0xFFFF;
	s2 =	simm.s32 @!p0 $0x1C06  }
0x182: {  	[timem:s3], [sflag:s2] =	dma.local @!p0 [hbm:s0], s1  }
0x183: {  	s0 =	simm.s32 @!p0 $0x6  }
0x184: {  	_ =	swait.ge @!p0 [sflag:s0], s1  }
0x185: {  	s1 =	ssub.s32 @!p0 $0x0, s1;
	[sflag:s0] =	ssyncset.done @!p0 $0x0  }
0x186: {  	[sflag:s0] =	ssyncadd.s32 @!p0 s1  }
0x187: {  	[bflag:$0x3] =	sbarrier.arrive $0xFFFF  }
0x188: {  	_ =	shalt  }

// kernel: kernel.9.cloned.1.call-start
scs
__scs_entry_jumppad:
0x0: {  	(pc) =	sbr.rel $0x88, $3  }
0x1: {  	(tag) =	ssettag $0x0;
	lr =	simm.s32 $0x1  }
0x2: {  	[smem:$0x3F97] =	sst lr;
	_ =	strace $0xD0000000  }
0x3: {  	_ = 	snop  }
0x4: {  	_ = 	snop  }
0x5: {  	_ = 	snop  }
0x6: {  	_ = 	snop  }
0x7: {  	_ = 	snop  }
__scs_overlays_trampoline_lowered:
0x8: {  	[smem:$0x3FA6] =	sst s0  }
0x9: {  	[smem:$0x3FA7] =	sst s1  }
0xa: {  	[smem:$0x3FA8] =	sst s2  }
0xb: {  	[smem:$0x3FA9] =	sst s3  }
0xc: {  	[smem:$0x3FAA] =	sst s4  }
0xd: {  	[smem:$0x3FAB] =	sst s5  }
0xe: {  	[smem:$0x3FAC] =	sst s6  }
0xf: {  	[smem:$0x3FAD] =	sst s7  }
0x10: {  	[smem:$0x3FAE] =	sst s8  }
0x11: {  	[smem:$0x3FAF] =	sst s9;
	s0 =	simm.s32 @!p0 $0x0  }
0x12: {  	s1 =	sld [smem:$0x3F95];
	s0 =	simm.s32 @p0 $0x1  }
0x13: {  	[smem:$0x3FB0] =	sst s0;
	s0 =	simm.s32 @!p1 $0x0  }
0x14: {  	s2 =	sld [smem:$0x3F94];
	s0 =	simm.s32 @p1 $0x1  }
0x15: {  	[smem:$0x3FB1] =	sst s0;
	s0 =	simm.s32 @!p2 $0x0  }
0x16: {  	s3 =	sld [smem:$0x3FDB];
	s0 =	simm.s32 @p2 $0x1  }
0x17: {  	s4 =	simm.s32 $0x1BF5;
	[smem:$0x3FB3] =	sst s0  }
0x18: {  	s0 =	sld [smem:$0x3F96];
	_ =	swait.ge [sflag:s4], $0x0  }
0x19: {  	s7 =	sld [smem:$0x3F97]  }
0x1a: {  	s8 =	sadd.s32 $0xFFFFE003, lr  }
0x1b: {  	s9 =	sadd.s32 $0xFFFFFEF7, lr;
	s5 =	simm.s32 $0xFFFFFFFF;
	p2 =	slt.u32 s8, $0xFFFFF086  }
0x1c: {  	p1 =	slt.u32 s9, $0xF7A;
	s5 =	simm.s32 @!p2 $0x0  }
0x1d: {  	s5 =	simm.s32 @p1 $0x1;
	p0 =	seq.s32 s7, s2  }
0x1e: {  	s7 =	smul.u32 @!p0 $0xF7A, s2;
	p2 =	seq.s32 @!p0 s5, $0x0  }
0x1f: {  	s9 =	smul.u32 $0xF7A, s1;
	s8 =	simm.s32 @!p0 $0x1BF5;
	p2 =	por !p2, p0  }
0x20: {  	[sflag:s8] =	ssyncset.s32 @!p0 $0xFFFFF086;
	s6 =	sadd.s32 @!p0 s3, s7;
	s7 =	simm.s32 @!p0 $0x108  }
0x21: {  	s3 =	sadd.s32 s3, s9;
	s6 =	sadd.s32 @!p0 $0x88, s6;
	s7 =	simm.s32 @p2 $0x1082  }
0x22: {  	[simem:s7], [sflag:s8] =	dma.local @!p0 [hbm:s6], $0xF7A  }
0x23: {  	s9 =	sor.u32 $0xD0000000, s2;
	s6 =	simm.s32 $0x108;
	_ =	swait.ge @!p0 [sflag:s8], $0x0  }
0x24: {  	s3 =	sadd.s32 $0x88, s3;
	s6 =	simm.s32 @!p1 $0x1082;
	[sflag:s4] =	ssyncset.s32 $0xFFFFF086  }
0x25: {  	[simem:s6], [sflag:s4] =	dma.local [hbm:s3], $0xF7A  }
0x26: {  	[smem:$0x3F97] =	sst s1;
	(tag) =	ssettag s2;
	_ =	strace s9  }
0x27: {  	s1 =	sld [smem:$0x3FA7]  }
0x28: {  	s2 =	sld [smem:$0x3FA8]  }
0x29: {  	s4 =	sld [smem:$0x3FAA]  }
0x2a: {  	p0 =	seq.s32 s5, $0x0;
	s5 =	sld [smem:$0x3FAB]  }
0x2b: {  	s6 =	sld [smem:$0x3FAC]  }
0x2c: {  	s7 =	sld [smem:$0x3FAD]  }
0x2d: {  	s3 =	simm.s32 $0x108;
	s8 =	sld [smem:$0x3FAE]  }
0x2e: {  	s3 =	simm.s32 @!p0 $0x1082;
	s9 =	sld [smem:$0x3FAF]  }
0x2f: {  	lr =	sadd.s32 s0, s3;
	s0 =	sld [smem:$0x3FA6]  }
0x30: {  	s3 =	sld [smem:$0x3FA9]  }
0x31: {  	[smem:$0x3FB2] =	sst s10  }
0x32: {  	s10 =	sld [smem:$0x3FB0];
	_ =	sdelay $0x3  }
0x33: {  	p0 =	seq.s32 s10, $0x1;
	s10 =	sld [smem:$0x3FB2];
	_ =	sdelay $0x3  }
0x34: {  	[smem:$0x3FB2] =	sst s10  }
0x35: {  	s10 =	sld [smem:$0x3FB1];
	_ =	sdelay $0x3  }
0x36: {  	p1 =	seq.s32 s10, $0x1;
	s10 =	sld [smem:$0x3FB2];
	_ =	sdelay $0x3  }
0x37: {  	[smem:$0x3FB2] =	sst s10  }
0x38: {  	s10 =	sld [smem:$0x3FB3]  }
0x39: {  	_ = 	snop;
	(pc) =	sbr.ind lr, $3  }
0x3a: {  	_ = 	snop  }
0x3b: {  	_ = 	snop  }
0x3c: {  	p2 =	seq.s32 s10, $0x1;
	s10 =	sld [smem:$0x3FB2]  }
0x3d: {  	_ =	shalt  }
0x3e: {  	_ =	shalt  }
0x3f: {  	_ =	shalt  }
0x40: {  	_ =	shalt  }
0x41: {  	_ =	shalt  }
0x42: {  	_ =	shalt  }
0x43: {  	_ =	shalt  }
0x44: {  	_ =	shalt  }
0x45: {  	_ =	shalt  }
0x46: {  	_ =	shalt  }
0x47: {  	_ =	shalt  }
0x48: {  	_ =	shalt  }
0x49: {  	_ =	shalt  }
0x4a: {  	_ =	shalt  }
0x4b: {  	_ =	shalt  }
0x4c: {  	_ =	shalt  }
0x4d: {  	_ =	shalt  }
0x4e: {  	_ =	shalt  }
0x4f: {  	_ =	shalt  }
0x50: {  	_ =	shalt  }
0x51: {  	_ =	shalt  }
0x52: {  	_ =	shalt  }
0x53: {  	_ =	shalt  }
0x54: {  	_ =	shalt  }
0x55: {  	_ =	shalt  }
0x56: {  	_ =	shalt  }
0x57: {  	_ =	shalt  }
0x58: {  	_ =	shalt  }
0x59: {  	_ =	shalt  }
0x5a: {  	_ =	shalt  }
0x5b: {  	_ =	shalt  }
0x5c: {  	_ =	shalt  }
0x5d: {  	_ =	shalt  }
0x5e: {  	_ =	shalt  }
0x5f: {  	_ =	shalt  }
0x60: {  	_ =	shalt  }
0x61: {  	_ =	shalt  }
0x62: {  	_ =	shalt  }
0x63: {  	_ =	shalt  }
0x64: {  	_ =	shalt  }
0x65: {  	_ =	shalt  }
0x66: {  	_ =	shalt  }
0x67: {  	_ =	shalt  }
0x68: {  	_ =	shalt  }
0x69: {  	_ =	shalt  }
0x6a: {  	_ =	shalt  }
0x6b: {  	_ =	shalt  }
0x6c: {  	_ =	shalt  }
0x6d: {  	_ =	shalt  }
0x6e: {  	_ =	shalt  }
0x6f: {  	_ =	shalt  }
0x70: {  	_ =	shalt  }
0x71: {  	_ =	shalt  }
0x72: {  	_ =	shalt  }
0x73: {  	_ =	shalt  }
0x74: {  	_ =	shalt  }
0x75: {  	_ =	shalt  }
0x76: {  	_ =	shalt  }
0x77: {  	_ =	shalt  }
0x78: {  	_ =	shalt  }
0x79: {  	_ =	shalt  }
0x7a: {  	_ =	shalt  }
0x7b: {  	_ =	shalt  }
0x7c: {  	_ =	shalt  }
0x7d: {  	_ =	shalt  }
0x7e: {  	_ =	shalt  }
0x7f: {  	_ =	shalt  }
0x80: {  	_ =	shalt  }
0x81: {  	_ =	shalt  }
0x82: {  	_ =	shalt  }
0x83: {  	_ =	shalt  }
0x84: {  	_ =	shalt  }
0x85: {  	_ =	shalt  }
0x86: {  	_ =	shalt  }
0x87: {  	_ =	shalt  }
.Lfunc_end0:
.L_simem_size_0:
called_computation.1_lowered:
.L_overlay_start_0:
0x88: {  	s2 =	sld [smem:$0x3FD9]  }
0x89: {  	s3 =	sld [smem:$0x3FFE];
	_ =	sdelay $0x1  }
0x8a: {  	s1 =	srdreg.scid  }
0x8b: {  	s0 =	sand.u32 $0x1, s1  }
0x8c: {  	s16 =	sshll.u32 s0, $0xA;
	s2 =	sadd.s32 s3, s2  }
0x8d: {  	s2 =	sadd.s32 s2, s16  }
0x8e: {  	[smem:$0x3FBE] =	sst s2  }
0x8f: {  	_ = 	snop  }
0x90: {  	(tm) =	ssettm $0x1  }
0x91: {  	s17 =	sld [smem:$0x3FFB];
	_ =	sdelay $0x3  }
0x92: {  	_ =	strace s17  }
0x93: {  	s2 =	sld [smem:$0x3FFC];
	_ =	sdelay $0x3  }
0x94: {  	_ =	strace s2  }
0x95: {  	s2 =	sld [smem:$0x3FFD];
	_ =	sdelay $0x3  }
0x96: {  	_ =	strace s2  }
0x97: {  	_ =	strace $0x8FFFFFFF  }
0x98: {  	s18 =	sld [smem:$0x3FDB];
	_ =	sdelay $0x1  }
0x99: {  	s19 =	simm.s32 $_scs_section_size  }
0x9a: {  	s4 =	simm.s32 $_size__tile_overlayer_lowered;
	s5 =	simm.s32 $_tile_overlayer_lowered  }
0x9b: {  	s22 =	simm.s32 $0x1BFF;
	s21 =	sshll.u32 s5, $0x1;
	s2 =	sadd.s32 s19, s18  }
0x9c: {  	s6 =	simm.s32 $0x0;
	s20 =	sshll.u32 s4, $0x1;
	s4 =	sadd.s32 s21, s2  }
0x9d: {  	[timem:s6], [sflag:s22] =	dma.local [hbm:s4], s20  }
0x9e: {  	_ =	swait.ge [sflag:s22], s20  }
0x9f: {  	s3 =	ssub.s32 $0x0, s20;
	[sflag:s22] =	ssyncset.done $0x0  }
0xa0: {  	[sflag:s22] =	ssyncadd.s32 s3;
	_ =	sdelay $0x1  }
0xa1: {  	s23 =	simm.s32 $0x1B8B  }
0xa2: {  	_ =	swait.ge [sflag:s23], $0x1  }
0xa3: {  	[sflag:s23] =	ssyncset.done $0x0  }
0xa4: {  	s25 =	simm.s32 $0x1B8E;
	s24 =	sld [smem:$0x3FFE];
	[sflag:s23] =	ssyncadd.s32 $0xFFFFFFFF  }
0xa5: {  	s26 =	simm.s32 $execute0_lowered;
	[smem:$0x3FD2] =	sst s25  }
0xa6: {  	s4 =	sshll.u32 s26, $0x1;
	_ =	strace $0x80000049;
	[dreg:$0x1] =	wrdreg $0xFFFFFFFF  }
0xa7: {  	s28 =	simm.s32 $_size_execute0_lowered;
	s2 =	sadd.s32 s2, s4;
	[dreg:$0x0] =	wrdreg $0x0  }
0xa8: {  	s4 =	sshll.u32 s28, $0x1;
	[dreg:$0x2] =	wrdreg s2  }
0xa9: {  	[dreg:$0x3] =	wrdreg s4  }
0xaa: {  	[dreg:$0x4] =	wrdreg $0xC0  }
0xab: {  	_ =	task [dreg:s6], $0x5FFFF  }
0xac: {  	[dreg:$0x1] =	wrdreg $0xFFFFFFFF  }
0xad: {  	[dreg:$0x0] =	wrdreg $0x60  }
0xae: {  	[dreg:$0x2] =	wrdreg s24  }
0xaf: {  	[dreg:$0x3] =	wrdreg $0x0  }
0xb0: {  	[dreg:$0x4] =	wrdreg $0x9  }
0xb1: {  	_ =	task.clear_ibuf [dreg:s6], $0x5FFFF;
	_ =	strace $0x90000049  }
0xb2: {  	s29 =	simm.s32 $0x9;
	_ =	strace $0x8000004B  }
0xb3: {  	_ =	swait.ge [sflag:s29], $0x1  }
0xb4: {  	[sflag:s29] =	ssyncadd.s32 $0xFFFFFFFF  }
0xb5: {  	_ =	strace $0x9000004B  }
0xb6: {  	_ =	sfence  }
0xb7: {  	s30 =	sld [smem:$0x0];
	_ =	sdelay $0x2  }
0xb8: {  	s31 =	sshll.u32 s1, $0xD;
	s1 =	sshrl.u32 s1, $0x2  }
0xb9: {  	s3 =	sand.u32 $0x4000, s31;
	s1 =	sadd.s32 s1, s30  }
0xba: {  	s0 =	sor.u32 s3, s0;
	s1 =	sshll.u32 s1, $0x11  }
0xbb: {  	s0 =	sor.u32 s1, s0  }
0xbc: {  	s0 =	sadd.s32 $0x8F2B, s0  }
0xbd: {  	[sflag:s0] =	ssyncadd.remote.s32 $0x1  }
0xbe: {  	_ =	sfence.sel $0xFFFF  }
0xbf: {  	[dreg:$0x0] =	wrdreg $0xFFFFFFFF;
	(pc) =	sbr.abs _section_cstart, $3  }
0xc0: {  	[dreg:$0x1] =	wrdreg $0xFFFFFFFF  }
0xc1: {  	_ =	task.clear_ibuf [dreg:s6], $0x2FFFF;
	_ =	strace $0x9FFFFFFF  }
0xc2: {  	(tm) =	ssettm $0x7FFFFFFF  }
0xc3: {  	_ =	shalt  }
tec
execute0_lowered:
.L_overlay_start_1:
0x0: {  	(tag) =	ssettag $0x1  }
0x1: {  	s0 =	srdreg.scid  }
0x2: {  	s8 =	stileid.u32;
	s3 =	rddreg [dreg:$0x0]  }
0x3: {  	s2 =	rddreg [dreg:$0x1];
	s4 =	simm.s32 $0x0;
	s12 =	simm.s32 $0x5  }
0x4: {  	s13 =	simm.s32 $0x9E00;
	s14 =	simm.s32 $0xC600;
	s15 =	simm.s32 $0x80  }
0x5: {  	s16 =	simm.s32 $0xEE00;
	s17 =	simm.s32 $0x9E80;
	s18 =	simm.s32 $0x10E00  }
0x6: {  	s19 =	simm.s32 $0x9F00;
	s20 =	simm.s32 $0x12E00;
	s21 =	simm.s32 $0x9F80  }
0x7: {  	s22 =	simm.s32 $0x14E00;
	s23 =	simm.s32 $0x1;
	s29 =	simm.s32 $0x16E00  }
0x8: {  	s31 =	simm.s32 $0x18E00;
	s28 =	simm.s32 $0x3;
	s24 =	simm.s32 $0x0  }
0x9: {  	s0 =	sand.u32 $0x1, s0;
	s5 =	smul.u32 $0x13C00, s8;
	[smem:$0x7FF] =	sst s4  }
0xa: {  	s4 =	sadd.s32 $0x15E00, s3;
	s26 =	sshll.u32 s8, $0x6;
	s1 =	sshll.u32 s0, $0x4  }
0xb: {  	s6 =	smul.u32 $0x13C000, s0;
	_ =	strace $0x8000004A;
	s0 =	ssub.s32 $0x2, s0  }
0xc: {  	s1 =	sor.u32 s8, s1;
	s7 =	sshrl.u32 s5, $0x4;
	s25 =	sshrl.u32 s0, $0x1  }
0xd: {  	s1 =	smul.u32 $0x500, s1;
	s6 =	sadd.s32 s5, s6;
	s7 =	sadd.s32 s7, s3  }
0xe: {  	s5 =	sshrl.u32 s5, $0x1;
	s0 =	ssub.s32 s0, s25;
	s25 =	simm.s32 $0x1CE00  }
0xf: {  	s6 =	sshrl.u32 s6, $0x4;
	s11 =	sadd.s32 s5, s2;
	s30 =	sadd.s32 $0x2200, s7  }
0x10: {  	s10 =	smax.u32 s0, $0x1;
	s0 =	simm.s32 $0x1AE00;
	s1 =	sadd.s32 s1, s3  }
0x11: {  	s3 =	sadd.s32 s6, s3;
	[dreg:$0x3] =	wrdreg s30;
	s6 =	sor.u32 $0x1C05, s26  }
0x12: {  	s11 =	sshrl.u32 s11, $0x3;
	s26 =	simm.s32 $0x2;
	s7 =	sadd.s32 $0x33800, s1  }
0x13: {  	s8 =	sadd.s32 $0x29800, s1;
	s9 =	sadd.s32 $0x3D800, s3;
	s1 =	simm.s32 $0x4  }
.LBB2_1:
0x14: {  	s3 =	rddreg [dreg:$0x3]  }
0x15: {  	[spmem:s11], [sflag:s6] =	dma.local [hbm:s3], $0x13C0  }
0x16: {  	_ =	swait.ge [sflag:s12], $0x13C0  }
0x17: {  	[sflag:s12] =	ssyncset.done $0x0  }
0x18: {  	s5 =	simm.s32 $0x0;
	[sflag:s12] =	ssyncadd.s32 $0xFFFFEC40  }
0x19: {  	[tilespmem:s13], [sflag:$0x5] =	stream.linear.gather [hbm4b:s7+s5], $0x2800, $0x38;
	[tilespmem:$0x1EE00] =	vst v63  }
0x1a: {  	_ =	swait.ge [sflag:s12], $0x2800  }
0x1b: {  	[sflag:s12] =	ssyncset.done $0x0  }
0x1c: {  	[sflag:s12] =	ssyncadd.s32 $0xFFFFD800  }
0x1d: {  	[tilespmem:s14], [sflag:$0x5] =	stream.linear.gather [hbm4b:s8+s5], $0x2800, $0x38;
	[tilespmem:$0x1EE00] =	vst v63  }
0x1e: {  	_ =	swait.ge [sflag:s12], $0x2800  }
0x1f: {  	[sflag:s12] =	ssyncset.done $0x0  }
0x20: {  	[sflag:s12] =	ssyncadd.s32 $0xFFFFD800  }
0x21: {  	[bflag:$0x0] =	sbarrier.arrive $0xFFFF  }
0x22: {  	[tilespmem:s16], [sflag:$0x1] =	stream.indirect.gather [hbm4b:s4+s15], $0x40, s13, s15, $0xb8;
	[tilespmem:$0x1EE00] =	vst v63  }
0x23: {  	_ = 	snop  }
0x24: {  	[tilespmem:s18], [sflag:$0x1] =	stream.indirect.gather [hbm4b:s4+s15], $0x40, s17, s15, $0xb8;
	[tilespmem:$0x1EE00] =	vst v63  }
0x25: {  	_ = 	snop  }
0x26: {  	[tilespmem:s20], [sflag:$0x1] =	stream.indirect.gather [hbm4b:s4+s15], $0x40, s19, s15, $0xb8;
	[tilespmem:$0x1EE00] =	vst v63  }
0x27: {  	_ = 	snop  }
0x28: {  	[tilespmem:s22], [sflag:$0x1] =	stream.indirect.gather [hbm4b:s4+s15], $0x40, s21, s15, $0xb8;
	[tilespmem:$0x1EE00] =	vst v63  }
0x29: {  	_ =	swait.ge [sflag:s23], $0x2000  }
0x2a: {  	[sflag:s23] =	ssyncset.done $0x0  }
0x2b: {  	[sflag:s23] =	ssyncadd.s32 $0xFFFFE000  }
0x2c: {  	_ =	swait.ge [sflag:s23], $0x2000  }
0x2d: {  	[sflag:s23] =	ssyncset.done $0x0  }
0x2e: {  	[sflag:s23] =	ssyncadd.s32 $0xFFFFE000  }
0x2f: {  	_ =	swait.ge [sflag:s23], $0x2000  }
0x30: {  	[sflag:s23] =	ssyncset.done $0x0  }
0x31: {  	[sflag:s23] =	ssyncadd.s32 $0xFFFFE000  }
0x32: {  	_ =	swait.ge [sflag:s23], $0x2000  }
0x33: {  	[sflag:s23] =	ssyncset.done $0x0  }
0x34: {  	[sflag:s23] =	ssyncadd.s32 $0xFFFFE000  }
0x35: {  	[spmem:s2] =	stream.indirect.scatter.add.bf16 [tilespmem:s16], [sflag:$0x3], $0x40, s14, s15, $0xb8;
	[tilespmem:$0x1EE00] =	vst v63  }
0x36: {  	s5 =	simm.s32 $0xC680  }
0x37: {  	[spmem:s2] =	stream.indirect.scatter.add.bf16 [tilespmem:s18], [sflag:$0x3], $0x40, s5, s15, $0xb8;
	[tilespmem:$0x1EE00] =	vst v63  }
0x38: {  	s5 =	simm.s32 $0xC700  }
0x39: {  	[spmem:s2] =	stream.indirect.scatter.add.bf16 [tilespmem:s20], [sflag:$0x3], $0x40, s5, s15, $0xb8;
	[tilespmem:$0x1EE00] =	vst v63  }
0x3a: {  	s5 =	simm.s32 $0xC780  }
0x3b: {  	[spmem:s2] =	stream.indirect.scatter.add.bf16 [tilespmem:s22], [sflag:$0x3], $0x40, s5, s15, $0xb8;
	[tilespmem:$0x1EE00] =	vst v63  }
0x3c: {  	s5 =	simm.s32 $0xA000  }
0x3d: {  	[tilespmem:s29], [sflag:$0x2] =	stream.indirect.gather [hbm4b:s4+s15], $0x40, s5, s15, $0xb8;
	[tilespmem:$0x1EE00] =	vst v63  }
0x3e: {  	s5 =	simm.s32 $0xA080  }
0x3f: {  	[tilespmem:s31], [sflag:$0x2] =	stream.indirect.gather [hbm4b:s4+s15], $0x40, s5, s15, $0xb8;
	[tilespmem:$0x1EE00] =	vst v63  }
0x40: {  	s5 =	simm.s32 $0xA100  }
0x41: {  	[tilespmem:s0], [sflag:$0x2] =	stream.indirect.gather [hbm4b:s4+s15], $0x40, s5, s15, $0xb8;
	[tilespmem:$0x1EE00] =	vst v63  }
0x42: {  	s5 =	simm.s32 $0xA180  }
0x43: {  	[tilespmem:s25], [sflag:$0x2] =	stream.indirect.gather [hbm4b:s4+s15], $0x40, s5, s15, $0xb8;
	[tilespmem:$0x1EE00] =	vst v63  }
0x44: {  	_ =	swait.ge [sflag:s26], $0x2000  }
0x45: {  	[sflag:s26] =	ssyncset.done $0x0  }
0x46: {  	[sflag:s26] =	ssyncadd.s32 $0xFFFFE000  }
0x47: {  	_ =	swait.ge [sflag:s26], $0x2000  }
0x48: {  	[sflag:s26] =	ssyncset.done $0x0  }
0x49: {  	[sflag:s26] =	ssyncadd.s32 $0xFFFFE000  }
0x4a: {  	_ =	swait.ge [sflag:s26], $0x2000  }
0x4b: {  	[sflag:s26] =	ssyncset.done $0x0  }
0x4c: {  	[sflag:s26] =	ssyncadd.s32 $0xFFFFE000  }
0x4d: {  	_ =	swait.ge [sflag:s26], $0x2000  }
0x4e: {  	[sflag:s26] =	ssyncset.done $0x0  }
0x4f: {  	s5 =	simm.s32 $0xC800;
	[sflag:s26] =	ssyncadd.s32 $0xFFFFE000  }
0x50: {  	[spmem:s2] =	stream.indirect.scatter.add.bf16 [tilespmem:s29], [sflag:$0x4], $0x40, s5, s15, $0xb8;
	[tilespmem:$0x1EE00] =	vst v63  }
0x51: {  	s5 =	simm.s32 $0xC880  }
0x52: {  	[spmem:s2] =	stream.indirect.scatter.add.bf16 [tilespmem:s31], [sflag:$0x4], $0x40, s5, s15, $0xb8;
	[tilespmem:$0x1EE00] =	vst v63  }
0x53: {  	s5 =	simm.s32 $0xC900  }
0x54: {  	[spmem:s2] =	stream.indirect.scatter.add.bf16 [tilespmem:s0], [sflag:$0x4], $0x40, s5, s15, $0xb8;
	[tilespmem:$0x1EE00] =	vst v63  }
0x55: {  	s5 =	simm.s32 $0xC980  }
0x56: {  	[spmem:s2] =	stream.indirect.scatter.add.bf16 [tilespmem:s25], [sflag:$0x4], $0x40, s5, s15, $0xb8;
	[tilespmem:$0x1EE00] =	vst v63  }
0x57: {  	_ =	swait.ge [sflag:s28], $0x2000  }
0x58: {  	[sflag:s28] =	ssyncset.done $0x0  }
0x59: {  	[sflag:s28] =	ssyncadd.s32 $0xFFFFE000  }
0x5a: {  	_ =	swait.ge [sflag:s28], $0x2000  }
0x5b: {  	[sflag:s28] =	ssyncset.done $0x0  }
0x5c: {  	[sflag:s28] =	ssyncadd.s32 $0xFFFFE000  }
0x5d: {  	_ =	swait.ge [sflag:s28], $0x2000  }
0x5e: {  	[sflag:s28] =	ssyncset.done $0x0  }
0x5f: {  	[sflag:s28] =	ssyncadd.s32 $0xFFFFE000  }
0x60: {  	_ =	swait.ge [sflag:s28], $0x2000  }
0x61: {  	[sflag:s28] =	ssyncset.done $0x0  }
0x62: {  	s5 =	simm.s32 $0xA200;
	[sflag:s28] =	ssyncadd.s32 $0xFFFFE000  }
0x63: {  	[tilespmem:s16], [sflag:$0x1] =	stream.indirect.gather [hbm4b:s4+s15], $0x40, s5, s15, $0xb8;
	[tilespmem:$0x1EE00] =	vst v63  }
0x64: {  	s5 =	simm.s32 $0xA280  }
0x65: {  	[tilespmem:s18], [sflag:$0x1] =	stream.indirect.gather [hbm4b:s4+s15], $0x40, s5, s15, $0xb8;
	[tilespmem:$0x1EE00] =	vst v63  }
0x66: {  	s5 =	simm.s32 $0xA300  }
0x67: {  	[tilespmem:s20], [sflag:$0x1] =	stream.indirect.gather [hbm4b:s4+s15], $0x40, s5, s15, $0xb8;
	[tilespmem:$0x1EE00] =	vst v63  }
0x68: {  	s5 =	simm.s32 $0xA380  }
0x69: {  	[tilespmem:s22], [sflag:$0x1] =	stream.indirect.gather [hbm4b:s4+s15], $0x40, s5, s15, $0xb8;
	[tilespmem:$0x1EE00] =	vst v63  }
0x6a: {  	_ =	swait.ge [sflag:s23], $0x2000  }
0x6b: {  	[sflag:s23] =	ssyncset.done $0x0  }
0x6c: {  	[sflag:s23] =	ssyncadd.s32 $0xFFFFE000  }
0x6d: {  	_ =	swait.ge [sflag:s23], $0x2000  }
0x6e: {  	[sflag:s23] =	ssyncset.done $0x0  }
0x6f: {  	[sflag:s23] =	ssyncadd.s32 $0xFFFFE000  }
0x70: {  	_ =	swait.ge [sflag:s23], $0x2000  }
0x71: {  	[sflag:s23] =	ssyncset.done $0x0  }
0x72: {  	[sflag:s23] =	ssyncadd.s32 $0xFFFFE000  }
0x73: {  	_ =	swait.ge [sflag:s23], $0x2000  }
0x74: {  	[sflag:s23] =	ssyncset.done $0x0  }
0x75: {  	s5 =	simm.s32 $0xCA00;
	[sflag:s23] =	ssyncadd.s32 $0xFFFFE000  }
0x76: {  	[spmem:s2] =	stream.indirect.scatter.add.bf16 [tilespmem:s16], [sflag:$0x3], $0x40, s5, s15, $0xb8;
	[tilespmem:$0x1EE00] =	vst v63  }
0x77: {  	s5 =	simm.s32 $0xCA80  }
0x78: {  	[spmem:s2] =	stream.indirect.scatter.add.bf16 [tilespmem:s18], [sflag:$0x3], $0x40, s5, s15, $0xb8;
	[tilespmem:$0x1EE00] =	vst v63  }
0x79: {  	s5 =	simm.s32 $0xCB00  }
0x7a: {  	[spmem:s2] =	stream.indirect.scatter.add.bf16 [tilespmem:s20], [sflag:$0x3], $0x40, s5, s15, $0xb8;
	[tilespmem:$0x1EE00] =	vst v63  }
0x7b: {  	s5 =	simm.s32 $0xCB80  }
0x7c: {  	[spmem:s2] =	stream.indirect.scatter.add.bf16 [tilespmem:s22], [sflag:$0x3], $0x40, s5, s15, $0xb8;
	[tilespmem:$0x1EE00] =	vst v63  }
0x7d: {  	_ =	swait.ge [sflag:s1], $0x2000  }
0x7e: {  	[sflag:s1] =	ssyncset.done $0x0  }
0x7f: {  	[sflag:s1] =	ssyncadd.s32 $0xFFFFE000  }
0x80: {  	_ =	swait.ge [sflag:s1], $0x2000  }
0x81: {  	[sflag:s1] =	ssyncset.done $0x0  }
0x82: {  	[sflag:s1] =	ssyncadd.s32 $0xFFFFE000  }
0x83: {  	_ =	swait.ge [sflag:s1], $0x2000  }
0x84: {  	[sflag:s1] =	ssyncset.done $0x0  }
0x85: {  	[sflag:s1] =	ssyncadd.s32 $0xFFFFE000  }
0x86: {  	_ =	swait.ge [sflag:s1], $0x2000  }
0x87: {  	[sflag:s1] =	ssyncset.done $0x0  }
0x88: {  	s5 =	simm.s32 $0xA400;
	[sflag:s1] =	ssyncadd.s32 $0xFFFFE000  }
0x89: {  	[tilespmem:s29], [sflag:$0x2] =	stream.indirect.gather [hbm4b:s4+s15], $0x40, s5, s15, $0xb8;
	[tilespmem:$0x1EE00] =	vst v63  }
0x8a: {  	s5 =	simm.s32 $0xA480  }
0x8b: {  	[tilespmem:s31], [sflag:$0x2] =	stream.indirect.gather [hbm4b:s4+s15], $0x40, s5, s15, $0xb8;
	[tilespmem:$0x1EE00] =	vst v63  }
0x8c: {  	s5 =	simm.s32 $0xA500  }
0x8d: {  	[tilespmem:s0], [sflag:$0x2] =	stream.indirect.gather [hbm4b:s4+s15], $0x40, s5, s15, $0xb8;
	[tilespmem:$0x1EE00] =	vst v63  }
0x8e: {  	s5 =	simm.s32 $0xA580  }
0x8f: {  	[tilespmem:s25], [sflag:$0x2] =	stream.indirect.gather [hbm4b:s4+s15], $0x40, s5, s15, $0xb8;
	[tilespmem:$0x1EE00] =	vst v63  }
0x90: {  	_ =	swait.ge [sflag:s26], $0x2000  }
0x91: {  	[sflag:s26] =	ssyncset.done $0x0  }
0x92: {  	[sflag:s26] =	ssyncadd.s32 $0xFFFFE000  }
0x93: {  	_ =	swait.ge [sflag:s26], $0x2000  }
0x94: {  	[sflag:s26] =	ssyncset.done $0x0  }
0x95: {  	[sflag:s26] =	ssyncadd.s32 $0xFFFFE000  }
0x96: {  	_ =	swait.ge [sflag:s26], $0x2000  }
0x97: {  	[sflag:s26] =	ssyncset.done $0x0  }
0x98: {  	[sflag:s26] =	ssyncadd.s32 $0xFFFFE000  }
0x99: {  	_ =	swait.ge [sflag:s26], $0x2000  }
0x9a: {  	[sflag:s26] =	ssyncset.done $0x0  }
0x9b: {  	s5 =	simm.s32 $0xCC00;
	[sflag:s26] =	ssyncadd.s32 $0xFFFFE000  }
0x9c: {  	[spmem:s2] =	stream.indirect.scatter.add.bf16 [tilespmem:s29], [sflag:$0x4], $0x40, s5, s15, $0xb8;
	[tilespmem:$0x1EE00] =	vst v63  }
0x9d: {  	s5 =	simm.s32 $0xCC80  }
0x9e: {  	[spmem:s2] =	stream.indirect.scatter.add.bf16 [tilespmem:s31], [sflag:$0x4], $0x40, s5, s15, $0xb8;
	[tilespmem:$0x1EE00] =	vst v63  }
0x9f: {  	s5 =	simm.s32 $0xCD00  }
0xa0: {  	[spmem:s2] =	stream.indirect.scatter.add.bf16 [tilespmem:s0], [sflag:$0x4], $0x40, s5, s15, $0xb8;
	[tilespmem:$0x1EE00] =	vst v63  }
0xa1: {  	s5 =	simm.s32 $0xCD80  }
0xa2: {  	[spmem:s2] =	stream.indirect.scatter.add.bf16 [tilespmem:s25], [sflag:$0x4], $0x40, s5, s15, $0xb8;
	[tilespmem:$0x1EE00] =	vst v63  }
0xa3: {  	_ =	swait.ge [sflag:s28], $0x2000  }
0xa4: {  	[sflag:s28] =	ssyncset.done $0x0  }
0xa5: {  	[sflag:s28] =	ssyncadd.s32 $0xFFFFE000  }
0xa6: {  	_ =	swait.ge [sflag:s28], $0x2000  }
0xa7: {  	[sflag:s28] =	ssyncset.done $0x0  }
0xa8: {  	[sflag:s28] =	ssyncadd.s32 $0xFFFFE000  }
0xa9: {  	_ =	swait.ge [sflag:s28], $0x2000  }
0xaa: {  	[sflag:s28] =	ssyncset.done $0x0  }
0xab: {  	[sflag:s28] =	ssyncadd.s32 $0xFFFFE000  }
0xac: {  	_ =	swait.ge [sflag:s28], $0x2000  }
0xad: {  	[sflag:s28] =	ssyncset.done $0x0  }
0xae: {  	s5 =	simm.s32 $0xA600;
	[sflag:s28] =	ssyncadd.s32 $0xFFFFE000  }
0xaf: {  	[tilespmem:s16], [sflag:$0x1] =	stream.indirect.gather [hbm4b:s4+s15], $0x40, s5, s15, $0xb8;
	[tilespmem:$0x1EE00] =	vst v63  }
0xb0: {  	s5 =	simm.s32 $0xA680  }
0xb1: {  	[tilespmem:s18], [sflag:$0x1] =	stream.indirect.gather [hbm4b:s4+s15], $0x40, s5, s15, $0xb8;
	[tilespmem:$0x1EE00] =	vst v63  }
0xb2: {  	s30 =	simm.s32 $0x1000;
	s3 =	simm.s32 $0xA780;
	s5 =	simm.s32 $0xA700  }
0xb3: {  	[tilespmem:s20], [sflag:$0x1] =	stream.indirect.gather [hbm4b:s4+s15], $0x40, s5, s15, $0xb8;
	[tilespmem:$0x1EE00] =	vst v63  }
.LBB2_2:
0xb4: {  	[tilespmem:s22], [sflag:$0x1] =	stream.indirect.gather [hbm4b:s4+s15], $0x40, s3, s15, $0xb8;
	[tilespmem:$0x1EE00] =	vst v63  }
0xb5: {  	s3 =	smov.u32 s30  }
0xb6: {  	p0 =	sne.s32 s30, $0x7000;
	s30 =	sadd.s32 $0x1000, s30;
	_ =	swait.ge [sflag:s23], $0x2000  }
0xb7: {  	[sflag:s23] =	ssyncset.done $0x0  }
0xb8: {  	[sflag:s23] =	ssyncadd.s32 $0xFFFFE000  }
0xb9: {  	_ =	swait.ge [sflag:s23], $0x2000  }
0xba: {  	[sflag:s23] =	ssyncset.done $0x0  }
0xbb: {  	[sflag:s23] =	ssyncadd.s32 $0xFFFFE000  }
0xbc: {  	_ =	swait.ge [sflag:s23], $0x2000  }
0xbd: {  	[sflag:s23] =	ssyncset.done $0x0  }
0xbe: {  	[sflag:s23] =	ssyncadd.s32 $0xFFFFE000  }
0xbf: {  	_ =	swait.ge [sflag:s23], $0x2000  }
0xc0: {  	s3 =	sshra.s32 s3, $0x2;
	[sflag:s23] =	ssyncset.done $0x0  }
0xc1: {  	s5 =	sadd.s32 $0xCA00, s3;
	[sflag:s23] =	ssyncadd.s32 $0xFFFFE000  }
0xc2: {  	[spmem:s2] =	stream.indirect.scatter.add.bf16 [tilespmem:s16], [sflag:$0x3], $0x40, s5, s15, $0xb8;
	[tilespmem:$0x1EE00] =	vst v63  }
0xc3: {  	s5 =	sadd.s32 $0xCA80, s3  }
0xc4: {  	[spmem:s2] =	stream.indirect.scatter.add.bf16 [tilespmem:s18], [sflag:$0x3], $0x40, s5, s15, $0xb8;
	[tilespmem:$0x1EE00] =	vst v63  }
0xc5: {  	s5 =	sadd.s32 $0xCB00, s3  }
0xc6: {  	[spmem:s2] =	stream.indirect.scatter.add.bf16 [tilespmem:s20], [sflag:$0x3], $0x40, s5, s15, $0xb8;
	[tilespmem:$0x1EE00] =	vst v63  }
0xc7: {  	s5 =	sadd.s32 $0xCB80, s3  }
0xc8: {  	[spmem:s2] =	stream.indirect.scatter.add.bf16 [tilespmem:s22], [sflag:$0x3], $0x40, s5, s15, $0xb8;
	[tilespmem:$0x1EE00] =	vst v63  }
0xc9: {  	_ =	swait.ge [sflag:s1], $0x2000  }
0xca: {  	[sflag:s1] =	ssyncset.done $0x0  }
0xcb: {  	[sflag:s1] =	ssyncadd.s32 $0xFFFFE000  }
0xcc: {  	_ =	swait.ge [sflag:s1], $0x2000  }
0xcd: {  	[sflag:s1] =	ssyncset.done $0x0  }
0xce: {  	[sflag:s1] =	ssyncadd.s32 $0xFFFFE000  }
0xcf: {  	_ =	swait.ge [sflag:s1], $0x2000  }
0xd0: {  	[sflag:s1] =	ssyncset.done $0x0  }
0xd1: {  	[sflag:s1] =	ssyncadd.s32 $0xFFFFE000  }
0xd2: {  	_ =	swait.ge [sflag:s1], $0x2000  }
0xd3: {  	[sflag:s1] =	ssyncset.done $0x0  }
0xd4: {  	s5 =	sadd.s32 $0xA400, s3;
	[sflag:s1] =	ssyncadd.s32 $0xFFFFE000  }
0xd5: {  	[tilespmem:s29], [sflag:$0x2] =	stream.indirect.gather [hbm4b:s4+s15], $0x40, s5, s15, $0xb8;
	[tilespmem:$0x1EE00] =	vst v63  }
0xd6: {  	s5 =	sadd.s32 $0xA480, s3  }
0xd7: {  	[tilespmem:s31], [sflag:$0x2] =	stream.indirect.gather [hbm4b:s4+s15], $0x40, s5, s15, $0xb8;
	[tilespmem:$0x1EE00] =	vst v63  }
0xd8: {  	s5 =	sadd.s32 $0xA500, s3  }
0xd9: {  	[tilespmem:s0], [sflag:$0x2] =	stream.indirect.gather [hbm4b:s4+s15], $0x40, s5, s15, $0xb8;
	[tilespmem:$0x1EE00] =	vst v63  }
0xda: {  	s5 =	sadd.s32 $0xA580, s3  }
0xdb: {  	[tilespmem:s25], [sflag:$0x2] =	stream.indirect.gather [hbm4b:s4+s15], $0x40, s5, s15, $0xb8;
	[tilespmem:$0x1EE00] =	vst v63  }
0xdc: {  	_ =	swait.ge [sflag:s26], $0x2000  }
0xdd: {  	[sflag:s26] =	ssyncset.done $0x0  }
0xde: {  	[sflag:s26] =	ssyncadd.s32 $0xFFFFE000  }
0xdf: {  	_ =	swait.ge [sflag:s26], $0x2000  }
0xe0: {  	[sflag:s26] =	ssyncset.done $0x0  }
0xe1: {  	[sflag:s26] =	ssyncadd.s32 $0xFFFFE000  }
0xe2: {  	_ =	swait.ge [sflag:s26], $0x2000  }
0xe3: {  	[sflag:s26] =	ssyncset.done $0x0  }
0xe4: {  	[sflag:s26] =	ssyncadd.s32 $0xFFFFE000  }
0xe5: {  	_ =	swait.ge [sflag:s26], $0x2000  }
0xe6: {  	[sflag:s26] =	ssyncset.done $0x0  }
0xe7: {  	s5 =	sadd.s32 $0xCC00, s3;
	[sflag:s26] =	ssyncadd.s32 $0xFFFFE000  }
0xe8: {  	[spmem:s2] =	stream.indirect.scatter.add.bf16 [tilespmem:s29], [sflag:$0x4], $0x40, s5, s15, $0xb8;
	[tilespmem:$0x1EE00] =	vst v63  }
0xe9: {  	s5 =	sadd.s32 $0xCC80, s3  }
0xea: {  	[spmem:s2] =	stream.indirect.scatter.add.bf16 [tilespmem:s31], [sflag:$0x4], $0x40, s5, s15, $0xb8;
	[tilespmem:$0x1EE00] =	vst v63  }
0xeb: {  	s5 =	sadd.s32 $0xCD00, s3  }
0xec: {  	[spmem:s2] =	stream.indirect.scatter.add.bf16 [tilespmem:s0], [sflag:$0x4], $0x40, s5, s15, $0xb8;
	[tilespmem:$0x1EE00] =	vst v63  }
0xed: {  	s5 =	sadd.s32 $0xCD80, s3  }
0xee: {  	[spmem:s2] =	stream.indirect.scatter.add.bf16 [tilespmem:s25], [sflag:$0x4], $0x40, s5, s15, $0xb8;
	[tilespmem:$0x1EE00] =	vst v63  }
0xef: {  	_ =	swait.ge [sflag:s28], $0x2000  }
0xf0: {  	[sflag:s28] =	ssyncset.done $0x0  }
0xf1: {  	[sflag:s28] =	ssyncadd.s32 $0xFFFFE000  }
0xf2: {  	_ =	swait.ge [sflag:s28], $0x2000  }
0xf3: {  	[sflag:s28] =	ssyncset.done $0x0  }
0xf4: {  	[sflag:s28] =	ssyncadd.s32 $0xFFFFE000  }
0xf5: {  	_ =	swait.ge [sflag:s28], $0x2000  }
0xf6: {  	[sflag:s28] =	ssyncset.done $0x0  }
0xf7: {  	[sflag:s28] =	ssyncadd.s32 $0xFFFFE000  }
0xf8: {  	_ =	swait.ge [sflag:s28], $0x2000  }
0xf9: {  	[sflag:s28] =	ssyncset.done $0x0  }
0xfa: {  	s5 =	sadd.s32 $0xA600, s3;
	[sflag:s28] =	ssyncadd.s32 $0xFFFFE000  }
0xfb: {  	[tilespmem:s16], [sflag:$0x1] =	stream.indirect.gather [hbm4b:s4+s15], $0x40, s5, s15, $0xb8;
	[tilespmem:$0x1EE00] =	vst v63  }
.Ltmp0:
0xfc: {  	s5 =	sadd.s32 $0xA680, s3;
	(pc) =	sbr.rel @p0 .LBB2_2-.Ltmp0, $4  }
0xfd: {  	[tilespmem:s18], [sflag:$0x1] =	stream.indirect.gather [hbm4b:s4+s15], $0x40, s5, s15, $0xb8;
	[tilespmem:$0x1EE00] =	vst v63  }
0xfe: {  	s5 =	sadd.s32 $0xA700, s3  }
0xff: {  	[tilespmem:s20], [sflag:$0x1] =	stream.indirect.gather [hbm4b:s4+s15], $0x40, s5, s15, $0xb8;
	[tilespmem:$0x1EE00] =	vst v63  }
0x100: {  	s3 =	sadd.s32 $0xA780, s3  }
0x101: {  	[tilespmem:s22], [sflag:$0x1] =	stream.indirect.gather [hbm4b:s4+s15], $0x40, s3, s15, $0xb8;
	[tilespmem:$0x1EE00] =	vst v63  }
0x102: {  	_ =	swait.ge [sflag:s23], $0x2000  }
0x103: {  	[sflag:s23] =	ssyncset.done $0x0  }
0x104: {  	[sflag:s23] =	ssyncadd.s32 $0xFFFFE000  }
0x105: {  	_ =	swait.ge [sflag:s23], $0x2000  }
0x106: {  	[sflag:s23] =	ssyncset.done $0x0  }
0x107: {  	[sflag:s23] =	ssyncadd.s32 $0xFFFFE000  }
0x108: {  	_ =	swait.ge [sflag:s23], $0x2000  }
0x109: {  	[sflag:s23] =	ssyncset.done $0x0  }
0x10a: {  	[sflag:s23] =	ssyncadd.s32 $0xFFFFE000  }
0x10b: {  	_ =	swait.ge [sflag:s23], $0x2000  }
0x10c: {  	[sflag:s23] =	ssyncset.done $0x0  }
0x10d: {  	s5 =	simm.s32 $0xEA00;
	[sflag:s23] =	ssyncadd.s32 $0xFFFFE000  }
0x10e: {  	[spmem:s2] =	stream.indirect.scatter.add.bf16 [tilespmem:s16], [sflag:$0x3], $0x40, s5, s15, $0xb8;
	[tilespmem:$0x1EE00] =	vst v63  }
0x10f: {  	s30 =	simm.s32 $0xEA80  }
0x110: {  	[spmem:s2] =	stream.indirect.scatter.add.bf16 [tilespmem:s18], [sflag:$0x3], $0x40, s30, s15, $0xb8;
	[tilespmem:$0x1EE00] =	vst v63  }
0x111: {  	s5 =	simm.s32 $0xEB00  }
0x112: {  	[spmem:s2] =	stream.indirect.scatter.add.bf16 [tilespmem:s20], [sflag:$0x3], $0x40, s5, s15, $0xb8;
	[tilespmem:$0x1EE00] =	vst v63  }
0x113: {  	s30 =	simm.s32 $0xEB80  }
0x114: {  	[spmem:s2] =	stream.indirect.scatter.add.bf16 [tilespmem:s22], [sflag:$0x3], $0x40, s30, s15, $0xb8;
	[tilespmem:$0x1EE00] =	vst v63  }
0x115: {  	_ =	swait.ge [sflag:s1], $0x2000  }
0x116: {  	[sflag:s1] =	ssyncset.done $0x0  }
0x117: {  	[sflag:s1] =	ssyncadd.s32 $0xFFFFE000  }
0x118: {  	_ =	swait.ge [sflag:s1], $0x2000  }
0x119: {  	[sflag:s1] =	ssyncset.done $0x0  }
0x11a: {  	[sflag:s1] =	ssyncadd.s32 $0xFFFFE000  }
0x11b: {  	_ =	swait.ge [sflag:s1], $0x2000  }
0x11c: {  	[sflag:s1] =	ssyncset.done $0x0  }
0x11d: {  	[sflag:s1] =	ssyncadd.s32 $0xFFFFE000  }
0x11e: {  	_ =	swait.ge [sflag:s1], $0x2000  }
0x11f: {  	[sflag:s1] =	ssyncset.done $0x0  }
0x120: {  	s5 =	simm.s32 $0xC400;
	[sflag:s1] =	ssyncadd.s32 $0xFFFFE000  }
0x121: {  	[tilespmem:s29], [sflag:$0x2] =	stream.indirect.gather [hbm4b:s4+s15], $0x40, s5, s15, $0xb8;
	[tilespmem:$0x1EE00] =	vst v63  }
0x122: {  	s30 =	simm.s32 $0xC480  }
0x123: {  	[tilespmem:s31], [sflag:$0x2] =	stream.indirect.gather [hbm4b:s4+s15], $0x40, s30, s15, $0xb8;
	[tilespmem:$0x1EE00] =	vst v63  }
0x124: {  	s5 =	simm.s32 $0xC500  }
0x125: {  	[tilespmem:s0], [sflag:$0x2] =	stream.indirect.gather [hbm4b:s4+s15], $0x40, s5, s15, $0xb8;
	[tilespmem:$0x1EE00] =	vst v63  }
0x126: {  	s30 =	simm.s32 $0xC580  }
0x127: {  	[tilespmem:s25], [sflag:$0x2] =	stream.indirect.gather [hbm4b:s4+s15], $0x40, s30, s15, $0xb8;
	[tilespmem:$0x1EE00] =	vst v63  }
0x128: {  	_ =	swait.ge [sflag:s26], $0x2000  }
0x129: {  	[sflag:s26] =	ssyncset.done $0x0  }
0x12a: {  	[sflag:s26] =	ssyncadd.s32 $0xFFFFE000  }
0x12b: {  	_ =	swait.ge [sflag:s26], $0x2000  }
0x12c: {  	[sflag:s26] =	ssyncset.done $0x0  }
0x12d: {  	[sflag:s26] =	ssyncadd.s32 $0xFFFFE000  }
0x12e: {  	_ =	swait.ge [sflag:s26], $0x2000  }
0x12f: {  	[sflag:s26] =	ssyncset.done $0x0  }
0x130: {  	[sflag:s26] =	ssyncadd.s32 $0xFFFFE000  }
0x131: {  	_ =	swait.ge [sflag:s26], $0x2000  }
0x132: {  	[sflag:s26] =	ssyncset.done $0x0  }
0x133: {  	s5 =	simm.s32 $0xEC00;
	[sflag:s26] =	ssyncadd.s32 $0xFFFFE000  }
0x134: {  	[spmem:s2] =	stream.indirect.scatter.add.bf16 [tilespmem:s29], [sflag:$0x4], $0x40, s5, s15, $0xb8;
	[tilespmem:$0x1EE00] =	vst v63  }
0x135: {  	s30 =	simm.s32 $0xEC80  }
0x136: {  	[spmem:s2] =	stream.indirect.scatter.add.bf16 [tilespmem:s31], [sflag:$0x4], $0x40, s30, s15, $0xb8;
	[tilespmem:$0x1EE00] =	vst v63  }
0x137: {  	s5 =	simm.s32 $0xED00  }
0x138: {  	[spmem:s2] =	stream.indirect.scatter.add.bf16 [tilespmem:s0], [sflag:$0x4], $0x40, s5, s15, $0xb8;
	[tilespmem:$0x1EE00] =	vst v63  }
0x139: {  	s30 =	simm.s32 $0xED80  }
0x13a: {  	[spmem:s2] =	stream.indirect.scatter.add.bf16 [tilespmem:s25], [sflag:$0x4], $0x40, s30, s15, $0xb8;
	[tilespmem:$0x1EE00] =	vst v63  }
0x13b: {  	_ =	swait.ge [sflag:s28], $0x2000  }
0x13c: {  	[sflag:s28] =	ssyncset.done $0x0  }
0x13d: {  	[sflag:s28] =	ssyncadd.s32 $0xFFFFE000  }
0x13e: {  	_ =	swait.ge [sflag:s28], $0x2000  }
0x13f: {  	[sflag:s28] =	ssyncset.done $0x0  }
0x140: {  	[sflag:s28] =	ssyncadd.s32 $0xFFFFE000  }
0x141: {  	_ =	swait.ge [sflag:s28], $0x2000  }
0x142: {  	[sflag:s28] =	ssyncset.done $0x0  }
0x143: {  	[sflag:s28] =	ssyncadd.s32 $0xFFFFE000  }
0x144: {  	_ =	swait.ge [sflag:s28], $0x2000  }
0x145: {  	[sflag:s28] =	ssyncset.done $0x0  }
0x146: {  	[sflag:s28] =	ssyncadd.s32 $0xFFFFE000  }
0x147: {  	[tilespmem:s16], [sflag:$0x1] =	stream.indirect.gather [hbm4b:s4+s15], $0x40, s13, s15, $0xb8;
	[tilespmem:$0x1EE00] =	vst v63  }
0x148: {  	_ = 	snop  }
0x149: {  	[tilespmem:s18], [sflag:$0x1] =	stream.indirect.gather [hbm4b:s4+s15], $0x40, s17, s15, $0xb8;
	[tilespmem:$0x1EE00] =	vst v63  }
0x14a: {  	_ = 	snop  }
0x14b: {  	[tilespmem:s20], [sflag:$0x1] =	stream.indirect.gather [hbm4b:s4+s15], $0x40, s19, s15, $0xb8;
	[tilespmem:$0x1EE00] =	vst v63  }
0x14c: {  	_ = 	snop  }
0x14d: {  	[tilespmem:s22], [sflag:$0x1] =	stream.indirect.gather [hbm4b:s4+s15], $0x40, s21, s15, $0xb8;
	[tilespmem:$0x1EE00] =	vst v63  }
0x14e: {  	_ =	swait.ge [sflag:s23], $0x2000  }
0x14f: {  	[sflag:s23] =	ssyncset.done $0x0  }
0x150: {  	[sflag:s23] =	ssyncadd.s32 $0xFFFFE000  }
0x151: {  	_ =	swait.ge [sflag:s23], $0x2000  }
0x152: {  	[sflag:s23] =	ssyncset.done $0x0  }
0x153: {  	[sflag:s23] =	ssyncadd.s32 $0xFFFFE000  }
0x154: {  	_ =	swait.ge [sflag:s23], $0x2000  }
0x155: {  	[sflag:s23] =	ssyncset.done $0x0  }
0x156: {  	[sflag:s23] =	ssyncadd.s32 $0xFFFFE000  }
0x157: {  	_ =	swait.ge [sflag:s23], $0x2000  }
0x158: {  	[sflag:s23] =	ssyncset.done $0x0  }
0x159: {  	[sflag:s23] =	ssyncadd.s32 $0xFFFFE000  }
0x15a: {  	_ =	swait.ge [sflag:s1], $0x2000  }
0x15b: {  	[sflag:s1] =	ssyncset.done $0x0  }
0x15c: {  	[sflag:s1] =	ssyncadd.s32 $0xFFFFE000  }
0x15d: {  	_ =	swait.ge [sflag:s1], $0x2000  }
0x15e: {  	[sflag:s1] =	ssyncset.done $0x0  }
0x15f: {  	[sflag:s1] =	ssyncadd.s32 $0xFFFFE000  }
0x160: {  	_ =	swait.ge [sflag:s1], $0x2000  }
0x161: {  	[sflag:s1] =	ssyncset.done $0x0  }
0x162: {  	[sflag:s1] =	ssyncadd.s32 $0xFFFFE000  }
0x163: {  	_ =	swait.ge [sflag:s1], $0x2000  }
0x164: {  	s24 =	sadd.s32 $0x1, s24;
	[sflag:s1] =	ssyncset.done $0x0  }
0x165: {  	p0 =	sne.s32 s24, s10;
	[sflag:s1] =	ssyncadd.s32 $0xFFFFE000  }
.Ltmp1:
0x166: {  	[bflag:$0x0] =	sbarrier.arrive $0xFFFF;
	(pc) =	sbr.rel @p0 .LBB2_1-.Ltmp1, $4  }
0x167: {  	[hbm:s9], [sflag:s6] =	dma.local [spmem:s11], $0x13C0  }
0x168: {  	_ =	swait.ge [sflag:s12], $0x13C0  }
0x169: {  	[sflag:s12] =	ssyncset.done $0x0  }
0x16a: {  	[sflag:s12] =	ssyncadd.s32 $0xFFFFEC40  }
0x16b: {  	_ =	sfence.sel $0x180000  }
0x16c: {  	[bflag:$0x0] =	sbarrier.arrive $0xFFFF  }
0x16d: {  	_ =	strace $0x9000004A  }
0x16e: {  	s0 =	stileid.u32;
	[bflag:$0x2] =	sbarrier.arrive $0xFFFF  }
0x16f: {  	p0 =	sne.s32 s0, $0x0;
	s0 =	rddreg [dreg:$0x2]  }
0x170: {  	s0 =	sadd.s32 @!p0 $0x100000, s0  }
0x171: {  	[sflag:s0] =	ssyncadd.tile.s32 @!p0 $0x1;
	_ =	shalt  }
.Lfunc_end2:
_tile_overlayer_lowered:
.L_overlay_start_2:
0x172: {  	(tag) =	ssettag $0x2  }
0x173: {  	s0 =	rddreg [dreg:$0x0];
	s2 =	stileid.u32  }
0x174: {  	s1 =	rddreg [dreg:$0x1];
	p0 =	sne.s32 s2, $0x0  }
0x175: {  	s3 =	rddreg [dreg:$0x2];
	[bflag:$0x3] =	sbarrier.arrive $0xFFFF;
	s2 =	simm.s32 @!p0 $0x1C05  }
0x176: {  	[timem:s3], [sflag:s2] =	dma.local @!p0 [hbm:s0], s1  }
0x177: {  	s0 =	simm.s32 @!p0 $0x5  }
0x178: {  	_ =	swait.ge @!p0 [sflag:s0], s1  }
0x179: {  	s1 =	ssub.s32 @!p0 $0x0, s1;
	[sflag:s0] =	ssyncset.done @!p0 $0x0  }
0x17a: {  	[sflag:s0] =	ssyncadd.s32 @!p0 s1  }
0x17b: {  	[bflag:$0x3] =	sbarrier.arrive $0xFFFF  }
0x17c: {  	_ =	shalt  }

</sc_bundles>
